<compile_context>
chip_gen: v7x
topology: tpu7x:2x2x1
jax: 0.10.2.dev20260603
libtpu: 0.0.44.dev20260713+nightly
codegen_flags: <defaults>
</compile_context>

<pallas_src>
import functools

import jax
import jax.numpy as jnp
from jax import lax
from jax.experimental import pallas as pl
from jax.experimental.pallas import tpu as pltpu
from jax.experimental.pallas import tpu_sc as plsc

HC = 128
H = 8
C = 16
LANES = 16

NUM_CORES = 2
NUM_SUBCORES = 16
NUM_WORKERS = NUM_CORES * NUM_SUBCORES

EDGE_CHUNK = 32



def _proj_body(x_ref, wq_ref, bq_ref, wk_ref, bk_ref, wv_ref, bv_ref,
               ws_ref, bs_ref, q_ref, k_ref, v_ref, skip_ref):
    xb = x_ref[...]
    q_ref[...] = jnp.dot(xb, wq_ref[...],
                         preferred_element_type=jnp.float32) + bq_ref[...]
    k_ref[...] = jnp.dot(xb, wk_ref[...],
                         preferred_element_type=jnp.float32) + bk_ref[...]
    v_ref[...] = jnp.dot(xb, wv_ref[...],
                         preferred_element_type=jnp.float32) + bv_ref[...]
    skip_ref[...] = jnp.dot(xb, ws_ref[...],
                            preferred_element_type=jnp.float32) + bs_ref[...]


def _projections(x, Wq, bq, Wk, bk, Wv, bv, Wskip, bskip, block_n):
    n, d = x.shape
    grid = (n // block_n,)
    w_spec = pl.BlockSpec((d, HC), lambda i: (0, 0))
    b_spec = pl.BlockSpec((HC,), lambda i: (0,))
    o_spec = pl.BlockSpec((block_n, HC), lambda i: (i, 0))
    o_shape = jax.ShapeDtypeStruct((n, HC), jnp.float32)
    return pl.pallas_call(
        _proj_body,
        grid=grid,
        in_specs=[
            pl.BlockSpec((block_n, d), lambda i: (i, 0)),
            w_spec, b_spec, w_spec, b_spec, w_spec, b_spec, w_spec, b_spec,
        ],
        out_specs=[o_spec, o_spec, o_spec, o_spec],
        out_shape=[o_shape, o_shape, o_shape, o_shape],
    )(x, Wq, bq, Wk, bk, Wv, bv, Wskip, bskip)



def _edge_mm_body(ea_ref, we_ref, e_ref):
    e_ref[...] = jnp.dot(ea_ref[...], we_ref[...],
                         preferred_element_type=jnp.float32)


def _edge_mm(edge_attr, We, block_e):
    e_total, d = edge_attr.shape
    grid = (e_total // block_e,)
    return pl.pallas_call(
        _edge_mm_body,
        grid=grid,
        in_specs=[
            pl.BlockSpec((block_e, d), lambda i: (i, 0)),
            pl.BlockSpec((d, HC), lambda i: (0, 0)),
        ],
        out_specs=pl.BlockSpec((block_e, HC), lambda i: (i, 0)),
        out_shape=jax.ShapeDtypeStruct((e_total, HC), jnp.float32),
    )(edge_attr, We)



def _make_sc_kernel(n_pad, n_edges):
    edges_per_worker = n_edges // NUM_WORKERS
    ec = EDGE_CHUNK
    n_chunks = edges_per_worker // ec
    tail = edges_per_worker - n_chunks * ec
    assert tail % C == 0 and tail < ec
    rows_per_tile = n_pad // NUM_SUBCORES
    assert rows_per_tile % ec == 0
    n_pk = n_pad // 8
    pk_per_tile = n_pk // NUM_SUBCORES
    assert pk_per_tile % LANES == 0

    mesh = plsc.VectorSubcoreMesh(core_axis_name="c", subcore_axis_name="s")

    @functools.partial(
        pl.kernel,
        mesh=mesh,
        out_type=[
            jax.ShapeDtypeStruct((NUM_CORES, n_pad, HC), jnp.float32),
            jax.ShapeDtypeStruct((NUM_CORES, n_pk, HC), jnp.float32),
        ],
        scratch_types=[
            pltpu.VMEM((ec,), jnp.int32),
            pltpu.VMEM((ec,), jnp.int32),
            pltpu.VMEM((ec,), jnp.int32),
            pltpu.VMEM((tail,), jnp.int32),
            pltpu.VMEM((tail,), jnp.int32),
            pltpu.VMEM((tail,), jnp.int32),
            pltpu.VMEM((8 * 3 * ec,), jnp.int32),
            pltpu.VMEM((3 * tail,), jnp.int32),
            pltpu.VMEM((ec, HC), jnp.float32),
            pltpu.VMEM((ec, HC), jnp.float32),
            pltpu.VMEM((ec, HC), jnp.float32),
            pltpu.VMEM((ec, HC), jnp.float32),
            pltpu.VMEM((ec, HC), jnp.float32),
            pltpu.VMEM((ec,), jnp.int32),
            pltpu.VMEM((LANES,), jnp.int32),
            pltpu.VMEM_SHARED((n_pad, HC), jnp.float32),
            pltpu.VMEM_SHARED((n_pk, HC), jnp.float32),
            pltpu.SemaphoreType.DMA,
            pltpu.SemaphoreType.DMA,
            pltpu.SemaphoreType.DMA,
            pltpu.SemaphoreType.DMA,
            pltpu.SemaphoreType.DMA,
        ],
        compiler_params=pltpu.CompilerParams(needs_layout_passes=False),
    )
    def sc_kernel(idx3_hbm, idx3t_hbm, q_hbm, k_hbm, v_hbm, e_hbm,
                  num_out, den_out,
                  srcb, dstb, dstb8, srcb_t, dstb_t, dstb8_t, iall, ialt,
                  qb, kb, vb, eb, denb,
                  idxb, idxb16, num_acc, den_acc, sem0, sem1, sem2, sem3, sem4):
        cid = lax.axis_index("c")
        sid = lax.axis_index("s")
        wid = cid * NUM_SUBCORES + sid

        lane_iota = lax.iota(jnp.int32, LANES)
        zero16 = jnp.zeros((LANES,), jnp.float32)

        def zero_buf(i, _):
            r = i // 8
            col = (i % 8) * LANES
            eb[r, pl.ds(col, LANES)] = zero16
            denb[r, pl.ds(col, LANES)] = zero16
            return 0
        lax.fori_loop(0, ec * 8, zero_buf, 0)

        tile_base = sid * rows_per_tile
        pk_base = sid * pk_per_tile

        def set_idx_rows(row0, n):
            for g in range(n // LANES):
                idxb[pl.ds(g * LANES, LANES)] = row0 + g * LANES + lane_iota

        def zero_num(j, _):
            set_idx_rows(tile_base + j * ec, ec)
            pltpu.sync_copy(eb, num_acc.at[idxb])
            return 0
        lax.fori_loop(0, rows_per_tile // ec, zero_num, 0)

        def zero_den(j, _):
            idxb16[...] = pk_base + j * LANES + lane_iota
            pltpu.sync_copy(eb.at[pl.ds(0, LANES), :], den_acc.at[idxb16])
            return 0
        lax.fori_loop(0, pk_per_tile // LANES, zero_den, 0)

        plsc.subcore_barrier()

        inv_sqrt_c = 1.0 / (C ** 0.5)

        def compute_groups(n_groups, dref):
            def hg_body(t, _):
                g = t // H
                h = t % H
                rows = g * C + lane_iota
                colb = h * C
                dstv = plsc.load_gather(dref, [rows])
                dencol = ((dstv & 7) << 4) + h
                acc = jnp.zeros((LANES,), jnp.float32)
                evs = []
                for c in range(C):
                    colv = jnp.full((LANES,), colb + c, jnp.int32)
                    qv = plsc.load_gather(qb, [rows, colv])
                    kv = plsc.load_gather(kb, [rows, colv])
                    ev = plsc.load_gather(eb, [rows, colv])
                    evs.append(ev)
                    acc = acc + qv * (kv + ev)
                ex = jnp.exp(acc * inv_sqrt_c)
                plsc.store_scatter(denb, [rows, dencol], ex)
                for c in range(C):
                    colv = jnp.full((LANES,), colb + c, jnp.int32)
                    vv = plsc.load_gather(vb, [rows, colv])
                    plsc.store_scatter(eb, [rows, colv], (vv + evs[c]) * ex)
                return 0
            lax.fori_loop(0, n_groups * H, hg_body, 0)

        def clear_den_rows(n_groups, dref):
            def cl_body(t, _):
                g = t // H
                h = t % H
                rows = g * C + lane_iota
                dstv = plsc.load_gather(dref, [rows])
                dencol = ((dstv & 7) << 4) + h
                plsc.store_scatter(denb, [rows, dencol], zero16)
                return 0
            lax.fori_loop(0, n_groups * H, cl_body, 0)

        def chunk_body(ci, _):
            base = wid * edges_per_worker + ci * ec

            @pl.when(ci % 8 == 0)
            def _():
                i0 = (wid * n_chunks + ci) * (3 * ec)
                pltpu.sync_copy(idx3_hbm.at[pl.ds(i0, 8 * 3 * ec)], iall)

            offs = (ci % 8) * (3 * ec)
            for part, dref in ((0, srcb), (1, dstb), (2, dstb8)):
                for g in range(ec // LANES):
                    dref[pl.ds(g * LANES, LANES)] = (
                        iall[pl.ds(offs + part * ec + g * LANES, LANES)])
            cp_k = pltpu.async_copy(k_hbm.at[srcb], kb, sem0)
            cp_v = pltpu.async_copy(v_hbm.at[srcb], vb, sem1)
            cp_q = pltpu.async_copy(q_hbm.at[dstb], qb, sem2)
            cp_e = pltpu.async_copy(e_hbm.at[pl.ds(base, ec)], eb, sem3)
            cp_k.wait()
            cp_v.wait()
            cp_q.wait()
            cp_e.wait()

            compute_groups(ec // C, dstb)

            cpn = pltpu.async_copy(eb, num_acc.at[dstb], sem4, add=True)
            pltpu.sync_copy(denb, den_acc.at[dstb8], add=True)
            cpn.wait()
            clear_den_rows(ec // C, dstb)
            return 0
        lax.fori_loop(0, n_chunks, chunk_body, 0)

        if tail:
            base = wid * edges_per_worker + n_chunks * ec
            pltpu.sync_copy(idx3t_hbm.at[pl.ds(wid * 3 * tail, 3 * tail)],
                            ialt)
            for part, dref in ((0, srcb_t), (1, dstb_t), (2, dstb8_t)):
                for g in range(tail // LANES):
                    dref[pl.ds(g * LANES, LANES)] = (
                        ialt[pl.ds(part * tail + g * LANES, LANES)])
            cp_k = pltpu.async_copy(k_hbm.at[srcb_t],
                                    kb.at[pl.ds(0, tail), :], sem0)
            cp_v = pltpu.async_copy(v_hbm.at[srcb_t],
                                    vb.at[pl.ds(0, tail), :], sem1)
            cp_q = pltpu.async_copy(q_hbm.at[dstb_t],
                                    qb.at[pl.ds(0, tail), :], sem2)
            cp_e = pltpu.async_copy(e_hbm.at[pl.ds(base, tail)],
                                    eb.at[pl.ds(0, tail), :], sem3)
            cp_k.wait()
            cp_v.wait()
            cp_q.wait()
            cp_e.wait()
            compute_groups(tail // C, dstb_t)
            cpn = pltpu.async_copy(eb.at[pl.ds(0, tail), :],
                                   num_acc.at[dstb_t], sem4, add=True)
            pltpu.sync_copy(denb.at[pl.ds(0, tail), :],
                            den_acc.at[dstb8_t], add=True)
            cpn.wait()
            clear_den_rows(tail // C, dstb_t)

        plsc.subcore_barrier()

        def flush_num(j, _):
            row0 = tile_base + j * ec
            set_idx_rows(row0, ec)
            pltpu.sync_copy(num_acc.at[idxb], eb)
            pltpu.sync_copy(eb, num_out.at[cid, pl.ds(row0, ec), :])
            return 0
        lax.fori_loop(0, rows_per_tile // ec, flush_num, 0)

        def flush_den(j, _):
            row0 = pk_base + j * LANES
            idxb16[...] = row0 + lane_iota
            pltpu.sync_copy(den_acc.at[idxb16], denb.at[pl.ds(0, LANES), :])
            row0a = pl.multiple_of(row0, LANES)
            pltpu.sync_copy(denb.at[pl.ds(0, LANES), :],
                            den_out.at[cid, pl.ds(row0a, LANES), :])
            return 0
        lax.fori_loop(0, pk_per_tile // LANES, flush_den, 0)

    return sc_kernel



def _combine_body(num_ref, den_ref, skip_ref, out_ref):
    num = num_ref[0] + num_ref[1]
    den = den_ref[...]
    parts = []
    for h in range(H):
        d = den[:, h:h + 1] + 1e-16
        parts.append(num[:, h * C:(h + 1) * C] / d)
    out_ref[...] = skip_ref[...] + jnp.concatenate(parts, axis=1)


def _combine(num, den, skip, block_n):
    n = skip.shape[0]
    grid = (n // block_n,)
    return pl.pallas_call(
        _combine_body,
        grid=grid,
        in_specs=[
            pl.BlockSpec((NUM_CORES, block_n, HC), lambda i: (0, i, 0)),
            pl.BlockSpec((block_n, LANES), lambda i: (i, 0)),
            pl.BlockSpec((block_n, HC), lambda i: (i, 0)),
        ],
        out_specs=pl.BlockSpec((block_n, HC), lambda i: (i, 0)),
        out_shape=jax.ShapeDtypeStruct((n, HC), jnp.float32),
    )(num, den, skip)



def kernel(x, edge_index, edge_attr, Wq, bq, Wk, bk, Wv, bv, We, Wskip, bskip):
    n_nodes = x.shape[0]
    n_edges = edge_attr.shape[0]
    n_pad = ((n_nodes + 2047) // 2048) * 2048

    x_p = jnp.pad(x, ((0, n_pad - n_nodes), (0, 0)))
    q, k, v, skip = _projections(x_p, Wq, bq, Wk, bk, Wv, bv, Wskip, bskip,
                                 block_n=2048)
    e = _edge_mm(edge_attr, We, block_e=2560)

    src = edge_index[0]
    dst = edge_index[1]
    dst8 = jax.lax.shift_right_logical(dst, 3)
    epw = n_edges // NUM_WORKERS
    nch = epw // EDGE_CHUNK
    tl = epw - nch * EDGE_CHUNK
    def per_worker(a):
        return a.reshape(NUM_WORKERS, epw)
    sw, dw, d8w = per_worker(src), per_worker(dst), per_worker(dst8)
    main = jnp.stack([
        sw[:, :nch * EDGE_CHUNK].reshape(NUM_WORKERS, nch, EDGE_CHUNK),
        dw[:, :nch * EDGE_CHUNK].reshape(NUM_WORKERS, nch, EDGE_CHUNK),
        d8w[:, :nch * EDGE_CHUNK].reshape(NUM_WORKERS, nch, EDGE_CHUNK),
    ], axis=2).reshape(-1)
    tail3 = jnp.stack([sw[:, nch * EDGE_CHUNK:],
                       dw[:, nch * EDGE_CHUNK:],
                       d8w[:, nch * EDGE_CHUNK:]], axis=1).reshape(-1)
    sc = _make_sc_kernel(n_pad, n_edges)
    num, den_pk = sc(main, tail3, q, k, v, e)
    den = (den_pk[0] + den_pk[1]).reshape(n_pad, LANES)

    return _combine(num, den, skip, block_n=2048)[:n_nodes]

# --- scband reference (transcript-rebuilt; emitter-appended) ---
"""Pipeline reference for scband-graph-transformer-layer-63814624084399 (READ-ONLY COPY).

The authoritative reference and input builder live on the scoring server;
editing this copy changes nothing except your own understanding.
"""

import jax, jax.numpy as jnp
import numpy as np

N = 10000
E = 320000
D = 128
H = 8
C = 16  # out_channels // num_heads


def setup_inputs(seed: int = 0) -> dict:
    key = jax.random.key(seed)
    ks = jax.random.split(key, 12)
    x = jax.random.normal(ks[0], (N, D), dtype=jnp.float32)
    edge_index = jax.random.randint(ks[1], (2, E), 0, N, dtype=jnp.int32)
    edge_attr = jax.random.normal(ks[2], (E, D), dtype=jnp.float32)
    s = 1.0 / np.sqrt(D)
    Wq = jax.random.normal(ks[3], (D, H * C), dtype=jnp.float32) * s
    bq = jnp.zeros((H * C,), dtype=jnp.float32)
    Wk = jax.random.normal(ks[4], (D, H * C), dtype=jnp.float32) * s
    bk = jnp.zeros((H * C,), dtype=jnp.float32)
    Wv = jax.random.normal(ks[5], (D, H * C), dtype=jnp.float32) * s
    bv = jnp.zeros((H * C,), dtype=jnp.float32)
    We = jax.random.normal(ks[6], (D, H * C), dtype=jnp.float32) * s  # lin_edge, no bias
    Wskip = jax.random.normal(ks[7], (D, H * C), dtype=jnp.float32) * s
    bskip = jnp.zeros((H * C,), dtype=jnp.float32)
    return {"x": x, "edge_index": edge_index, "edge_attr": edge_attr,
            "Wq": Wq, "bq": bq, "Wk": Wk, "bk": bk, "Wv": Wv, "bv": bv,
            "We": We, "Wskip": Wskip, "bskip": bskip}


def reference(x, edge_index, edge_attr, Wq, bq, Wk, bk, Wv, bv, We, Wskip, bskip):
    # TransformerConv (PyG semantics): x_i = x[dst], x_j = x[src]
    src = edge_index[0]
    dst = edge_index[1]
    q = (x @ Wq + bq).reshape(N, H, C)
    k = (x @ Wk + bk).reshape(N, H, C)
    v = (x @ Wv + bv).reshape(N, H, C)
    e = (edge_attr @ We).reshape(E, H, C)
    k_j = k[src] + e                              # [E, H, C]
    q_i = q[dst]                                  # [E, H, C]
    alpha = jnp.sum(q_i * k_j, axis=-1) / jnp.sqrt(float(C))  # [E, H]
    # numerically stable segment softmax over incoming edges per dst node
    amax = jax.ops.segment_max(alpha, dst, num_segments=N)    # [N, H]
    amax = jnp.where(jnp.isfinite(amax), amax, 0.0)
    ex = jnp.exp(alpha - amax[dst])               # [E, H]
    denom = jax.ops.segment_sum(ex, dst, num_segments=N)      # [N, H]
    attn = ex / (denom[dst] + 1e-16)              # [E, H]
    msg = (v[src] + e) * attn[..., None]          # [E, H, C]
    out = jax.ops.segment_sum(msg, dst, num_segments=N)       # [N, H, C]
    out = out.reshape(N, H * C)
    # root/skip connection (root_weight=True, beta=False defaults)
    out = out + (x @ Wskip + bskip)
    return out

if __name__ == "__main__":
    import jax
    _d = setup_inputs()
    print(jax.jit(kernel)(*tuple(_d.values())))

</pallas_src>

<mosaic_0001>
#map = affine_map<(d0, d1) -> (0)>
#map1 = affine_map<(d0, d1) -> (0, 0)>
#map2 = affine_map<(d0, d1) -> (0, 0, 0)>
module attributes {stable_mosaic.version = 14 : i64} {
  func.func @sc_kernel(%arg0: i32, %arg1: i32, %arg2: memref<958464xi32, #tpu.memory_space<hbm>>, %arg3: memref<1536xi32, #tpu.memory_space<hbm>>, %arg4: memref<10240x128xf32, #tpu.memory_space<hbm>>, %arg5: memref<10240x128xf32, #tpu.memory_space<hbm>>, %arg6: memref<10240x128xf32, #tpu.memory_space<hbm>>, %arg7: memref<320000x128xf32, #tpu.memory_space<hbm>>, %arg8: memref<2x10240x128xf32, #tpu.memory_space<hbm>>, %arg9: memref<2x1280x128xf32, #tpu.memory_space<hbm>>, %arg10: memref<32xi32, #tpu.memory_space<vmem>>, %arg11: memref<32xi32, #tpu.memory_space<vmem>>, %arg12: memref<32xi32, #tpu.memory_space<vmem>>, %arg13: memref<16xi32, #tpu.memory_space<vmem>>, %arg14: memref<16xi32, #tpu.memory_space<vmem>>, %arg15: memref<16xi32, #tpu.memory_space<vmem>>, %arg16: memref<768xi32, #tpu.memory_space<vmem>>, %arg17: memref<48xi32, #tpu.memory_space<vmem>>, %arg18: memref<32x128xf32, #tpu.memory_space<vmem>>, %arg19: memref<32x128xf32, #tpu.memory_space<vmem>>, %arg20: memref<32x128xf32, #tpu.memory_space<vmem>>, %arg21: memref<32x128xf32, #tpu.memory_space<vmem>>, %arg22: memref<32x128xf32, #tpu.memory_space<vmem>>, %arg23: memref<32xi32, #tpu.memory_space<vmem>>, %arg24: memref<16xi32, #tpu.memory_space<vmem>>, %arg25: memref<10240x128xf32, #tpu.memory_space<vmem_shared>>, %arg26: memref<1280x128xf32, #tpu.memory_space<vmem_shared>>, %arg27: memref<!tpu.dma_semaphore, #tpu.memory_space<semaphore_mem>>, %arg28: memref<!tpu.dma_semaphore, #tpu.memory_space<semaphore_mem>>, %arg29: memref<!tpu.dma_semaphore, #tpu.memory_space<semaphore_mem>>, %arg30: memref<!tpu.dma_semaphore, #tpu.memory_space<semaphore_mem>>, %arg31: memref<!tpu.dma_semaphore, #tpu.memory_space<semaphore_mem>>) attributes {dimension_semantics = [#tpu.dimension_semantics<core_parallel>, #tpu.dimension_semantics<subcore_parallel>], iteration_bounds = array<i64: 2, 16>, scalar_prefetch = 0 : i64, scratch_operands = 22 : i64, tpu.core_type = #tpu.core_type<sc_vector_subcore>, window_params = [{transform_indices = #map}, {transform_indices = #map}, {transform_indices = #map1}, {transform_indices = #map1}, {transform_indices = #map1}, {transform_indices = #map1}, {transform_indices = #map2}, {transform_indices = #map2}]} {
    %mul3A = arith.constant 16 : i32
    %mul3A_0 = arith.muli %arg0, %mul3A : i32
    %add3A = arith.addi %mul3A_0, %arg1 : i32
    %iota3A = tpu.iota {dimensions = array<i32: 0>} : vector<16xi32>
    %broadcast_in_dim3A = arith.constant 0.000000e+00 : f32
    %broadcast_in_dim3A_1 = vector.broadcast %broadcast_in_dim3A : f32 to vector<16xf32>
    %scan3A = arith.constant 0 : i32
    %scan3A_2 = arith.constant 0 : i32
    %scan3A_3 = arith.constant 256 : i32
    %scan3A_4 = arith.addi %scan3A_2, %scan3A_3 : i32
    %scan3A_5 = arith.constant 1 : i32
    %scan3A_6 = scf.for %scan3A_146 = %scan3A_2 to %scan3A_4 step %scan3A_5 iter_args(%scan3A_147 = %scan3A) -> (i32)  : i32 {
      %jit3A = arith.constant 8 : i32
      %div3A = arith.divsi %scan3A_146, %jit3A : i32
      %sign3A = arith.constant 0 : i32
      %sign3A_148 = arith.cmpi sgt, %scan3A_146, %sign3A : i32
      %sign3A_149 = arith.extui %sign3A_148 : i1 to i32
      %sign3A_150 = arith.constant 0 : i32
      %sign3A_151 = arith.cmpi slt, %scan3A_146, %sign3A_150 : i32
      %sign3A_152 = arith.extui %sign3A_151 : i1 to i32
      %sign3A_153 = arith.subi %sign3A_149, %sign3A_152 : i32
      %sign3A_154 = arith.constant 0 : i32
      %sign3A_155 = arith.cmpi sgt, %jit3A, %sign3A_154 : i32
      %sign3A_156 = arith.extui %sign3A_155 : i1 to i32
      %sign3A_157 = arith.constant 0 : i32
      %sign3A_158 = arith.cmpi slt, %jit3A, %sign3A_157 : i32
      %sign3A_159 = arith.extui %sign3A_158 : i1 to i32
      %sign3A_160 = arith.subi %sign3A_156, %sign3A_159 : i32
      %ne3A = arith.cmpi ne, %sign3A_153, %sign3A_160 : i32
      %rem3A = arith.remsi %scan3A_146, %jit3A : i32
      %ne3A_161 = arith.constant 0 : i32
      %ne3A_162 = arith.cmpi ne, %rem3A, %ne3A_161 : i32
      %and3A = arith.andi %ne3A, %ne3A_162 : i1
      %sub3A = arith.constant 1 : i32
      %sub3A_163 = arith.subi %div3A, %sub3A : i32
      %select_n3A = arith.select %and3A, %sub3A_163, %div3A : i32
      %jit3A_164 = arith.constant 8 : i32
      %eq3A = arith.constant 0 : i32
      %eq3A_165 = arith.cmpi eq, %jit3A_164, %eq3A : i32
      %jit3A_166 = arith.constant 1 : i32
      %select_n3A_167 = arith.select %eq3A_165, %jit3A_166, %jit3A_164 : i32
      %rem3A_168 = arith.remsi %scan3A_146, %select_n3A_167 : i32
      %ne3A_169 = arith.constant 0 : i32
      %ne3A_170 = arith.cmpi ne, %rem3A_168, %ne3A_169 : i32
      %lt3A = arith.constant 0 : i32
      %lt3A_171 = arith.cmpi slt, %rem3A_168, %lt3A : i32
      %lt3A_172 = arith.constant 0 : i32
      %lt3A_173 = arith.cmpi slt, %select_n3A_167, %lt3A_172 : i32
      %ne3A_174 = arith.xori %lt3A_171, %lt3A_173 : i1
      %and3A_175 = arith.andi %ne3A_174, %ne3A_170 : i1
      %add3A_176 = arith.addi %rem3A_168, %select_n3A_167 : i32
      %select_n3A_177 = arith.select %and3A_175, %add3A_176, %rem3A_168 : i32
      %mul3A_178 = arith.constant 16 : i32
      %mul3A_179 = arith.muli %select_n3A_177, %mul3A_178 : i32
      %swap3A_180 = arith.index_cast %select_n3A : i32 to index
      %swap3A_181 = arith.index_cast %mul3A_179 : i32 to index
      %swap3A_182 = tpu.vector_load %arg21[%swap3A_180, %swap3A_181] {strides = array<i32>} : memref<32x128xf32, #tpu.memory_space<vmem>>, vector<16xf32>,
      tpu.vector_store %arg21[%swap3A_180, %swap3A_181], %broadcast_in_dim3A_1 {strides = array<i32>} : memref<32x128xf32, #tpu.memory_space<vmem>>, vector<16xf32>,
      %swap3A_183 = arith.index_cast %select_n3A : i32 to index
      %swap3A_184 = arith.index_cast %mul3A_179 : i32 to index
      %swap3A_185 = tpu.vector_load %arg22[%swap3A_183, %swap3A_184] {strides = array<i32>} : memref<32x128xf32, #tpu.memory_space<vmem>>, vector<16xf32>,
      tpu.vector_store %arg22[%swap3A_183, %swap3A_184], %broadcast_in_dim3A_1 {strides = array<i32>} : memref<32x128xf32, #tpu.memory_space<vmem>>, vector<16xf32>,
      %scan3A_186 = arith.constant 0 : i32
      scf.yield %scan3A_186 : i32
    }
    %scan3A_7 = arith.constant 256 : i32
    %mul3A_8 = arith.constant 640 : i32
    %mul3A_9 = arith.muli %arg1, %mul3A_8 : i32
    %mul3A_10 = arith.constant 80 : i32
    %mul3A_11 = arith.muli %arg1, %mul3A_10 : i32
    %scan3A_12 = arith.constant 0 : i32
    %scan3A_13 = arith.constant 0 : i32
    %scan3A_14 = arith.constant 20 : i32
    %scan3A_15 = arith.addi %scan3A_13, %scan3A_14 : i32
    %scan3A_16 = arith.constant 1 : i32
    %scan3A_17 = scf.for %scan3A_146 = %scan3A_13 to %scan3A_15 step %scan3A_16 iter_args(%scan3A_147 = %scan3A_12) -> (i32)  : i32 {
      %mul3A_148 = arith.constant 32 : i32
      %mul3A_149 = arith.muli %scan3A_146, %mul3A_148 : i32
      %add3A_150 = arith.addi %mul3A_9, %mul3A_149 : i32
      %add3A_151 = arith.constant 0 : i32
      %add3A_152 = arith.addi %add3A_150, %add3A_151 : i32
      %add3A_153 = vector.broadcast %add3A_152 : i32 to vector<16xi32>
      %add3A_154 = arith.addi %add3A_153, %iota3A : vector<16xi32>
      %swap3A_155 = arith.constant 0 : index
      %swap3A_156 = tpu.vector_load %arg23[%swap3A_155] {strides = array<i32>} : memref<32xi32, #tpu.memory_space<vmem>>, vector<16xi32>,
      tpu.vector_store %arg23[%swap3A_155], %add3A_154 {strides = array<i32>} : memref<32xi32, #tpu.memory_space<vmem>>, vector<16xi32>,
      %add3A_157 = arith.constant 16 : i32
      %add3A_158 = arith.addi %add3A_150, %add3A_157 : i32
      %add3A_159 = vector.broadcast %add3A_158 : i32 to vector<16xi32>
      %add3A_160 = arith.addi %add3A_159, %iota3A : vector<16xi32>
      %swap3A_161 = arith.constant 16 : index
      %swap3A_162 = tpu.vector_load %arg23[%swap3A_161] {strides = array<i32>} : memref<32xi32, #tpu.memory_space<vmem>>, vector<16xi32>,
      tpu.vector_store %arg23[%swap3A_161], %add3A_160 {strides = array<i32>} : memref<32xi32, #tpu.memory_space<vmem>>, vector<16xi32>,
      "tpu.region"() ({
        %run_scoped3A = tpu.sem_alloc : memref<!tpu.dma_semaphore, #tpu.memory_space<semaphore_mem>>
        %dma_start3A_164 = arith.constant 0 : i32
        %dma_start3A_165 = arith.constant 0 : i32
        %dma_start3A_166 = tpu.memref_slice %arg25[%dma_start3A_164, %dma_start3A_165] : memref<10240x128xf32, #tpu.memory_space<vmem_shared>> -> memref<10240x128xf32, #tpu.memory_space<vmem_shared>>
        tpu.enqueue_indirect_dma source(%arg21 : memref<32x128xf32, #tpu.memory_space<vmem>>) target(%dma_start3A_166 : memref<10240x128xf32, #tpu.memory_space<vmem_shared>>) offsets(%arg23 : memref<32xi32, #tpu.memory_space<vmem>>) semaphore(%run_scoped3A : memref<!tpu.dma_semaphore, #tpu.memory_space<semaphore_mem>>)
        %dma_wait3A_167 = arith.constant 0 : i32
        %dma_wait3A_168 = arith.constant 0 : i32
        %dma_wait3A_169 = tpu.memref_slice %arg25[%dma_wait3A_167, %dma_wait3A_168] : memref<10240x128xf32, #tpu.memory_space<vmem_shared>> -> memref<10240x128xf32, #tpu.memory_space<vmem_shared>>
        tpu.wait_indirect_dma semaphore(%run_scoped3A : memref<!tpu.dma_semaphore, #tpu.memory_space<semaphore_mem>>) src(%arg21 : memref<32x128xf32, #tpu.memory_space<vmem>>) dst(%dma_wait3A_169 : memref<10240x128xf32, #tpu.memory_space<vmem_shared>>)
        tpu.yield
      }) : () -> ()
      %scan3A_163 = arith.constant 0 : i32
      scf.yield %scan3A_163 : i32
    }
    %scan3A_18 = arith.constant 20 : i32
    %scan3A_19 = arith.constant 0 : i32
    %scan3A_20 = arith.constant 0 : i32
    %scan3A_21 = arith.constant 5 : i32
    %scan3A_22 = arith.addi %scan3A_20, %scan3A_21 : i32
    %scan3A_23 = arith.constant 1 : i32
    %scan3A_24 = scf.for %scan3A_146 = %scan3A_20 to %scan3A_22 step %scan3A_23 iter_args(%scan3A_147 = %scan3A_19) -> (i32)  : i32 {
      %mul3A_148 = arith.constant 16 : i32
      %mul3A_149 = arith.muli %scan3A_146, %mul3A_148 : i32
      %add3A_150 = arith.addi %mul3A_11, %mul3A_149 : i32
      %add3A_151 = vector.broadcast %add3A_150 : i32 to vector<16xi32>
      %add3A_152 = arith.addi %add3A_151, %iota3A : vector<16xi32>
      %swap3A_153 = arith.constant 0 : index
      %swap3A_154 = tpu.vector_load %arg24[%swap3A_153] {strides = array<i32>} : memref<16xi32, #tpu.memory_space<vmem>>, vector<16xi32>,
      tpu.vector_store %arg24[%swap3A_153], %add3A_152 {strides = array<i32>} : memref<16xi32, #tpu.memory_space<vmem>>, vector<16xi32>,
      "tpu.region"() ({
        %run_scoped3A = tpu.sem_alloc : memref<!tpu.dma_semaphore, #tpu.memory_space<semaphore_mem>>
        %dma_start3A_156 = arith.constant 0 : i32
        %dma_start3A_157 = arith.constant 0 : i32
        %dma_start3A_158 = tpu.memref_slice %arg21[%dma_start3A_156, %dma_start3A_157] : memref<32x128xf32, #tpu.memory_space<vmem>> -> memref<16x128xf32, #tpu.memory_space<vmem>>
        %dma_start3A_159 = arith.constant 0 : i32
        %dma_start3A_160 = arith.constant 0 : i32
        %dma_start3A_161 = tpu.memref_slice %arg26[%dma_start3A_159, %dma_start3A_160] : memref<1280x128xf32, #tpu.memory_space<vmem_shared>> -> memref<1280x128xf32, #tpu.memory_space<vmem_shared>>
        tpu.enqueue_indirect_dma source(%dma_start3A_158 : memref<16x128xf32, #tpu.memory_space<vmem>>) target(%dma_start3A_161 : memref<1280x128xf32, #tpu.memory_space<vmem_shared>>) offsets(%arg24 : memref<16xi32, #tpu.memory_space<vmem>>) semaphore(%run_scoped3A : memref<!tpu.dma_semaphore, #tpu.memory_space<semaphore_mem>>)
        %dma_wait3A_162 = arith.constant 0 : i32
        %dma_wait3A_163 = arith.constant 0 : i32
        %dma_wait3A_164 = tpu.memref_slice %arg21[%dma_wait3A_162, %dma_wait3A_163] : memref<32x128xf32, #tpu.memory_space<vmem>> -> memref<16x128xf32, #tpu.memory_space<vmem>>
        %dma_wait3A_165 = arith.constant 0 : i32
        %dma_wait3A_166 = arith.constant 0 : i32
        %dma_wait3A_167 = tpu.memref_slice %arg26[%dma_wait3A_165, %dma_wait3A_166] : memref<1280x128xf32, #tpu.memory_space<vmem_shared>> -> memref<1280x128xf32, #tpu.memory_space<vmem_shared>>
        tpu.wait_indirect_dma semaphore(%run_scoped3A : memref<!tpu.dma_semaphore, #tpu.memory_space<semaphore_mem>>) src(%dma_wait3A_164 : memref<16x128xf32, #tpu.memory_space<vmem>>) dst(%dma_wait3A_167 : memref<1280x128xf32, #tpu.memory_space<vmem_shared>>)
        tpu.yield
      }) : () -> ()
      %scan3A_155 = arith.constant 0 : i32
      scf.yield %scan3A_155 : i32
    }
    %scan3A_25 = arith.constant 5 : i32
    %barrier3A = arith.constant 0 : index
    tpu.barrier barrier_id(%barrier3A)
    %scan3A_26 = arith.constant 0 : i32
    %scan3A_27 = arith.constant 0 : i32
    %scan3A_28 = arith.constant 312 : i32
    %scan3A_29 = arith.addi %scan3A_27, %scan3A_28 : i32
    %scan3A_30 = arith.constant 1 : i32
    %scan3A_31 = scf.for %scan3A_146 = %scan3A_27 to %scan3A_29 step %scan3A_30 iter_args(%scan3A_147 = %scan3A_26) -> (i32)  : i32 {
      %mul3A_148 = arith.constant 10000 : i32
      %mul3A_149 = arith.muli %add3A, %mul3A_148 : i32
      %mul3A_150 = arith.constant 32 : i32
      %mul3A_151 = arith.muli %scan3A_146, %mul3A_150 : i32
      %add3A_152 = arith.addi %mul3A_149, %mul3A_151 : i32
      %jit3A = arith.constant 8 : i32
      %eq3A = arith.constant 0 : i32
      %eq3A_153 = arith.cmpi eq, %jit3A, %eq3A : i32
      %jit3A_154 = arith.constant 1 : i32
      %select_n3A = arith.select %eq3A_153, %jit3A_154, %jit3A : i32
      %rem3A = arith.remsi %scan3A_146, %select_n3A : i32
      %ne3A = arith.constant 0 : i32
      %ne3A_155 = arith.cmpi ne, %rem3A, %ne3A : i32
      %lt3A = arith.constant 0 : i32
      %lt3A_156 = arith.cmpi slt, %rem3A, %lt3A : i32
      %lt3A_157 = arith.constant 0 : i32
      %lt3A_158 = arith.cmpi slt, %select_n3A, %lt3A_157 : i32
      %ne3A_159 = arith.xori %lt3A_156, %lt3A_158 : i1
      %and3A = arith.andi %ne3A_159, %ne3A_155 : i1
      %add3A_160 = arith.addi %rem3A, %select_n3A : i32
      %select_n3A_161 = arith.select %and3A, %add3A_160, %rem3A : i32
      %eq3A_162 = arith.constant 0 : i32
      %eq3A_163 = arith.cmpi eq, %select_n3A_161, %eq3A_162 : i32
      %convert_element_type3A = arith.extui %eq3A_163 : i1 to i32
      %cond3A = arith.constant 0 : i32
      %cond3A_164 = arith.cmpi ne, %convert_element_type3A, %cond3A : i32
      scf.if %cond3A_164 {
        %mul3A_278 = arith.constant 312 : i32
        %mul3A_279 = arith.muli %add3A, %mul3A_278 : i32
        %add3A_280 = arith.addi %mul3A_279, %scan3A_146 : i32
        %mul3A_281 = arith.constant 96 : i32
        %mul3A_282 = arith.muli %add3A_280, %mul3A_281 : i32
        "tpu.region"() ({
          %run_scoped3A = tpu.sem_alloc : memref<!tpu.dma_semaphore, #tpu.memory_space<semaphore_mem>>
          %dma_start3A_283 = tpu.memref_slice %arg2[%mul3A_282] : memref<958464xi32, #tpu.memory_space<hbm>> -> memref<768xi32, #tpu.memory_space<hbm>>
          %dma_start3A_284 = tpu.memref_slice %arg2[%mul3A_282] : memref<958464xi32, #tpu.memory_space<hbm>> -> memref<768xi32, #tpu.memory_space<hbm>>
          tpu.enqueue_dma source(%dma_start3A_284 : memref<768xi32, #tpu.memory_space<hbm>>) target(%arg16 : memref<768xi32, #tpu.memory_space<vmem>>) target_semaphore(%run_scoped3A : memref<!tpu.dma_semaphore, #tpu.memory_space<semaphore_mem>>)
          %dma_wait3A_285 = tpu.memref_slice %arg2[%mul3A_282] : memref<958464xi32, #tpu.memory_space<hbm>> -> memref<768xi32, #tpu.memory_space<hbm>>
          %dma_wait3A_286 = tpu.memref_slice %arg2[%mul3A_282] : memref<958464xi32, #tpu.memory_space<hbm>> -> memref<768xi32, #tpu.memory_space<hbm>>
          tpu.wait_dma2 semaphore(%run_scoped3A : memref<!tpu.dma_semaphore, #tpu.memory_space<semaphore_mem>>) src(%dma_wait3A_286 : memref<768xi32, #tpu.memory_space<hbm>>) dst(%arg16 : memref<768xi32, #tpu.memory_space<vmem>>)
          tpu.yield
        }) : () -> ()
      } else {
      }
      %jit3A_165 = arith.constant 8 : i32
      %eq3A_166 = arith.constant 0 : i32
      %eq3A_167 = arith.cmpi eq, %jit3A_165, %eq3A_166 : i32
      %jit3A_168 = arith.constant 1 : i32
      %select_n3A_169 = arith.select %eq3A_167, %jit3A_168, %jit3A_165 : i32
      %rem3A_170 = arith.remsi %scan3A_146, %select_n3A_169 : i32
      %ne3A_171 = arith.constant 0 : i32
      %ne3A_172 = arith.cmpi ne, %rem3A_170, %ne3A_171 : i32
      %lt3A_173 = arith.constant 0 : i32
      %lt3A_174 = arith.cmpi slt, %rem3A_170, %lt3A_173 : i32
      %lt3A_175 = arith.constant 0 : i32
      %lt3A_176 = arith.cmpi slt, %select_n3A_169, %lt3A_175 : i32
      %ne3A_177 = arith.xori %lt3A_174, %lt3A_176 : i1
      %and3A_178 = arith.andi %ne3A_177, %ne3A_172 : i1
      %add3A_179 = arith.addi %rem3A_170, %select_n3A_169 : i32
      %select_n3A_180 = arith.select %and3A_178, %add3A_179, %rem3A_170 : i32
      %mul3A_181 = arith.constant 96 : i32
      %mul3A_182 = arith.muli %select_n3A_180, %mul3A_181 : i32
      %add3A_183 = arith.constant 0 : i32
      %add3A_184 = arith.addi %mul3A_182, %add3A_183 : i32
      %add3A_185 = arith.constant 0 : i32
      %add3A_186 = arith.addi %add3A_184, %add3A_185 : i32
      %get3A_187 = arith.index_cast %add3A_186 : i32 to index
      %get3A_188 = tpu.vector_load %arg16[%get3A_187] {strides = array<i32>} : memref<768xi32, #tpu.memory_space<vmem>>, vector<16xi32>,
      %swap3A_189 = arith.constant 0 : index
      %swap3A_190 = tpu.vector_load %arg10[%swap3A_189] {strides = array<i32>} : memref<32xi32, #tpu.memory_space<vmem>>, vector<16xi32>,
      tpu.vector_store %arg10[%swap3A_189], %get3A_188 {strides = array<i32>} : memref<32xi32, #tpu.memory_space<vmem>>, vector<16xi32>,
      %add3A_191 = arith.constant 0 : i32
      %add3A_192 = arith.addi %mul3A_182, %add3A_191 : i32
      %add3A_193 = arith.constant 16 : i32
      %add3A_194 = arith.addi %add3A_192, %add3A_193 : i32
      %get3A_195 = arith.index_cast %add3A_194 : i32 to index
      %get3A_196 = tpu.vector_load %arg16[%get3A_195] {strides = array<i32>} : memref<768xi32, #tpu.memory_space<vmem>>, vector<16xi32>,
      %swap3A_197 = arith.constant 16 : index
      %swap3A_198 = tpu.vector_load %arg10[%swap3A_197] {strides = array<i32>} : memref<32xi32, #tpu.memory_space<vmem>>, vector<16xi32>,
      tpu.vector_store %arg10[%swap3A_197], %get3A_196 {strides = array<i32>} : memref<32xi32, #tpu.memory_space<vmem>>, vector<16xi32>,
      %add3A_199 = arith.constant 32 : i32
      %add3A_200 = arith.addi %mul3A_182, %add3A_199 : i32
      %add3A_201 = arith.constant 0 : i32
      %add3A_202 = arith.addi %add3A_200, %add3A_201 : i32
      %get3A_203 = arith.index_cast %add3A_202 : i32 to index
      %get3A_204 = tpu.vector_load %arg16[%get3A_203] {strides = array<i32>} : memref<768xi32, #tpu.memory_space<vmem>>, vector<16xi32>,
      %swap3A_205 = arith.constant 0 : index
      %swap3A_206 = tpu.vector_load %arg11[%swap3A_205] {strides = array<i32>} : memref<32xi32, #tpu.memory_space<vmem>>, vector<16xi32>,
      tpu.vector_store %arg11[%swap3A_205], %get3A_204 {strides = array<i32>} : memref<32xi32, #tpu.memory_space<vmem>>, vector<16xi32>,
      %add3A_207 = arith.constant 32 : i32
      %add3A_208 = arith.addi %mul3A_182, %add3A_207 : i32
      %add3A_209 = arith.constant 16 : i32
      %add3A_210 = arith.addi %add3A_208, %add3A_209 : i32
      %get3A_211 = arith.index_cast %add3A_210 : i32 to index
      %get3A_212 = tpu.vector_load %arg16[%get3A_211] {strides = array<i32>} : memref<768xi32, #tpu.memory_space<vmem>>, vector<16xi32>,
      %swap3A_213 = arith.constant 16 : index
      %swap3A_214 = tpu.vector_load %arg11[%swap3A_213] {strides = array<i32>} : memref<32xi32, #tpu.memory_space<vmem>>, vector<16xi32>,
      tpu.vector_store %arg11[%swap3A_213], %get3A_212 {strides = array<i32>} : memref<32xi32, #tpu.memory_space<vmem>>, vector<16xi32>,
      %add3A_215 = arith.constant 64 : i32
      %add3A_216 = arith.addi %mul3A_182, %add3A_215 : i32
      %add3A_217 = arith.constant 0 : i32
      %add3A_218 = arith.addi %add3A_216, %add3A_217 : i32
      %get3A_219 = arith.index_cast %add3A_218 : i32 to index
      %get3A_220 = tpu.vector_load %arg16[%get3A_219] {strides = array<i32>} : memref<768xi32, #tpu.memory_space<vmem>>, vector<16xi32>,
      %swap3A_221 = arith.constant 0 : index
      %swap3A_222 = tpu.vector_load %arg12[%swap3A_221] {strides = array<i32>} : memref<32xi32, #tpu.memory_space<vmem>>, vector<16xi32>,
      tpu.vector_store %arg12[%swap3A_221], %get3A_220 {strides = array<i32>} : memref<32xi32, #tpu.memory_space<vmem>>, vector<16xi32>,
      %add3A_223 = arith.constant 64 : i32
      %add3A_224 = arith.addi %mul3A_182, %add3A_223 : i32
      %add3A_225 = arith.constant 16 : i32
      %add3A_226 = arith.addi %add3A_224, %add3A_225 : i32
      %get3A_227 = arith.index_cast %add3A_226 : i32 to index
      %get3A_228 = tpu.vector_load %arg16[%get3A_227] {strides = array<i32>} : memref<768xi32, #tpu.memory_space<vmem>>, vector<16xi32>,
      %swap3A_229 = arith.constant 16 : index
      %swap3A_230 = tpu.vector_load %arg12[%swap3A_229] {strides = array<i32>} : memref<32xi32, #tpu.memory_space<vmem>>, vector<16xi32>,
      tpu.vector_store %arg12[%swap3A_229], %get3A_228 {strides = array<i32>} : memref<32xi32, #tpu.memory_space<vmem>>, vector<16xi32>,
      %dma_start3A_231 = arith.constant 0 : i32
      %dma_start3A_232 = arith.constant 0 : i32
      %dma_start3A_233 = tpu.memref_slice %arg5[%dma_start3A_231, %dma_start3A_232] : memref<10240x128xf32, #tpu.memory_space<hbm>> -> memref<10240x128xf32, #tpu.memory_space<hbm>>
      tpu.enqueue_indirect_dma source(%dma_start3A_233 : memref<10240x128xf32, #tpu.memory_space<hbm>>) target(%arg19 : memref<32x128xf32, #tpu.memory_space<vmem>>) offsets(%arg10 : memref<32xi32, #tpu.memory_space<vmem>>) semaphore(%arg27 : memref<!tpu.dma_semaphore, #tpu.memory_space<semaphore_mem>>)
      %dma_start3A_234 = arith.constant 0 : i32
      %dma_start3A_235 = arith.constant 0 : i32
      %dma_start3A_236 = tpu.memref_slice %arg6[%dma_start3A_234, %dma_start3A_235] : memref<10240x128xf32, #tpu.memory_space<hbm>> -> memref<10240x128xf32, #tpu.memory_space<hbm>>
      tpu.enqueue_indirect_dma source(%dma_start3A_236 : memref<10240x128xf32, #tpu.memory_space<hbm>>) target(%arg20 : memref<32x128xf32, #tpu.memory_space<vmem>>) offsets(%arg10 : memref<32xi32, #tpu.memory_space<vmem>>) semaphore(%arg28 : memref<!tpu.dma_semaphore, #tpu.memory_space<semaphore_mem>>)
      %dma_start3A_237 = arith.constant 0 : i32
      %dma_start3A_238 = arith.constant 0 : i32
      %dma_start3A_239 = tpu.memref_slice %arg4[%dma_start3A_237, %dma_start3A_238] : memref<10240x128xf32, #tpu.memory_space<hbm>> -> memref<10240x128xf32, #tpu.memory_space<hbm>>
      tpu.enqueue_indirect_dma source(%dma_start3A_239 : memref<10240x128xf32, #tpu.memory_space<hbm>>) target(%arg18 : memref<32x128xf32, #tpu.memory_space<vmem>>) offsets(%arg11 : memref<32xi32, #tpu.memory_space<vmem>>) semaphore(%arg29 : memref<!tpu.dma_semaphore, #tpu.memory_space<semaphore_mem>>)
      %dma_start3A_240 = arith.constant 0 : i32
      %dma_start3A_241 = tpu.memref_slice %arg7[%add3A_152, %dma_start3A_240] : memref<320000x128xf32, #tpu.memory_space<hbm>> -> memref<32x128xf32, #tpu.memory_space<hbm>>
      %dma_start3A_242 = arith.constant 0 : i32
      %dma_start3A_243 = tpu.memref_slice %arg7[%add3A_152, %dma_start3A_242] : memref<320000x128xf32, #tpu.memory_space<hbm>> -> memref<32x128xf32, #tpu.memory_space<hbm>>
      tpu.enqueue_dma source(%dma_start3A_243 : memref<32x128xf32, #tpu.memory_space<hbm>>) target(%arg21 : memref<32x128xf32, #tpu.memory_space<vmem>>) target_semaphore(%arg30 : memref<!tpu.dma_semaphore, #tpu.memory_space<semaphore_mem>>)
      %dma_wait3A_244 = arith.constant 0 : i32
      %dma_wait3A_245 = arith.constant 0 : i32
      %dma_wait3A_246 = tpu.memref_slice %arg5[%dma_wait3A_244, %dma_wait3A_245] : memref<10240x128xf32, #tpu.memory_space<hbm>> -> memref<10240x128xf32, #tpu.memory_space<hbm>>
      tpu.wait_indirect_dma semaphore(%arg27 : memref<!tpu.dma_semaphore, #tpu.memory_space<semaphore_mem>>) src(%dma_wait3A_246 : memref<10240x128xf32, #tpu.memory_space<hbm>>) dst(%arg19 : memref<32x128xf32, #tpu.memory_space<vmem>>)
      %dma_wait3A_247 = arith.constant 0 : i32
      %dma_wait3A_248 = arith.constant 0 : i32
      %dma_wait3A_249 = tpu.memref_slice %arg6[%dma_wait3A_247, %dma_wait3A_248] : memref<10240x128xf32, #tpu.memory_space<hbm>> -> memref<10240x128xf32, #tpu.memory_space<hbm>>
      tpu.wait_indirect_dma semaphore(%arg28 : memref<!tpu.dma_semaphore, #tpu.memory_space<semaphore_mem>>) src(%dma_wait3A_249 : memref<10240x128xf32, #tpu.memory_space<hbm>>) dst(%arg20 : memref<32x128xf32, #tpu.memory_space<vmem>>)
      %dma_wait3A_250 = arith.constant 0 : i32
      %dma_wait3A_251 = arith.constant 0 : i32
      %dma_wait3A_252 = tpu.memref_slice %arg4[%dma_wait3A_250, %dma_wait3A_251] : memref<10240x128xf32, #tpu.memory_space<hbm>> -> memref<10240x128xf32, #tpu.memory_space<hbm>>
      tpu.wait_indirect_dma semaphore(%arg29 : memref<!tpu.dma_semaphore, #tpu.memory_space<semaphore_mem>>) src(%dma_wait3A_252 : memref<10240x128xf32, #tpu.memory_space<hbm>>) dst(%arg18 : memref<32x128xf32, #tpu.memory_space<vmem>>)
      %dma_wait3A_253 = arith.constant 0 : i32
      %dma_wait3A_254 = tpu.memref_slice %arg7[%add3A_152, %dma_wait3A_253] : memref<320000x128xf32, #tpu.memory_space<hbm>> -> memref<32x128xf32, #tpu.memory_space<hbm>>
      %dma_wait3A_255 = arith.constant 0 : i32
      %dma_wait3A_256 = tpu.memref_slice %arg7[%add3A_152, %dma_wait3A_255] : memref<320000x128xf32, #tpu.memory_space<hbm>> -> memref<32x128xf32, #tpu.memory_space<hbm>>
      tpu.wait_dma2 semaphore(%arg30 : memref<!tpu.dma_semaphore, #tpu.memory_space<semaphore_mem>>) src(%dma_wait3A_256 : memref<32x128xf32, #tpu.memory_space<hbm>>) dst(%arg21 : memref<32x128xf32, #tpu.memory_space<vmem>>)
      %scan3A_257 = arith.constant 0 : i32
      %scan3A_258 = arith.constant 0 : i32
      %scan3A_259 = arith.constant 16 : i32
      %scan3A_260 = arith.addi %scan3A_258, %scan3A_259 : i32
      %scan3A_261 = arith.constant 1 : i32
      %scan3A_262 = scf.for %scan3A_278 = %scan3A_258 to %scan3A_260 step %scan3A_261 iter_args(%scan3A_279 = %scan3A_257) -> (i32)  : i32 {
        %jit3A_280 = arith.constant 8 : i32
        %div3A = arith.divsi %scan3A_278, %jit3A_280 : i32
        %sign3A = arith.constant 0 : i32
        %sign3A_281 = arith.cmpi sgt, %scan3A_278, %sign3A : i32
        %sign3A_282 = arith.extui %sign3A_281 : i1 to i32
        %sign3A_283 = arith.constant 0 : i32
        %sign3A_284 = arith.cmpi slt, %scan3A_278, %sign3A_283 : i32
        %sign3A_285 = arith.extui %sign3A_284 : i1 to i32
        %sign3A_286 = arith.subi %sign3A_282, %sign3A_285 : i32
        %sign3A_287 = arith.constant 0 : i32
        %sign3A_288 = arith.cmpi sgt, %jit3A_280, %sign3A_287 : i32
        %sign3A_289 = arith.extui %sign3A_288 : i1 to i32
        %sign3A_290 = arith.constant 0 : i32
        %sign3A_291 = arith.cmpi slt, %jit3A_280, %sign3A_290 : i32
        %sign3A_292 = arith.extui %sign3A_291 : i1 to i32
        %sign3A_293 = arith.subi %sign3A_289, %sign3A_292 : i32
        %ne3A_294 = arith.cmpi ne, %sign3A_286, %sign3A_293 : i32
        %rem3A_295 = arith.remsi %scan3A_278, %jit3A_280 : i32
        %ne3A_296 = arith.constant 0 : i32
        %ne3A_297 = arith.cmpi ne, %rem3A_295, %ne3A_296 : i32
        %and3A_298 = arith.andi %ne3A_294, %ne3A_297 : i1
        %sub3A = arith.constant 1 : i32
        %sub3A_299 = arith.subi %div3A, %sub3A : i32
        %select_n3A_300 = arith.select %and3A_298, %sub3A_299, %div3A : i32
        %jit3A_301 = arith.constant 8 : i32
        %eq3A_302 = arith.constant 0 : i32
        %eq3A_303 = arith.cmpi eq, %jit3A_301, %eq3A_302 : i32
        %jit3A_304 = arith.constant 1 : i32
        %select_n3A_305 = arith.select %eq3A_303, %jit3A_304, %jit3A_301 : i32
        %rem3A_306 = arith.remsi %scan3A_278, %select_n3A_305 : i32
        %ne3A_307 = arith.constant 0 : i32
        %ne3A_308 = arith.cmpi ne, %rem3A_306, %ne3A_307 : i32
        %lt3A_309 = arith.constant 0 : i32
        %lt3A_310 = arith.cmpi slt, %rem3A_306, %lt3A_309 : i32
        %lt3A_311 = arith.constant 0 : i32
        %lt3A_312 = arith.cmpi slt, %select_n3A_305, %lt3A_311 : i32
        %ne3A_313 = arith.xori %lt3A_310, %lt3A_312 : i1
        %and3A_314 = arith.andi %ne3A_313, %ne3A_308 : i1
        %add3A_315 = arith.addi %rem3A_306, %select_n3A_305 : i32
        %select_n3A_316 = arith.select %and3A_314, %add3A_315, %rem3A_306 : i32
        %mul3A_317 = arith.constant 16 : i32
        %mul3A_318 = arith.muli %select_n3A_300, %mul3A_317 : i32
        %add3A_319 = vector.broadcast %mul3A_318 : i32 to vector<16xi32>
        %add3A_320 = arith.addi %add3A_319, %iota3A : vector<16xi32>
        %mul3A_321 = arith.constant 16 : i32
        %mul3A_322 = arith.muli %select_n3A_316, %mul3A_321 : i32
        %gather3A = tpu.vector_load_idx %arg11[%add3A_320] : memref<32xi32, #tpu.memory_space<vmem>>[vector<16xi32>], vector<16xi32>,
        %and3A_323 = arith.constant 7 : i32
        %and3A_324 = vector.broadcast %and3A_323 : i32 to vector<16xi32>
        %and3A_325 = arith.andi %gather3A, %and3A_324 : vector<16xi32>
        %shift_left3A = arith.constant 4 : i32
        %shift_left3A_326 = vector.broadcast %shift_left3A : i32 to vector<16xi32>
        %shift_left3A_327 = arith.shli %and3A_325, %shift_left3A_326 : vector<16xi32>
        %add3A_328 = vector.broadcast %select_n3A_316 : i32 to vector<16xi32>
        %add3A_329 = arith.addi %shift_left3A_327, %add3A_328 : vector<16xi32>
        %broadcast_in_dim3A_330 = arith.constant 0.000000e+00 : f32
        %broadcast_in_dim3A_331 = vector.broadcast %broadcast_in_dim3A_330 : f32 to vector<16xf32>
        %add3A_332 = arith.constant 0 : i32
        %add3A_333 = arith.addi %mul3A_322, %add3A_332 : i32
        %broadcast_in_dim3A_334 = vector.broadcast %add3A_333 : i32 to vector<16xi32>
        %gather3A_335 = tpu.vector_load_idx %arg18[%add3A_320, %broadcast_in_dim3A_334] : memref<32x128xf32, #tpu.memory_space<vmem>>[vector<16xi32>, vector<16xi32>], vector<16xf32>,
        %gather3A_336 = tpu.vector_load_idx %arg19[%add3A_320, %broadcast_in_dim3A_334] : memref<32x128xf32, #tpu.memory_space<vmem>>[vector<16xi32>, vector<16xi32>], vector<16xf32>,
        %gather3A_337 = tpu.vector_load_idx %arg21[%add3A_320, %broadcast_in_dim3A_334] : memref<32x128xf32, #tpu.memory_space<vmem>>[vector<16xi32>, vector<16xi32>], vector<16xf32>,
        %add3A_338 = arith.addf %gather3A_336, %gather3A_337 : vector<16xf32>
        %mul3A_339 = arith.mulf %gather3A_335, %add3A_338 : vector<16xf32>
        %add3A_340 = arith.addf %broadcast_in_dim3A_331, %mul3A_339 : vector<16xf32>
        %add3A_341 = arith.constant 1 : i32
        %add3A_342 = arith.addi %mul3A_322, %add3A_341 : i32
        %broadcast_in_dim3A_343 = vector.broadcast %add3A_342 : i32 to vector<16xi32>
        %gather3A_344 = tpu.vector_load_idx %arg18[%add3A_320, %broadcast_in_dim3A_343] : memref<32x128xf32, #tpu.memory_space<vmem>>[vector<16xi32>, vector<16xi32>], vector<16xf32>,
        %gather3A_345 = tpu.vector_load_idx %arg19[%add3A_320, %broadcast_in_dim3A_343] : memref<32x128xf32, #tpu.memory_space<vmem>>[vector<16xi32>, vector<16xi32>], vector<16xf32>,
        %gather3A_346 = tpu.vector_load_idx %arg21[%add3A_320, %broadcast_in_dim3A_343] : memref<32x128xf32, #tpu.memory_space<vmem>>[vector<16xi32>, vector<16xi32>], vector<16xf32>,
        %add3A_347 = arith.addf %gather3A_345, %gather3A_346 : vector<16xf32>
        %mul3A_348 = arith.mulf %gather3A_344, %add3A_347 : vector<16xf32>
        %add3A_349 = arith.addf %add3A_340, %mul3A_348 : vector<16xf32>
        %add3A_350 = arith.constant 2 : i32
        %add3A_351 = arith.addi %mul3A_322, %add3A_350 : i32
        %broadcast_in_dim3A_352 = vector.broadcast %add3A_351 : i32 to vector<16xi32>
        %gather3A_353 = tpu.vector_load_idx %arg18[%add3A_320, %broadcast_in_dim3A_352] : memref<32x128xf32, #tpu.memory_space<vmem>>[vector<16xi32>, vector<16xi32>], vector<16xf32>,
        %gather3A_354 = tpu.vector_load_idx %arg19[%add3A_320, %broadcast_in_dim3A_352] : memref<32x128xf32, #tpu.memory_space<vmem>>[vector<16xi32>, vector<16xi32>], vector<16xf32>,
        %gather3A_355 = tpu.vector_load_idx %arg21[%add3A_320, %broadcast_in_dim3A_352] : memref<32x128xf32, #tpu.memory_space<vmem>>[vector<16xi32>, vector<16xi32>], vector<16xf32>,
        %add3A_356 = arith.addf %gather3A_354, %gather3A_355 : vector<16xf32>
        %mul3A_357 = arith.mulf %gather3A_353, %add3A_356 : vector<16xf32>
        %add3A_358 = arith.addf %add3A_349, %mul3A_357 : vector<16xf32>
        %add3A_359 = arith.constant 3 : i32
        %add3A_360 = arith.addi %mul3A_322, %add3A_359 : i32
        %broadcast_in_dim3A_361 = vector.broadcast %add3A_360 : i32 to vector<16xi32>
        %gather3A_362 = tpu.vector_load_idx %arg18[%add3A_320, %broadcast_in_dim3A_361] : memref<32x128xf32, #tpu.memory_space<vmem>>[vector<16xi32>, vector<16xi32>], vector<16xf32>,
        %gather3A_363 = tpu.vector_load_idx %arg19[%add3A_320, %broadcast_in_dim3A_361] : memref<32x128xf32, #tpu.memory_space<vmem>>[vector<16xi32>, vector<16xi32>], vector<16xf32>,
        %gather3A_364 = tpu.vector_load_idx %arg21[%add3A_320, %broadcast_in_dim3A_361] : memref<32x128xf32, #tpu.memory_space<vmem>>[vector<16xi32>, vector<16xi32>], vector<16xf32>,
        %add3A_365 = arith.addf %gather3A_363, %gather3A_364 : vector<16xf32>
        %mul3A_366 = arith.mulf %gather3A_362, %add3A_365 : vector<16xf32>
        %add3A_367 = arith.addf %add3A_358, %mul3A_366 : vector<16xf32>
        %add3A_368 = arith.constant 4 : i32
        %add3A_369 = arith.addi %mul3A_322, %add3A_368 : i32
        %broadcast_in_dim3A_370 = vector.broadcast %add3A_369 : i32 to vector<16xi32>
        %gather3A_371 = tpu.vector_load_idx %arg18[%add3A_320, %broadcast_in_dim3A_370] : memref<32x128xf32, #tpu.memory_space<vmem>>[vector<16xi32>, vector<16xi32>], vector<16xf32>,
        %gather3A_372 = tpu.vector_load_idx %arg19[%add3A_320, %broadcast_in_dim3A_370] : memref<32x128xf32, #tpu.memory_space<vmem>>[vector<16xi32>, vector<16xi32>], vector<16xf32>,
        %gather3A_373 = tpu.vector_load_idx %arg21[%add3A_320, %broadcast_in_dim3A_370] : memref<32x128xf32, #tpu.memory_space<vmem>>[vector<16xi32>, vector<16xi32>], vector<16xf32>,
        %add3A_374 = arith.addf %gather3A_372, %gather3A_373 : vector<16xf32>
        %mul3A_375 = arith.mulf %gather3A_371, %add3A_374 : vector<16xf32>
        %add3A_376 = arith.addf %add3A_367, %mul3A_375 : vector<16xf32>
        %add3A_377 = arith.constant 5 : i32
        %add3A_378 = arith.addi %mul3A_322, %add3A_377 : i32
        %broadcast_in_dim3A_379 = vector.broadcast %add3A_378 : i32 to vector<16xi32>
        %gather3A_380 = tpu.vector_load_idx %arg18[%add3A_320, %broadcast_in_dim3A_379] : memref<32x128xf32, #tpu.memory_space<vmem>>[vector<16xi32>, vector<16xi32>], vector<16xf32>,
        %gather3A_381 = tpu.vector_load_idx %arg19[%add3A_320, %broadcast_in_dim3A_379] : memref<32x128xf32, #tpu.memory_space<vmem>>[vector<16xi32>, vector<16xi32>], vector<16xf32>,
        %gather3A_382 = tpu.vector_load_idx %arg21[%add3A_320, %broadcast_in_dim3A_379] : memref<32x128xf32, #tpu.memory_space<vmem>>[vector<16xi32>, vector<16xi32>], vector<16xf32>,
        %add3A_383 = arith.addf %gather3A_381, %gather3A_382 : vector<16xf32>
        %mul3A_384 = arith.mulf %gather3A_380, %add3A_383 : vector<16xf32>
        %add3A_385 = arith.addf %add3A_376, %mul3A_384 : vector<16xf32>
        %add3A_386 = arith.constant 6 : i32
        %add3A_387 = arith.addi %mul3A_322, %add3A_386 : i32
        %broadcast_in_dim3A_388 = vector.broadcast %add3A_387 : i32 to vector<16xi32>
        %gather3A_389 = tpu.vector_load_idx %arg18[%add3A_320, %broadcast_in_dim3A_388] : memref<32x128xf32, #tpu.memory_space<vmem>>[vector<16xi32>, vector<16xi32>], vector<16xf32>,
        %gather3A_390 = tpu.vector_load_idx %arg19[%add3A_320, %broadcast_in_dim3A_388] : memref<32x128xf32, #tpu.memory_space<vmem>>[vector<16xi32>, vector<16xi32>], vector<16xf32>,
        %gather3A_391 = tpu.vector_load_idx %arg21[%add3A_320, %broadcast_in_dim3A_388] : memref<32x128xf32, #tpu.memory_space<vmem>>[vector<16xi32>, vector<16xi32>], vector<16xf32>,
        %add3A_392 = arith.addf %gather3A_390, %gather3A_391 : vector<16xf32>
        %mul3A_393 = arith.mulf %gather3A_389, %add3A_392 : vector<16xf32>
        %add3A_394 = arith.addf %add3A_385, %mul3A_393 : vector<16xf32>
        %add3A_395 = arith.constant 7 : i32
        %add3A_396 = arith.addi %mul3A_322, %add3A_395 : i32
        %broadcast_in_dim3A_397 = vector.broadcast %add3A_396 : i32 to vector<16xi32>
        %gather3A_398 = tpu.vector_load_idx %arg18[%add3A_320, %broadcast_in_dim3A_397] : memref<32x128xf32, #tpu.memory_space<vmem>>[vector<16xi32>, vector<16xi32>], vector<16xf32>,
        %gather3A_399 = tpu.vector_load_idx %arg19[%add3A_320, %broadcast_in_dim3A_397] : memref<32x128xf32, #tpu.memory_space<vmem>>[vector<16xi32>, vector<16xi32>], vector<16xf32>,
        %gather3A_400 = tpu.vector_load_idx %arg21[%add3A_320, %broadcast_in_dim3A_397] : memref<32x128xf32, #tpu.memory_space<vmem>>[vector<16xi32>, vector<16xi32>], vector<16xf32>,
        %add3A_401 = arith.addf %gather3A_399, %gather3A_400 : vector<16xf32>
        %mul3A_402 = arith.mulf %gather3A_398, %add3A_401 : vector<16xf32>
        %add3A_403 = arith.addf %add3A_394, %mul3A_402 : vector<16xf32>
        %add3A_404 = arith.constant 8 : i32
        %add3A_405 = arith.addi %mul3A_322, %add3A_404 : i32
        %broadcast_in_dim3A_406 = vector.broadcast %add3A_405 : i32 to vector<16xi32>
        %gather3A_407 = tpu.vector_load_idx %arg18[%add3A_320, %broadcast_in_dim3A_406] : memref<32x128xf32, #tpu.memory_space<vmem>>[vector<16xi32>, vector<16xi32>], vector<16xf32>,
        %gather3A_408 = tpu.vector_load_idx %arg19[%add3A_320, %broadcast_in_dim3A_406] : memref<32x128xf32, #tpu.memory_space<vmem>>[vector<16xi32>, vector<16xi32>], vector<16xf32>,
        %gather3A_409 = tpu.vector_load_idx %arg21[%add3A_320, %broadcast_in_dim3A_406] : memref<32x128xf32, #tpu.memory_space<vmem>>[vector<16xi32>, vector<16xi32>], vector<16xf32>,
        %add3A_410 = arith.addf %gather3A_408, %gather3A_409 : vector<16xf32>
        %mul3A_411 = arith.mulf %gather3A_407, %add3A_410 : vector<16xf32>
        %add3A_412 = arith.addf %add3A_403, %mul3A_411 : vector<16xf32>
        %add3A_413 = arith.constant 9 : i32
        %add3A_414 = arith.addi %mul3A_322, %add3A_413 : i32
        %broadcast_in_dim3A_415 = vector.broadcast %add3A_414 : i32 to vector<16xi32>
        %gather3A_416 = tpu.vector_load_idx %arg18[%add3A_320, %broadcast_in_dim3A_415] : memref<32x128xf32, #tpu.memory_space<vmem>>[vector<16xi32>, vector<16xi32>], vector<16xf32>,
        %gather3A_417 = tpu.vector_load_idx %arg19[%add3A_320, %broadcast_in_dim3A_415] : memref<32x128xf32, #tpu.memory_space<vmem>>[vector<16xi32>, vector<16xi32>], vector<16xf32>,
        %gather3A_418 = tpu.vector_load_idx %arg21[%add3A_320, %broadcast_in_dim3A_415] : memref<32x128xf32, #tpu.memory_space<vmem>>[vector<16xi32>, vector<16xi32>], vector<16xf32>,
        %add3A_419 = arith.addf %gather3A_417, %gather3A_418 : vector<16xf32>
        %mul3A_420 = arith.mulf %gather3A_416, %add3A_419 : vector<16xf32>
        %add3A_421 = arith.addf %add3A_412, %mul3A_420 : vector<16xf32>
        %add3A_422 = arith.constant 10 : i32
        %add3A_423 = arith.addi %mul3A_322, %add3A_422 : i32
        %broadcast_in_dim3A_424 = vector.broadcast %add3A_423 : i32 to vector<16xi32>
        %gather3A_425 = tpu.vector_load_idx %arg18[%add3A_320, %broadcast_in_dim3A_424] : memref<32x128xf32, #tpu.memory_space<vmem>>[vector<16xi32>, vector<16xi32>], vector<16xf32>,
        %gather3A_426 = tpu.vector_load_idx %arg19[%add3A_320, %broadcast_in_dim3A_424] : memref<32x128xf32, #tpu.memory_space<vmem>>[vector<16xi32>, vector<16xi32>], vector<16xf32>,
        %gather3A_427 = tpu.vector_load_idx %arg21[%add3A_320, %broadcast_in_dim3A_424] : memref<32x128xf32, #tpu.memory_space<vmem>>[vector<16xi32>, vector<16xi32>], vector<16xf32>,
        %add3A_428 = arith.addf %gather3A_426, %gather3A_427 : vector<16xf32>
        %mul3A_429 = arith.mulf %gather3A_425, %add3A_428 : vector<16xf32>
        %add3A_430 = arith.addf %add3A_421, %mul3A_429 : vector<16xf32>
        %add3A_431 = arith.constant 11 : i32
        %add3A_432 = arith.addi %mul3A_322, %add3A_431 : i32
        %broadcast_in_dim3A_433 = vector.broadcast %add3A_432 : i32 to vector<16xi32>
        %gather3A_434 = tpu.vector_load_idx %arg18[%add3A_320, %broadcast_in_dim3A_433] : memref<32x128xf32, #tpu.memory_space<vmem>>[vector<16xi32>, vector<16xi32>], vector<16xf32>,
        %gather3A_435 = tpu.vector_load_idx %arg19[%add3A_320, %broadcast_in_dim3A_433] : memref<32x128xf32, #tpu.memory_space<vmem>>[vector<16xi32>, vector<16xi32>], vector<16xf32>,
        %gather3A_436 = tpu.vector_load_idx %arg21[%add3A_320, %broadcast_in_dim3A_433] : memref<32x128xf32, #tpu.memory_space<vmem>>[vector<16xi32>, vector<16xi32>], vector<16xf32>,
        %add3A_437 = arith.addf %gather3A_435, %gather3A_436 : vector<16xf32>
        %mul3A_438 = arith.mulf %gather3A_434, %add3A_437 : vector<16xf32>
        %add3A_439 = arith.addf %add3A_430, %mul3A_438 : vector<16xf32>
        %add3A_440 = arith.constant 12 : i32
        %add3A_441 = arith.addi %mul3A_322, %add3A_440 : i32
        %broadcast_in_dim3A_442 = vector.broadcast %add3A_441 : i32 to vector<16xi32>
        %gather3A_443 = tpu.vector_load_idx %arg18[%add3A_320, %broadcast_in_dim3A_442] : memref<32x128xf32, #tpu.memory_space<vmem>>[vector<16xi32>, vector<16xi32>], vector<16xf32>,
        %gather3A_444 = tpu.vector_load_idx %arg19[%add3A_320, %broadcast_in_dim3A_442] : memref<32x128xf32, #tpu.memory_space<vmem>>[vector<16xi32>, vector<16xi32>], vector<16xf32>,
        %gather3A_445 = tpu.vector_load_idx %arg21[%add3A_320, %broadcast_in_dim3A_442] : memref<32x128xf32, #tpu.memory_space<vmem>>[vector<16xi32>, vector<16xi32>], vector<16xf32>,
        %add3A_446 = arith.addf %gather3A_444, %gather3A_445 : vector<16xf32>
        %mul3A_447 = arith.mulf %gather3A_443, %add3A_446 : vector<16xf32>
        %add3A_448 = arith.addf %add3A_439, %mul3A_447 : vector<16xf32>
        %add3A_449 = arith.constant 13 : i32
        %add3A_450 = arith.addi %mul3A_322, %add3A_449 : i32
        %broadcast_in_dim3A_451 = vector.broadcast %add3A_450 : i32 to vector<16xi32>
        %gather3A_452 = tpu.vector_load_idx %arg18[%add3A_320, %broadcast_in_dim3A_451] : memref<32x128xf32, #tpu.memory_space<vmem>>[vector<16xi32>, vector<16xi32>], vector<16xf32>,
        %gather3A_453 = tpu.vector_load_idx %arg19[%add3A_320, %broadcast_in_dim3A_451] : memref<32x128xf32, #tpu.memory_space<vmem>>[vector<16xi32>, vector<16xi32>], vector<16xf32>,
        %gather3A_454 = tpu.vector_load_idx %arg21[%add3A_320, %broadcast_in_dim3A_451] : memref<32x128xf32, #tpu.memory_space<vmem>>[vector<16xi32>, vector<16xi32>], vector<16xf32>,
        %add3A_455 = arith.addf %gather3A_453, %gather3A_454 : vector<16xf32>
        %mul3A_456 = arith.mulf %gather3A_452, %add3A_455 : vector<16xf32>
        %add3A_457 = arith.addf %add3A_448, %mul3A_456 : vector<16xf32>
        %add3A_458 = arith.constant 14 : i32
        %add3A_459 = arith.addi %mul3A_322, %add3A_458 : i32
        %broadcast_in_dim3A_460 = vector.broadcast %add3A_459 : i32 to vector<16xi32>
        %gather3A_461 = tpu.vector_load_idx %arg18[%add3A_320, %broadcast_in_dim3A_460] : memref<32x128xf32, #tpu.memory_space<vmem>>[vector<16xi32>, vector<16xi32>], vector<16xf32>,
        %gather3A_462 = tpu.vector_load_idx %arg19[%add3A_320, %broadcast_in_dim3A_460] : memref<32x128xf32, #tpu.memory_space<vmem>>[vector<16xi32>, vector<16xi32>], vector<16xf32>,
        %gather3A_463 = tpu.vector_load_idx %arg21[%add3A_320, %broadcast_in_dim3A_460] : memref<32x128xf32, #tpu.memory_space<vmem>>[vector<16xi32>, vector<16xi32>], vector<16xf32>,
        %add3A_464 = arith.addf %gather3A_462, %gather3A_463 : vector<16xf32>
        %mul3A_465 = arith.mulf %gather3A_461, %add3A_464 : vector<16xf32>
        %add3A_466 = arith.addf %add3A_457, %mul3A_465 : vector<16xf32>
        %add3A_467 = arith.constant 15 : i32
        %add3A_468 = arith.addi %mul3A_322, %add3A_467 : i32
        %broadcast_in_dim3A_469 = vector.broadcast %add3A_468 : i32 to vector<16xi32>
        %gather3A_470 = tpu.vector_load_idx %arg18[%add3A_320, %broadcast_in_dim3A_469] : memref<32x128xf32, #tpu.memory_space<vmem>>[vector<16xi32>, vector<16xi32>], vector<16xf32>,
        %gather3A_471 = tpu.vector_load_idx %arg19[%add3A_320, %broadcast_in_dim3A_469] : memref<32x128xf32, #tpu.memory_space<vmem>>[vector<16xi32>, vector<16xi32>], vector<16xf32>,
        %gather3A_472 = tpu.vector_load_idx %arg21[%add3A_320, %broadcast_in_dim3A_469] : memref<32x128xf32, #tpu.memory_space<vmem>>[vector<16xi32>, vector<16xi32>], vector<16xf32>,
        %add3A_473 = arith.addf %gather3A_471, %gather3A_472 : vector<16xf32>
        %mul3A_474 = arith.mulf %gather3A_470, %add3A_473 : vector<16xf32>
        %add3A_475 = arith.addf %add3A_466, %mul3A_474 : vector<16xf32>
        %mul3A_476 = arith.constant 2.500000e-01 : f32
        %mul3A_477 = vector.broadcast %mul3A_476 : f32 to vector<16xf32>
        %mul3A_478 = arith.mulf %add3A_475, %mul3A_477 : vector<16xf32>
        %exp3A = math.exp %mul3A_478 : vector<16xf32>
        tpu.vector_store_idx %arg22[%add3A_320, %add3A_329], %exp3A : memref<32x128xf32, #tpu.memory_space<vmem>>[vector<16xi32>, vector<16xi32>], vector<16xf32>,
        %add3A_479 = arith.constant 0 : i32
        %add3A_480 = arith.addi %mul3A_322, %add3A_479 : i32
        %broadcast_in_dim3A_481 = vector.broadcast %add3A_480 : i32 to vector<16xi32>
        %gather3A_482 = tpu.vector_load_idx %arg20[%add3A_320, %broadcast_in_dim3A_481] : memref<32x128xf32, #tpu.memory_space<vmem>>[vector<16xi32>, vector<16xi32>], vector<16xf32>,
        %add3A_483 = arith.addf %gather3A_482, %gather3A_337 : vector<16xf32>
        %mul3A_484 = arith.mulf %add3A_483, %exp3A : vector<16xf32>
        tpu.vector_store_idx %arg21[%add3A_320, %broadcast_in_dim3A_481], %mul3A_484 : memref<32x128xf32, #tpu.memory_space<vmem>>[vector<16xi32>, vector<16xi32>], vector<16xf32>,
        %add3A_485 = arith.constant 1 : i32
        %add3A_486 = arith.addi %mul3A_322, %add3A_485 : i32
        %broadcast_in_dim3A_487 = vector.broadcast %add3A_486 : i32 to vector<16xi32>
        %gather3A_488 = tpu.vector_load_idx %arg20[%add3A_320, %broadcast_in_dim3A_487] : memref<32x128xf32, #tpu.memory_space<vmem>>[vector<16xi32>, vector<16xi32>], vector<16xf32>,
        %add3A_489 = arith.addf %gather3A_488, %gather3A_346 : vector<16xf32>
        %mul3A_490 = arith.mulf %add3A_489, %exp3A : vector<16xf32>
        tpu.vector_store_idx %arg21[%add3A_320, %broadcast_in_dim3A_487], %mul3A_490 : memref<32x128xf32, #tpu.memory_space<vmem>>[vector<16xi32>, vector<16xi32>], vector<16xf32>,
        %add3A_491 = arith.constant 2 : i32
        %add3A_492 = arith.addi %mul3A_322, %add3A_491 : i32
        %broadcast_in_dim3A_493 = vector.broadcast %add3A_492 : i32 to vector<16xi32>
        %gather3A_494 = tpu.vector_load_idx %arg20[%add3A_320, %broadcast_in_dim3A_493] : memref<32x128xf32, #tpu.memory_space<vmem>>[vector<16xi32>, vector<16xi32>], vector<16xf32>,
        %add3A_495 = arith.addf %gather3A_494, %gather3A_355 : vector<16xf32>
        %mul3A_496 = arith.mulf %add3A_495, %exp3A : vector<16xf32>
        tpu.vector_store_idx %arg21[%add3A_320, %broadcast_in_dim3A_493], %mul3A_496 : memref<32x128xf32, #tpu.memory_space<vmem>>[vector<16xi32>, vector<16xi32>], vector<16xf32>,
        %add3A_497 = arith.constant 3 : i32
        %add3A_498 = arith.addi %mul3A_322, %add3A_497 : i32
        %broadcast_in_dim3A_499 = vector.broadcast %add3A_498 : i32 to vector<16xi32>
        %gather3A_500 = tpu.vector_load_idx %arg20[%add3A_320, %broadcast_in_dim3A_499] : memref<32x128xf32, #tpu.memory_space<vmem>>[vector<16xi32>, vector<16xi32>], vector<16xf32>,
        %add3A_501 = arith.addf %gather3A_500, %gather3A_364 : vector<16xf32>
        %mul3A_502 = arith.mulf %add3A_501, %exp3A : vector<16xf32>
        tpu.vector_store_idx %arg21[%add3A_320, %broadcast_in_dim3A_499], %mul3A_502 : memref<32x128xf32, #tpu.memory_space<vmem>>[vector<16xi32>, vector<16xi32>], vector<16xf32>,
        %add3A_503 = arith.constant 4 : i32
        %add3A_504 = arith.addi %mul3A_322, %add3A_503 : i32
        %broadcast_in_dim3A_505 = vector.broadcast %add3A_504 : i32 to vector<16xi32>
        %gather3A_506 = tpu.vector_load_idx %arg20[%add3A_320, %broadcast_in_dim3A_505] : memref<32x128xf32, #tpu.memory_space<vmem>>[vector<16xi32>, vector<16xi32>], vector<16xf32>,
        %add3A_507 = arith.addf %gather3A_506, %gather3A_373 : vector<16xf32>
        %mul3A_508 = arith.mulf %add3A_507, %exp3A : vector<16xf32>
        tpu.vector_store_idx %arg21[%add3A_320, %broadcast_in_dim3A_505], %mul3A_508 : memref<32x128xf32, #tpu.memory_space<vmem>>[vector<16xi32>, vector<16xi32>], vector<16xf32>,
        %add3A_509 = arith.constant 5 : i32
        %add3A_510 = arith.addi %mul3A_322, %add3A_509 : i32
        %broadcast_in_dim3A_511 = vector.broadcast %add3A_510 : i32 to vector<16xi32>
        %gather3A_512 = tpu.vector_load_idx %arg20[%add3A_320, %broadcast_in_dim3A_511] : memref<32x128xf32, #tpu.memory_space<vmem>>[vector<16xi32>, vector<16xi32>], vector<16xf32>,
        %add3A_513 = arith.addf %gather3A_512, %gather3A_382 : vector<16xf32>
        %mul3A_514 = arith.mulf %add3A_513, %exp3A : vector<16xf32>
        tpu.vector_store_idx %arg21[%add3A_320, %broadcast_in_dim3A_511], %mul3A_514 : memref<32x128xf32, #tpu.memory_space<vmem>>[vector<16xi32>, vector<16xi32>], vector<16xf32>,
        %add3A_515 = arith.constant 6 : i32
        %add3A_516 = arith.addi %mul3A_322, %add3A_515 : i32
        %broadcast_in_dim3A_517 = vector.broadcast %add3A_516 : i32 to vector<16xi32>
        %gather3A_518 = tpu.vector_load_idx %arg20[%add3A_320, %broadcast_in_dim3A_517] : memref<32x128xf32, #tpu.memory_space<vmem>>[vector<16xi32>, vector<16xi32>], vector<16xf32>,
        %add3A_519 = arith.addf %gather3A_518, %gather3A_391 : vector<16xf32>
        %mul3A_520 = arith.mulf %add3A_519, %exp3A : vector<16xf32>
        tpu.vector_store_idx %arg21[%add3A_320, %broadcast_in_dim3A_517], %mul3A_520 : memref<32x128xf32, #tpu.memory_space<vmem>>[vector<16xi32>, vector<16xi32>], vector<16xf32>,
        %add3A_521 = arith.constant 7 : i32
        %add3A_522 = arith.addi %mul3A_322, %add3A_521 : i32
        %broadcast_in_dim3A_523 = vector.broadcast %add3A_522 : i32 to vector<16xi32>
        %gather3A_524 = tpu.vector_load_idx %arg20[%add3A_320, %broadcast_in_dim3A_523] : memref<32x128xf32, #tpu.memory_space<vmem>>[vector<16xi32>, vector<16xi32>], vector<16xf32>,
        %add3A_525 = arith.addf %gather3A_524, %gather3A_400 : vector<16xf32>
        %mul3A_526 = arith.mulf %add3A_525, %exp3A : vector<16xf32>
        tpu.vector_store_idx %arg21[%add3A_320, %broadcast_in_dim3A_523], %mul3A_526 : memref<32x128xf32, #tpu.memory_space<vmem>>[vector<16xi32>, vector<16xi32>], vector<16xf32>,
        %add3A_527 = arith.constant 8 : i32
        %add3A_528 = arith.addi %mul3A_322, %add3A_527 : i32
        %broadcast_in_dim3A_529 = vector.broadcast %add3A_528 : i32 to vector<16xi32>
        %gather3A_530 = tpu.vector_load_idx %arg20[%add3A_320, %broadcast_in_dim3A_529] : memref<32x128xf32, #tpu.memory_space<vmem>>[vector<16xi32>, vector<16xi32>], vector<16xf32>,
        %add3A_531 = arith.addf %gather3A_530, %gather3A_409 : vector<16xf32>
        %mul3A_532 = arith.mulf %add3A_531, %exp3A : vector<16xf32>
        tpu.vector_store_idx %arg21[%add3A_320, %broadcast_in_dim3A_529], %mul3A_532 : memref<32x128xf32, #tpu.memory_space<vmem>>[vector<16xi32>, vector<16xi32>], vector<16xf32>,
        %add3A_533 = arith.constant 9 : i32
        %add3A_534 = arith.addi %mul3A_322, %add3A_533 : i32
        %broadcast_in_dim3A_535 = vector.broadcast %add3A_534 : i32 to vector<16xi32>
        %gather3A_536 = tpu.vector_load_idx %arg20[%add3A_320, %broadcast_in_dim3A_535] : memref<32x128xf32, #tpu.memory_space<vmem>>[vector<16xi32>, vector<16xi32>], vector<16xf32>,
        %add3A_537 = arith.addf %gather3A_536, %gather3A_418 : vector<16xf32>
        %mul3A_538 = arith.mulf %add3A_537, %exp3A : vector<16xf32>
        tpu.vector_store_idx %arg21[%add3A_320, %broadcast_in_dim3A_535], %mul3A_538 : memref<32x128xf32, #tpu.memory_space<vmem>>[vector<16xi32>, vector<16xi32>], vector<16xf32>,
        %add3A_539 = arith.constant 10 : i32
        %add3A_540 = arith.addi %mul3A_322, %add3A_539 : i32
        %broadcast_in_dim3A_541 = vector.broadcast %add3A_540 : i32 to vector<16xi32>
        %gather3A_542 = tpu.vector_load_idx %arg20[%add3A_320, %broadcast_in_dim3A_541] : memref<32x128xf32, #tpu.memory_space<vmem>>[vector<16xi32>, vector<16xi32>], vector<16xf32>,
        %add3A_543 = arith.addf %gather3A_542, %gather3A_427 : vector<16xf32>
        %mul3A_544 = arith.mulf %add3A_543, %exp3A : vector<16xf32>
        tpu.vector_store_idx %arg21[%add3A_320, %broadcast_in_dim3A_541], %mul3A_544 : memref<32x128xf32, #tpu.memory_space<vmem>>[vector<16xi32>, vector<16xi32>], vector<16xf32>,
        %add3A_545 = arith.constant 11 : i32
        %add3A_546 = arith.addi %mul3A_322, %add3A_545 : i32
        %broadcast_in_dim3A_547 = vector.broadcast %add3A_546 : i32 to vector<16xi32>
        %gather3A_548 = tpu.vector_load_idx %arg20[%add3A_320, %broadcast_in_dim3A_547] : memref<32x128xf32, #tpu.memory_space<vmem>>[vector<16xi32>, vector<16xi32>], vector<16xf32>,
        %add3A_549 = arith.addf %gather3A_548, %gather3A_436 : vector<16xf32>
        %mul3A_550 = arith.mulf %add3A_549, %exp3A : vector<16xf32>
        tpu.vector_store_idx %arg21[%add3A_320, %broadcast_in_dim3A_547], %mul3A_550 : memref<32x128xf32, #tpu.memory_space<vmem>>[vector<16xi32>, vector<16xi32>], vector<16xf32>,
        %add3A_551 = arith.constant 12 : i32
        %add3A_552 = arith.addi %mul3A_322, %add3A_551 : i32
        %broadcast_in_dim3A_553 = vector.broadcast %add3A_552 : i32 to vector<16xi32>
        %gather3A_554 = tpu.vector_load_idx %arg20[%add3A_320, %broadcast_in_dim3A_553] : memref<32x128xf32, #tpu.memory_space<vmem>>[vector<16xi32>, vector<16xi32>], vector<16xf32>,
        %add3A_555 = arith.addf %gather3A_554, %gather3A_445 : vector<16xf32>
        %mul3A_556 = arith.mulf %add3A_555, %exp3A : vector<16xf32>
        tpu.vector_store_idx %arg21[%add3A_320, %broadcast_in_dim3A_553], %mul3A_556 : memref<32x128xf32, #tpu.memory_space<vmem>>[vector<16xi32>, vector<16xi32>], vector<16xf32>,
        %add3A_557 = arith.constant 13 : i32
        %add3A_558 = arith.addi %mul3A_322, %add3A_557 : i32
        %broadcast_in_dim3A_559 = vector.broadcast %add3A_558 : i32 to vector<16xi32>
        %gather3A_560 = tpu.vector_load_idx %arg20[%add3A_320, %broadcast_in_dim3A_559] : memref<32x128xf32, #tpu.memory_space<vmem>>[vector<16xi32>, vector<16xi32>], vector<16xf32>,
        %add3A_561 = arith.addf %gather3A_560, %gather3A_454 : vector<16xf32>
        %mul3A_562 = arith.mulf %add3A_561, %exp3A : vector<16xf32>
        tpu.vector_store_idx %arg21[%add3A_320, %broadcast_in_dim3A_559], %mul3A_562 : memref<32x128xf32, #tpu.memory_space<vmem>>[vector<16xi32>, vector<16xi32>], vector<16xf32>,
        %add3A_563 = arith.constant 14 : i32
        %add3A_564 = arith.addi %mul3A_322, %add3A_563 : i32
        %broadcast_in_dim3A_565 = vector.broadcast %add3A_564 : i32 to vector<16xi32>
        %gather3A_566 = tpu.vector_load_idx %arg20[%add3A_320, %broadcast_in_dim3A_565] : memref<32x128xf32, #tpu.memory_space<vmem>>[vector<16xi32>, vector<16xi32>], vector<16xf32>,
        %add3A_567 = arith.addf %gather3A_566, %gather3A_463 : vector<16xf32>
        %mul3A_568 = arith.mulf %add3A_567, %exp3A : vector<16xf32>
        tpu.vector_store_idx %arg21[%add3A_320, %broadcast_in_dim3A_565], %mul3A_568 : memref<32x128xf32, #tpu.memory_space<vmem>>[vector<16xi32>, vector<16xi32>], vector<16xf32>,
        %add3A_569 = arith.constant 15 : i32
        %add3A_570 = arith.addi %mul3A_322, %add3A_569 : i32
        %broadcast_in_dim3A_571 = vector.broadcast %add3A_570 : i32 to vector<16xi32>
        %gather3A_572 = tpu.vector_load_idx %arg20[%add3A_320, %broadcast_in_dim3A_571] : memref<32x128xf32, #tpu.memory_space<vmem>>[vector<16xi32>, vector<16xi32>], vector<16xf32>,
        %add3A_573 = arith.addf %gather3A_572, %gather3A_472 : vector<16xf32>
        %mul3A_574 = arith.mulf %add3A_573, %exp3A : vector<16xf32>
        tpu.vector_store_idx %arg21[%add3A_320, %broadcast_in_dim3A_571], %mul3A_574 : memref<32x128xf32, #tpu.memory_space<vmem>>[vector<16xi32>, vector<16xi32>], vector<16xf32>,
        %scan3A_575 = arith.constant 0 : i32
        scf.yield %scan3A_575 : i32
      }
      %scan3A_263 = arith.constant 16 : i32
      %dma_start3A_264 = arith.constant 0 : i32
      %dma_start3A_265 = arith.constant 0 : i32
      %dma_start3A_266 = tpu.memref_slice %arg25[%dma_start3A_264, %dma_start3A_265] : memref<10240x128xf32, #tpu.memory_space<vmem_shared>> -> memref<10240x128xf32, #tpu.memory_space<vmem_shared>>
      tpu.enqueue_indirect_dma source(%arg21 : memref<32x128xf32, #tpu.memory_space<vmem>>) target(%dma_start3A_266 : memref<10240x128xf32, #tpu.memory_space<vmem_shared>>) offsets(%arg11 : memref<32xi32, #tpu.memory_space<vmem>>) semaphore(%arg31 : memref<!tpu.dma_semaphore, #tpu.memory_space<semaphore_mem>>) {add = true}
      "tpu.region"() ({
        %run_scoped3A = tpu.sem_alloc : memref<!tpu.dma_semaphore, #tpu.memory_space<semaphore_mem>>
        %dma_start3A_278 = arith.constant 0 : i32
        %dma_start3A_279 = arith.constant 0 : i32
        %dma_start3A_280 = tpu.memref_slice %arg26[%dma_start3A_278, %dma_start3A_279] : memref<1280x128xf32, #tpu.memory_space<vmem_shared>> -> memref<1280x128xf32, #tpu.memory_space<vmem_shared>>
        tpu.enqueue_indirect_dma source(%arg22 : memref<32x128xf32, #tpu.memory_space<vmem>>) target(%dma_start3A_280 : memref<1280x128xf32, #tpu.memory_space<vmem_shared>>) offsets(%arg12 : memref<32xi32, #tpu.memory_space<vmem>>) semaphore(%run_scoped3A : memref<!tpu.dma_semaphore, #tpu.memory_space<semaphore_mem>>) {add = true}
        %dma_wait3A_281 = arith.constant 0 : i32
        %dma_wait3A_282 = arith.constant 0 : i32
        %dma_wait3A_283 = tpu.memref_slice %arg26[%dma_wait3A_281, %dma_wait3A_282] : memref<1280x128xf32, #tpu.memory_space<vmem_shared>> -> memref<1280x128xf32, #tpu.memory_space<vmem_shared>>
        tpu.wait_indirect_dma semaphore(%run_scoped3A : memref<!tpu.dma_semaphore, #tpu.memory_space<semaphore_mem>>) src(%arg22 : memref<32x128xf32, #tpu.memory_space<vmem>>) dst(%dma_wait3A_283 : memref<1280x128xf32, #tpu.memory_space<vmem_shared>>)
        tpu.yield
      }) : () -> ()
      %dma_wait3A_267 = arith.constant 0 : i32
      %dma_wait3A_268 = arith.constant 0 : i32
      %dma_wait3A_269 = tpu.memref_slice %arg25[%dma_wait3A_267, %dma_wait3A_268] : memref<10240x128xf32, #tpu.memory_space<vmem_shared>> -> memref<10240x128xf32, #tpu.memory_space<vmem_shared>>
      tpu.wait_indirect_dma semaphore(%arg31 : memref<!tpu.dma_semaphore, #tpu.memory_space<semaphore_mem>>) src(%arg21 : memref<32x128xf32, #tpu.memory_space<vmem>>) dst(%dma_wait3A_269 : memref<10240x128xf32, #tpu.memory_space<vmem_shared>>)
      %scan3A_270 = arith.constant 0 : i32
      %scan3A_271 = arith.constant 0 : i32
      %scan3A_272 = arith.constant 16 : i32
      %scan3A_273 = arith.addi %scan3A_271, %scan3A_272 : i32
      %scan3A_274 = arith.constant 1 : i32
      %scan3A_275 = scf.for %scan3A_278 = %scan3A_271 to %scan3A_273 step %scan3A_274 iter_args(%scan3A_279 = %scan3A_270) -> (i32)  : i32 {
        %jit3A_280 = arith.constant 8 : i32
        %div3A = arith.divsi %scan3A_278, %jit3A_280 : i32
        %sign3A = arith.constant 0 : i32
        %sign3A_281 = arith.cmpi sgt, %scan3A_278, %sign3A : i32
        %sign3A_282 = arith.extui %sign3A_281 : i1 to i32
        %sign3A_283 = arith.constant 0 : i32
        %sign3A_284 = arith.cmpi slt, %scan3A_278, %sign3A_283 : i32
        %sign3A_285 = arith.extui %sign3A_284 : i1 to i32
        %sign3A_286 = arith.subi %sign3A_282, %sign3A_285 : i32
        %sign3A_287 = arith.constant 0 : i32
        %sign3A_288 = arith.cmpi sgt, %jit3A_280, %sign3A_287 : i32
        %sign3A_289 = arith.extui %sign3A_288 : i1 to i32
        %sign3A_290 = arith.constant 0 : i32
        %sign3A_291 = arith.cmpi slt, %jit3A_280, %sign3A_290 : i32
        %sign3A_292 = arith.extui %sign3A_291 : i1 to i32
        %sign3A_293 = arith.subi %sign3A_289, %sign3A_292 : i32
        %ne3A_294 = arith.cmpi ne, %sign3A_286, %sign3A_293 : i32
        %rem3A_295 = arith.remsi %scan3A_278, %jit3A_280 : i32
        %ne3A_296 = arith.constant 0 : i32
        %ne3A_297 = arith.cmpi ne, %rem3A_295, %ne3A_296 : i32
        %and3A_298 = arith.andi %ne3A_294, %ne3A_297 : i1
        %sub3A = arith.constant 1 : i32
        %sub3A_299 = arith.subi %div3A, %sub3A : i32
        %select_n3A_300 = arith.select %and3A_298, %sub3A_299, %div3A : i32
        %jit3A_301 = arith.constant 8 : i32
        %eq3A_302 = arith.constant 0 : i32
        %eq3A_303 = arith.cmpi eq, %jit3A_301, %eq3A_302 : i32
        %jit3A_304 = arith.constant 1 : i32
        %select_n3A_305 = arith.select %eq3A_303, %jit3A_304, %jit3A_301 : i32
        %rem3A_306 = arith.remsi %scan3A_278, %select_n3A_305 : i32
        %ne3A_307 = arith.constant 0 : i32
        %ne3A_308 = arith.cmpi ne, %rem3A_306, %ne3A_307 : i32
        %lt3A_309 = arith.constant 0 : i32
        %lt3A_310 = arith.cmpi slt, %rem3A_306, %lt3A_309 : i32
        %lt3A_311 = arith.constant 0 : i32
        %lt3A_312 = arith.cmpi slt, %select_n3A_305, %lt3A_311 : i32
        %ne3A_313 = arith.xori %lt3A_310, %lt3A_312 : i1
        %and3A_314 = arith.andi %ne3A_313, %ne3A_308 : i1
        %add3A_315 = arith.addi %rem3A_306, %select_n3A_305 : i32
        %select_n3A_316 = arith.select %and3A_314, %add3A_315, %rem3A_306 : i32
        %mul3A_317 = arith.constant 16 : i32
        %mul3A_318 = arith.muli %select_n3A_300, %mul3A_317 : i32
        %add3A_319 = vector.broadcast %mul3A_318 : i32 to vector<16xi32>
        %add3A_320 = arith.addi %add3A_319, %iota3A : vector<16xi32>
        %gather3A = tpu.vector_load_idx %arg11[%add3A_320] : memref<32xi32, #tpu.memory_space<vmem>>[vector<16xi32>], vector<16xi32>,
        %and3A_321 = arith.constant 7 : i32
        %and3A_322 = vector.broadcast %and3A_321 : i32 to vector<16xi32>
        %and3A_323 = arith.andi %gather3A, %and3A_322 : vector<16xi32>
        %shift_left3A = arith.constant 4 : i32
        %shift_left3A_324 = vector.broadcast %shift_left3A : i32 to vector<16xi32>
        %shift_left3A_325 = arith.shli %and3A_323, %shift_left3A_324 : vector<16xi32>
        %add3A_326 = vector.broadcast %select_n3A_316 : i32 to vector<16xi32>
        %add3A_327 = arith.addi %shift_left3A_325, %add3A_326 : vector<16xi32>
        tpu.vector_store_idx %arg22[%add3A_320, %add3A_327], %broadcast_in_dim3A_1 : memref<32x128xf32, #tpu.memory_space<vmem>>[vector<16xi32>, vector<16xi32>], vector<16xf32>,
        %scan3A_328 = arith.constant 0 : i32
        scf.yield %scan3A_328 : i32
      }
      %scan3A_276 = arith.constant 16 : i32
      %scan3A_277 = arith.constant 0 : i32
      scf.yield %scan3A_277 : i32
    }
    %scan3A_32 = arith.constant 312 : i32
    %mul3A_33 = arith.constant 10000 : i32
    %mul3A_34 = arith.muli %add3A, %mul3A_33 : i32
    %add3A_35 = arith.constant 9984 : i32
    %add3A_36 = arith.addi %mul3A_34, %add3A_35 : i32
    %mul3A_37 = arith.constant 3 : i32
    %mul3A_38 = arith.muli %add3A, %mul3A_37 : i32
    %mul3A_39 = arith.constant 16 : i32
    %mul3A_40 = arith.muli %mul3A_38, %mul3A_39 : i32
    "tpu.region"() ({
      %run_scoped3A = tpu.sem_alloc : memref<!tpu.dma_semaphore, #tpu.memory_space<semaphore_mem>>
      %dma_start3A_146 = tpu.memref_slice %arg3[%mul3A_40] : memref<1536xi32, #tpu.memory_space<hbm>> -> memref<48xi32, #tpu.memory_space<hbm>>
      %dma_start3A_147 = tpu.memref_slice %arg3[%mul3A_40] : memref<1536xi32, #tpu.memory_space<hbm>> -> memref<48xi32, #tpu.memory_space<hbm>>
      tpu.enqueue_dma source(%dma_start3A_147 : memref<48xi32, #tpu.memory_space<hbm>>) target(%arg17 : memref<48xi32, #tpu.memory_space<vmem>>) target_semaphore(%run_scoped3A : memref<!tpu.dma_semaphore, #tpu.memory_space<semaphore_mem>>)
      %dma_wait3A_148 = tpu.memref_slice %arg3[%mul3A_40] : memref<1536xi32, #tpu.memory_space<hbm>> -> memref<48xi32, #tpu.memory_space<hbm>>
      %dma_wait3A_149 = tpu.memref_slice %arg3[%mul3A_40] : memref<1536xi32, #tpu.memory_space<hbm>> -> memref<48xi32, #tpu.memory_space<hbm>>
      tpu.wait_dma2 semaphore(%run_scoped3A : memref<!tpu.dma_semaphore, #tpu.memory_space<semaphore_mem>>) src(%dma_wait3A_149 : memref<48xi32, #tpu.memory_space<hbm>>) dst(%arg17 : memref<48xi32, #tpu.memory_space<vmem>>)
      tpu.yield
    }) : () -> ()
    %get3A = arith.constant 0 : index
    %get3A_41 = tpu.vector_load %arg17[%get3A] {strides = array<i32>} : memref<48xi32, #tpu.memory_space<vmem>>, vector<16xi32>,
    %swap3A = arith.constant 0 : index
    %swap3A_42 = tpu.vector_load %arg13[%swap3A] {strides = array<i32>} : memref<16xi32, #tpu.memory_space<vmem>>, vector<16xi32>,
    tpu.vector_store %arg13[%swap3A], %get3A_41 {strides = array<i32>} : memref<16xi32, #tpu.memory_space<vmem>>, vector<16xi32>,
    %get3A_43 = arith.constant 16 : index
    %get3A_44 = tpu.vector_load %arg17[%get3A_43] {strides = array<i32>} : memref<48xi32, #tpu.memory_space<vmem>>, vector<16xi32>,
    %swap3A_45 = arith.constant 0 : index
    %swap3A_46 = tpu.vector_load %arg14[%swap3A_45] {strides = array<i32>} : memref<16xi32, #tpu.memory_space<vmem>>, vector<16xi32>,
    tpu.vector_store %arg14[%swap3A_45], %get3A_44 {strides = array<i32>} : memref<16xi32, #tpu.memory_space<vmem>>, vector<16xi32>,
    %get3A_47 = arith.constant 32 : index
    %get3A_48 = tpu.vector_load %arg17[%get3A_47] {strides = array<i32>} : memref<48xi32, #tpu.memory_space<vmem>>, vector<16xi32>,
    %swap3A_49 = arith.constant 0 : index
    %swap3A_50 = tpu.vector_load %arg15[%swap3A_49] {strides = array<i32>} : memref<16xi32, #tpu.memory_space<vmem>>, vector<16xi32>,
    tpu.vector_store %arg15[%swap3A_49], %get3A_48 {strides = array<i32>} : memref<16xi32, #tpu.memory_space<vmem>>, vector<16xi32>,
    %dma_start3A = arith.constant 0 : i32
    %dma_start3A_51 = arith.constant 0 : i32
    %dma_start3A_52 = tpu.memref_slice %arg19[%dma_start3A, %dma_start3A_51] : memref<32x128xf32, #tpu.memory_space<vmem>> -> memref<16x128xf32, #tpu.memory_space<vmem>>
    %dma_start3A_53 = arith.constant 0 : i32
    %dma_start3A_54 = arith.constant 0 : i32
    %dma_start3A_55 = tpu.memref_slice %arg5[%dma_start3A_53, %dma_start3A_54] : memref<10240x128xf32, #tpu.memory_space<hbm>> -> memref<10240x128xf32, #tpu.memory_space<hbm>>
    tpu.enqueue_indirect_dma source(%dma_start3A_55 : memref<10240x128xf32, #tpu.memory_space<hbm>>) target(%dma_start3A_52 : memref<16x128xf32, #tpu.memory_space<vmem>>) offsets(%arg13 : memref<16xi32, #tpu.memory_space<vmem>>) semaphore(%arg27 : memref<!tpu.dma_semaphore, #tpu.memory_space<semaphore_mem>>)
    %dma_start3A_56 = arith.constant 0 : i32
    %dma_start3A_57 = arith.constant 0 : i32
    %dma_start3A_58 = tpu.memref_slice %arg20[%dma_start3A_56, %dma_start3A_57] : memref<32x128xf32, #tpu.memory_space<vmem>> -> memref<16x128xf32, #tpu.memory_space<vmem>>
    %dma_start3A_59 = arith.constant 0 : i32
    %dma_start3A_60 = arith.constant 0 : i32
    %dma_start3A_61 = tpu.memref_slice %arg6[%dma_start3A_59, %dma_start3A_60] : memref<10240x128xf32, #tpu.memory_space<hbm>> -> memref<10240x128xf32, #tpu.memory_space<hbm>>
    tpu.enqueue_indirect_dma source(%dma_start3A_61 : memref<10240x128xf32, #tpu.memory_space<hbm>>) target(%dma_start3A_58 : memref<16x128xf32, #tpu.memory_space<vmem>>) offsets(%arg13 : memref<16xi32, #tpu.memory_space<vmem>>) semaphore(%arg28 : memref<!tpu.dma_semaphore, #tpu.memory_space<semaphore_mem>>)
    %dma_start3A_62 = arith.constant 0 : i32
    %dma_start3A_63 = arith.constant 0 : i32
    %dma_start3A_64 = tpu.memref_slice %arg18[%dma_start3A_62, %dma_start3A_63] : memref<32x128xf32, #tpu.memory_space<vmem>> -> memref<16x128xf32, #tpu.memory_space<vmem>>
    %dma_start3A_65 = arith.constant 0 : i32
    %dma_start3A_66 = arith.constant 0 : i32
    %dma_start3A_67 = tpu.memref_slice %arg4[%dma_start3A_65, %dma_start3A_66] : memref<10240x128xf32, #tpu.memory_space<hbm>> -> memref<10240x128xf32, #tpu.memory_space<hbm>>
    tpu.enqueue_indirect_dma source(%dma_start3A_67 : memref<10240x128xf32, #tpu.memory_space<hbm>>) target(%dma_start3A_64 : memref<16x128xf32, #tpu.memory_space<vmem>>) offsets(%arg14 : memref<16xi32, #tpu.memory_space<vmem>>) semaphore(%arg29 : memref<!tpu.dma_semaphore, #tpu.memory_space<semaphore_mem>>)
    %dma_start3A_68 = arith.constant 0 : i32
    %dma_start3A_69 = arith.constant 0 : i32
    %dma_start3A_70 = tpu.memref_slice %arg21[%dma_start3A_68, %dma_start3A_69] : memref<32x128xf32, #tpu.memory_space<vmem>> -> memref<16x128xf32, #tpu.memory_space<vmem>>
    %dma_start3A_71 = arith.constant 0 : i32
    %dma_start3A_72 = tpu.memref_slice %arg7[%add3A_36, %dma_start3A_71] : memref<320000x128xf32, #tpu.memory_space<hbm>> -> memref<16x128xf32, #tpu.memory_space<hbm>>
    %dma_start3A_73 = arith.constant 0 : i32
    %dma_start3A_74 = arith.constant 0 : i32
    %dma_start3A_75 = tpu.memref_slice %arg21[%dma_start3A_73, %dma_start3A_74] : memref<32x128xf32, #tpu.memory_space<vmem>> -> memref<16x128xf32, #tpu.memory_space<vmem>>
    %dma_start3A_76 = arith.constant 0 : i32
    %dma_start3A_77 = tpu.memref_slice %arg7[%add3A_36, %dma_start3A_76] : memref<320000x128xf32, #tpu.memory_space<hbm>> -> memref<16x128xf32, #tpu.memory_space<hbm>>
    tpu.enqueue_dma source(%dma_start3A_77 : memref<16x128xf32, #tpu.memory_space<hbm>>) target(%dma_start3A_75 : memref<16x128xf32, #tpu.memory_space<vmem>>) target_semaphore(%arg30 : memref<!tpu.dma_semaphore, #tpu.memory_space<semaphore_mem>>)
    %dma_wait3A = arith.constant 0 : i32
    %dma_wait3A_78 = arith.constant 0 : i32
    %dma_wait3A_79 = tpu.memref_slice %arg19[%dma_wait3A, %dma_wait3A_78] : memref<32x128xf32, #tpu.memory_space<vmem>> -> memref<16x128xf32, #tpu.memory_space<vmem>>
    %dma_wait3A_80 = arith.constant 0 : i32
    %dma_wait3A_81 = arith.constant 0 : i32
    %dma_wait3A_82 = tpu.memref_slice %arg5[%dma_wait3A_80, %dma_wait3A_81] : memref<10240x128xf32, #tpu.memory_space<hbm>> -> memref<10240x128xf32, #tpu.memory_space<hbm>>
    tpu.wait_indirect_dma semaphore(%arg27 : memref<!tpu.dma_semaphore, #tpu.memory_space<semaphore_mem>>) src(%dma_wait3A_82 : memref<10240x128xf32, #tpu.memory_space<hbm>>) dst(%dma_wait3A_79 : memref<16x128xf32, #tpu.memory_space<vmem>>)
    %dma_wait3A_83 = arith.constant 0 : i32
    %dma_wait3A_84 = arith.constant 0 : i32
    %dma_wait3A_85 = tpu.memref_slice %arg20[%dma_wait3A_83, %dma_wait3A_84] : memref<32x128xf32, #tpu.memory_space<vmem>> -> memref<16x128xf32, #tpu.memory_space<vmem>>
    %dma_wait3A_86 = arith.constant 0 : i32
    %dma_wait3A_87 = arith.constant 0 : i32
    %dma_wait3A_88 = tpu.memref_slice %arg6[%dma_wait3A_86, %dma_wait3A_87] : memref<10240x128xf32, #tpu.memory_space<hbm>> -> memref<10240x128xf32, #tpu.memory_space<hbm>>
    tpu.wait_indirect_dma semaphore(%arg28 : memref<!tpu.dma_semaphore, #tpu.memory_space<semaphore_mem>>) src(%dma_wait3A_88 : memref<10240x128xf32, #tpu.memory_space<hbm>>) dst(%dma_wait3A_85 : memref<16x128xf32, #tpu.memory_space<vmem>>)
    %dma_wait3A_89 = arith.constant 0 : i32
    %dma_wait3A_90 = arith.constant 0 : i32
    %dma_wait3A_91 = tpu.memref_slice %arg18[%dma_wait3A_89, %dma_wait3A_90] : memref<32x128xf32, #tpu.memory_space<vmem>> -> memref<16x128xf32, #tpu.memory_space<vmem>>
    %dma_wait3A_92 = arith.constant 0 : i32
    %dma_wait3A_93 = arith.constant 0 : i32
    %dma_wait3A_94 = tpu.memref_slice %arg4[%dma_wait3A_92, %dma_wait3A_93] : memref<10240x128xf32, #tpu.memory_space<hbm>> -> memref<10240x128xf32, #tpu.memory_space<hbm>>
    tpu.wait_indirect_dma semaphore(%arg29 : memref<!tpu.dma_semaphore, #tpu.memory_space<semaphore_mem>>) src(%dma_wait3A_94 : memref<10240x128xf32, #tpu.memory_space<hbm>>) dst(%dma_wait3A_91 : memref<16x128xf32, #tpu.memory_space<vmem>>)
    %dma_wait3A_95 = arith.constant 0 : i32
    %dma_wait3A_96 = arith.constant 0 : i32
    %dma_wait3A_97 = tpu.memref_slice %arg21[%dma_wait3A_95, %dma_wait3A_96] : memref<32x128xf32, #tpu.memory_space<vmem>> -> memref<16x128xf32, #tpu.memory_space<vmem>>
    %dma_wait3A_98 = arith.constant 0 : i32
    %dma_wait3A_99 = tpu.memref_slice %arg7[%add3A_36, %dma_wait3A_98] : memref<320000x128xf32, #tpu.memory_space<hbm>> -> memref<16x128xf32, #tpu.memory_space<hbm>>
    %dma_wait3A_100 = arith.constant 0 : i32
    %dma_wait3A_101 = arith.constant 0 : i32
    %dma_wait3A_102 = tpu.memref_slice %arg21[%dma_wait3A_100, %dma_wait3A_101] : memref<32x128xf32, #tpu.memory_space<vmem>> -> memref<16x128xf32, #tpu.memory_space<vmem>>
    %dma_wait3A_103 = arith.constant 0 : i32
    %dma_wait3A_104 = tpu.memref_slice %arg7[%add3A_36, %dma_wait3A_103] : memref<320000x128xf32, #tpu.memory_space<hbm>> -> memref<16x128xf32, #tpu.memory_space<hbm>>
    tpu.wait_dma2 semaphore(%arg30 : memref<!tpu.dma_semaphore, #tpu.memory_space<semaphore_mem>>) src(%dma_wait3A_104 : memref<16x128xf32, #tpu.memory_space<hbm>>) dst(%dma_wait3A_102 : memref<16x128xf32, #tpu.memory_space<vmem>>)
    %scan3A_105 = arith.constant 0 : i32
    %scan3A_106 = arith.constant 0 : i32
    %scan3A_107 = arith.constant 8 : i32
    %scan3A_108 = arith.addi %scan3A_106, %scan3A_107 : i32
    %scan3A_109 = arith.constant 1 : i32
    %scan3A_110 = scf.for %scan3A_146 = %scan3A_106 to %scan3A_108 step %scan3A_109 iter_args(%scan3A_147 = %scan3A_105) -> (i32)  : i32 {
      %jit3A = arith.constant 8 : i32
      %div3A = arith.divsi %scan3A_146, %jit3A : i32
      %sign3A = arith.constant 0 : i32
      %sign3A_148 = arith.cmpi sgt, %scan3A_146, %sign3A : i32
      %sign3A_149 = arith.extui %sign3A_148 : i1 to i32
      %sign3A_150 = arith.constant 0 : i32
      %sign3A_151 = arith.cmpi slt, %scan3A_146, %sign3A_150 : i32
      %sign3A_152 = arith.extui %sign3A_151 : i1 to i32
      %sign3A_153 = arith.subi %sign3A_149, %sign3A_152 : i32
      %sign3A_154 = arith.constant 0 : i32
      %sign3A_155 = arith.cmpi sgt, %jit3A, %sign3A_154 : i32
      %sign3A_156 = arith.extui %sign3A_155 : i1 to i32
      %sign3A_157 = arith.constant 0 : i32
      %sign3A_158 = arith.cmpi slt, %jit3A, %sign3A_157 : i32
      %sign3A_159 = arith.extui %sign3A_158 : i1 to i32
      %sign3A_160 = arith.subi %sign3A_156, %sign3A_159 : i32
      %ne3A = arith.cmpi ne, %sign3A_153, %sign3A_160 : i32
      %rem3A = arith.remsi %scan3A_146, %jit3A : i32
      %ne3A_161 = arith.constant 0 : i32
      %ne3A_162 = arith.cmpi ne, %rem3A, %ne3A_161 : i32
      %and3A = arith.andi %ne3A, %ne3A_162 : i1
      %sub3A = arith.constant 1 : i32
      %sub3A_163 = arith.subi %div3A, %sub3A : i32
      %select_n3A = arith.select %and3A, %sub3A_163, %div3A : i32
      %jit3A_164 = arith.constant 8 : i32
      %eq3A = arith.constant 0 : i32
      %eq3A_165 = arith.cmpi eq, %jit3A_164, %eq3A : i32
      %jit3A_166 = arith.constant 1 : i32
      %select_n3A_167 = arith.select %eq3A_165, %jit3A_166, %jit3A_164 : i32
      %rem3A_168 = arith.remsi %scan3A_146, %select_n3A_167 : i32
      %ne3A_169 = arith.constant 0 : i32
      %ne3A_170 = arith.cmpi ne, %rem3A_168, %ne3A_169 : i32
      %lt3A = arith.constant 0 : i32
      %lt3A_171 = arith.cmpi slt, %rem3A_168, %lt3A : i32
      %lt3A_172 = arith.constant 0 : i32
      %lt3A_173 = arith.cmpi slt, %select_n3A_167, %lt3A_172 : i32
      %ne3A_174 = arith.xori %lt3A_171, %lt3A_173 : i1
      %and3A_175 = arith.andi %ne3A_174, %ne3A_170 : i1
      %add3A_176 = arith.addi %rem3A_168, %select_n3A_167 : i32
      %select_n3A_177 = arith.select %and3A_175, %add3A_176, %rem3A_168 : i32
      %mul3A_178 = arith.constant 16 : i32
      %mul3A_179 = arith.muli %select_n3A, %mul3A_178 : i32
      %add3A_180 = vector.broadcast %mul3A_179 : i32 to vector<16xi32>
      %add3A_181 = arith.addi %add3A_180, %iota3A : vector<16xi32>
      %mul3A_182 = arith.constant 16 : i32
      %mul3A_183 = arith.muli %select_n3A_177, %mul3A_182 : i32
      %gather3A = tpu.vector_load_idx %arg14[%add3A_181] : memref<16xi32, #tpu.memory_space<vmem>>[vector<16xi32>], vector<16xi32>,
      %and3A_184 = arith.constant 7 : i32
      %and3A_185 = vector.broadcast %and3A_184 : i32 to vector<16xi32>
      %and3A_186 = arith.andi %gather3A, %and3A_185 : vector<16xi32>
      %shift_left3A = arith.constant 4 : i32
      %shift_left3A_187 = vector.broadcast %shift_left3A : i32 to vector<16xi32>
      %shift_left3A_188 = arith.shli %and3A_186, %shift_left3A_187 : vector<16xi32>
      %add3A_189 = vector.broadcast %select_n3A_177 : i32 to vector<16xi32>
      %add3A_190 = arith.addi %shift_left3A_188, %add3A_189 : vector<16xi32>
      %broadcast_in_dim3A_191 = arith.constant 0.000000e+00 : f32
      %broadcast_in_dim3A_192 = vector.broadcast %broadcast_in_dim3A_191 : f32 to vector<16xf32>
      %add3A_193 = arith.constant 0 : i32
      %add3A_194 = arith.addi %mul3A_183, %add3A_193 : i32
      %broadcast_in_dim3A_195 = vector.broadcast %add3A_194 : i32 to vector<16xi32>
      %gather3A_196 = tpu.vector_load_idx %arg18[%add3A_181, %broadcast_in_dim3A_195] : memref<32x128xf32, #tpu.memory_space<vmem>>[vector<16xi32>, vector<16xi32>], vector<16xf32>,
      %gather3A_197 = tpu.vector_load_idx %arg19[%add3A_181, %broadcast_in_dim3A_195] : memref<32x128xf32, #tpu.memory_space<vmem>>[vector<16xi32>, vector<16xi32>], vector<16xf32>,
      %gather3A_198 = tpu.vector_load_idx %arg21[%add3A_181, %broadcast_in_dim3A_195] : memref<32x128xf32, #tpu.memory_space<vmem>>[vector<16xi32>, vector<16xi32>], vector<16xf32>,
      %add3A_199 = arith.addf %gather3A_197, %gather3A_198 : vector<16xf32>
      %mul3A_200 = arith.mulf %gather3A_196, %add3A_199 : vector<16xf32>
      %add3A_201 = arith.addf %broadcast_in_dim3A_192, %mul3A_200 : vector<16xf32>
      %add3A_202 = arith.constant 1 : i32
      %add3A_203 = arith.addi %mul3A_183, %add3A_202 : i32
      %broadcast_in_dim3A_204 = vector.broadcast %add3A_203 : i32 to vector<16xi32>
      %gather3A_205 = tpu.vector_load_idx %arg18[%add3A_181, %broadcast_in_dim3A_204] : memref<32x128xf32, #tpu.memory_space<vmem>>[vector<16xi32>, vector<16xi32>], vector<16xf32>,
      %gather3A_206 = tpu.vector_load_idx %arg19[%add3A_181, %broadcast_in_dim3A_204] : memref<32x128xf32, #tpu.memory_space<vmem>>[vector<16xi32>, vector<16xi32>], vector<16xf32>,
      %gather3A_207 = tpu.vector_load_idx %arg21[%add3A_181, %broadcast_in_dim3A_204] : memref<32x128xf32, #tpu.memory_space<vmem>>[vector<16xi32>, vector<16xi32>], vector<16xf32>,
      %add3A_208 = arith.addf %gather3A_206, %gather3A_207 : vector<16xf32>
      %mul3A_209 = arith.mulf %gather3A_205, %add3A_208 : vector<16xf32>
      %add3A_210 = arith.addf %add3A_201, %mul3A_209 : vector<16xf32>
      %add3A_211 = arith.constant 2 : i32
      %add3A_212 = arith.addi %mul3A_183, %add3A_211 : i32
      %broadcast_in_dim3A_213 = vector.broadcast %add3A_212 : i32 to vector<16xi32>
      %gather3A_214 = tpu.vector_load_idx %arg18[%add3A_181, %broadcast_in_dim3A_213] : memref<32x128xf32, #tpu.memory_space<vmem>>[vector<16xi32>, vector<16xi32>], vector<16xf32>,
      %gather3A_215 = tpu.vector_load_idx %arg19[%add3A_181, %broadcast_in_dim3A_213] : memref<32x128xf32, #tpu.memory_space<vmem>>[vector<16xi32>, vector<16xi32>], vector<16xf32>,
      %gather3A_216 = tpu.vector_load_idx %arg21[%add3A_181, %broadcast_in_dim3A_213] : memref<32x128xf32, #tpu.memory_space<vmem>>[vector<16xi32>, vector<16xi32>], vector<16xf32>,
      %add3A_217 = arith.addf %gather3A_215, %gather3A_216 : vector<16xf32>
      %mul3A_218 = arith.mulf %gather3A_214, %add3A_217 : vector<16xf32>
      %add3A_219 = arith.addf %add3A_210, %mul3A_218 : vector<16xf32>
      %add3A_220 = arith.constant 3 : i32
      %add3A_221 = arith.addi %mul3A_183, %add3A_220 : i32
      %broadcast_in_dim3A_222 = vector.broadcast %add3A_221 : i32 to vector<16xi32>
      %gather3A_223 = tpu.vector_load_idx %arg18[%add3A_181, %broadcast_in_dim3A_222] : memref<32x128xf32, #tpu.memory_space<vmem>>[vector<16xi32>, vector<16xi32>], vector<16xf32>,
      %gather3A_224 = tpu.vector_load_idx %arg19[%add3A_181, %broadcast_in_dim3A_222] : memref<32x128xf32, #tpu.memory_space<vmem>>[vector<16xi32>, vector<16xi32>], vector<16xf32>,
      %gather3A_225 = tpu.vector_load_idx %arg21[%add3A_181, %broadcast_in_dim3A_222] : memref<32x128xf32, #tpu.memory_space<vmem>>[vector<16xi32>, vector<16xi32>], vector<16xf32>,
      %add3A_226 = arith.addf %gather3A_224, %gather3A_225 : vector<16xf32>
      %mul3A_227 = arith.mulf %gather3A_223, %add3A_226 : vector<16xf32>
      %add3A_228 = arith.addf %add3A_219, %mul3A_227 : vector<16xf32>
      %add3A_229 = arith.constant 4 : i32
      %add3A_230 = arith.addi %mul3A_183, %add3A_229 : i32
      %broadcast_in_dim3A_231 = vector.broadcast %add3A_230 : i32 to vector<16xi32>
      %gather3A_232 = tpu.vector_load_idx %arg18[%add3A_181, %broadcast_in_dim3A_231] : memref<32x128xf32, #tpu.memory_space<vmem>>[vector<16xi32>, vector<16xi32>], vector<16xf32>,
      %gather3A_233 = tpu.vector_load_idx %arg19[%add3A_181, %broadcast_in_dim3A_231] : memref<32x128xf32, #tpu.memory_space<vmem>>[vector<16xi32>, vector<16xi32>], vector<16xf32>,
      %gather3A_234 = tpu.vector_load_idx %arg21[%add3A_181, %broadcast_in_dim3A_231] : memref<32x128xf32, #tpu.memory_space<vmem>>[vector<16xi32>, vector<16xi32>], vector<16xf32>,
      %add3A_235 = arith.addf %gather3A_233, %gather3A_234 : vector<16xf32>
      %mul3A_236 = arith.mulf %gather3A_232, %add3A_235 : vector<16xf32>
      %add3A_237 = arith.addf %add3A_228, %mul3A_236 : vector<16xf32>
      %add3A_238 = arith.constant 5 : i32
      %add3A_239 = arith.addi %mul3A_183, %add3A_238 : i32
      %broadcast_in_dim3A_240 = vector.broadcast %add3A_239 : i32 to vector<16xi32>
      %gather3A_241 = tpu.vector_load_idx %arg18[%add3A_181, %broadcast_in_dim3A_240] : memref<32x128xf32, #tpu.memory_space<vmem>>[vector<16xi32>, vector<16xi32>], vector<16xf32>,
      %gather3A_242 = tpu.vector_load_idx %arg19[%add3A_181, %broadcast_in_dim3A_240] : memref<32x128xf32, #tpu.memory_space<vmem>>[vector<16xi32>, vector<16xi32>], vector<16xf32>,
      %gather3A_243 = tpu.vector_load_idx %arg21[%add3A_181, %broadcast_in_dim3A_240] : memref<32x128xf32, #tpu.memory_space<vmem>>[vector<16xi32>, vector<16xi32>], vector<16xf32>,
      %add3A_244 = arith.addf %gather3A_242, %gather3A_243 : vector<16xf32>
      %mul3A_245 = arith.mulf %gather3A_241, %add3A_244 : vector<16xf32>
      %add3A_246 = arith.addf %add3A_237, %mul3A_245 : vector<16xf32>
      %add3A_247 = arith.constant 6 : i32
      %add3A_248 = arith.addi %mul3A_183, %add3A_247 : i32
      %broadcast_in_dim3A_249 = vector.broadcast %add3A_248 : i32 to vector<16xi32>
      %gather3A_250 = tpu.vector_load_idx %arg18[%add3A_181, %broadcast_in_dim3A_249] : memref<32x128xf32, #tpu.memory_space<vmem>>[vector<16xi32>, vector<16xi32>], vector<16xf32>,
      %gather3A_251 = tpu.vector_load_idx %arg19[%add3A_181, %broadcast_in_dim3A_249] : memref<32x128xf32, #tpu.memory_space<vmem>>[vector<16xi32>, vector<16xi32>], vector<16xf32>,
      %gather3A_252 = tpu.vector_load_idx %arg21[%add3A_181, %broadcast_in_dim3A_249] : memref<32x128xf32, #tpu.memory_space<vmem>>[vector<16xi32>, vector<16xi32>], vector<16xf32>,
      %add3A_253 = arith.addf %gather3A_251, %gather3A_252 : vector<16xf32>
      %mul3A_254 = arith.mulf %gather3A_250, %add3A_253 : vector<16xf32>
      %add3A_255 = arith.addf %add3A_246, %mul3A_254 : vector<16xf32>
      %add3A_256 = arith.constant 7 : i32
      %add3A_257 = arith.addi %mul3A_183, %add3A_256 : i32
      %broadcast_in_dim3A_258 = vector.broadcast %add3A_257 : i32 to vector<16xi32>
      %gather3A_259 = tpu.vector_load_idx %arg18[%add3A_181, %broadcast_in_dim3A_258] : memref<32x128xf32, #tpu.memory_space<vmem>>[vector<16xi32>, vector<16xi32>], vector<16xf32>,
      %gather3A_260 = tpu.vector_load_idx %arg19[%add3A_181, %broadcast_in_dim3A_258] : memref<32x128xf32, #tpu.memory_space<vmem>>[vector<16xi32>, vector<16xi32>], vector<16xf32>,
      %gather3A_261 = tpu.vector_load_idx %arg21[%add3A_181, %broadcast_in_dim3A_258] : memref<32x128xf32, #tpu.memory_space<vmem>>[vector<16xi32>, vector<16xi32>], vector<16xf32>,
      %add3A_262 = arith.addf %gather3A_260, %gather3A_261 : vector<16xf32>
      %mul3A_263 = arith.mulf %gather3A_259, %add3A_262 : vector<16xf32>
      %add3A_264 = arith.addf %add3A_255, %mul3A_263 : vector<16xf32>
      %add3A_265 = arith.constant 8 : i32
      %add3A_266 = arith.addi %mul3A_183, %add3A_265 : i32
      %broadcast_in_dim3A_267 = vector.broadcast %add3A_266 : i32 to vector<16xi32>
      %gather3A_268 = tpu.vector_load_idx %arg18[%add3A_181, %broadcast_in_dim3A_267] : memref<32x128xf32, #tpu.memory_space<vmem>>[vector<16xi32>, vector<16xi32>], vector<16xf32>,
      %gather3A_269 = tpu.vector_load_idx %arg19[%add3A_181, %broadcast_in_dim3A_267] : memref<32x128xf32, #tpu.memory_space<vmem>>[vector<16xi32>, vector<16xi32>], vector<16xf32>,
      %gather3A_270 = tpu.vector_load_idx %arg21[%add3A_181, %broadcast_in_dim3A_267] : memref<32x128xf32, #tpu.memory_space<vmem>>[vector<16xi32>, vector<16xi32>], vector<16xf32>,
      %add3A_271 = arith.addf %gather3A_269, %gather3A_270 : vector<16xf32>
      %mul3A_272 = arith.mulf %gather3A_268, %add3A_271 : vector<16xf32>
      %add3A_273 = arith.addf %add3A_264, %mul3A_272 : vector<16xf32>
      %add3A_274 = arith.constant 9 : i32
      %add3A_275 = arith.addi %mul3A_183, %add3A_274 : i32
      %broadcast_in_dim3A_276 = vector.broadcast %add3A_275 : i32 to vector<16xi32>
      %gather3A_277 = tpu.vector_load_idx %arg18[%add3A_181, %broadcast_in_dim3A_276] : memref<32x128xf32, #tpu.memory_space<vmem>>[vector<16xi32>, vector<16xi32>], vector<16xf32>,
      %gather3A_278 = tpu.vector_load_idx %arg19[%add3A_181, %broadcast_in_dim3A_276] : memref<32x128xf32, #tpu.memory_space<vmem>>[vector<16xi32>, vector<16xi32>], vector<16xf32>,
      %gather3A_279 = tpu.vector_load_idx %arg21[%add3A_181, %broadcast_in_dim3A_276] : memref<32x128xf32, #tpu.memory_space<vmem>>[vector<16xi32>, vector<16xi32>], vector<16xf32>,
      %add3A_280 = arith.addf %gather3A_278, %gather3A_279 : vector<16xf32>
      %mul3A_281 = arith.mulf %gather3A_277, %add3A_280 : vector<16xf32>
      %add3A_282 = arith.addf %add3A_273, %mul3A_281 : vector<16xf32>
      %add3A_283 = arith.constant 10 : i32
      %add3A_284 = arith.addi %mul3A_183, %add3A_283 : i32
      %broadcast_in_dim3A_285 = vector.broadcast %add3A_284 : i32 to vector<16xi32>
      %gather3A_286 = tpu.vector_load_idx %arg18[%add3A_181, %broadcast_in_dim3A_285] : memref<32x128xf32, #tpu.memory_space<vmem>>[vector<16xi32>, vector<16xi32>], vector<16xf32>,
      %gather3A_287 = tpu.vector_load_idx %arg19[%add3A_181, %broadcast_in_dim3A_285] : memref<32x128xf32, #tpu.memory_space<vmem>>[vector<16xi32>, vector<16xi32>], vector<16xf32>,
      %gather3A_288 = tpu.vector_load_idx %arg21[%add3A_181, %broadcast_in_dim3A_285] : memref<32x128xf32, #tpu.memory_space<vmem>>[vector<16xi32>, vector<16xi32>], vector<16xf32>,
      %add3A_289 = arith.addf %gather3A_287, %gather3A_288 : vector<16xf32>
      %mul3A_290 = arith.mulf %gather3A_286, %add3A_289 : vector<16xf32>
      %add3A_291 = arith.addf %add3A_282, %mul3A_290 : vector<16xf32>
      %add3A_292 = arith.constant 11 : i32
      %add3A_293 = arith.addi %mul3A_183, %add3A_292 : i32
      %broadcast_in_dim3A_294 = vector.broadcast %add3A_293 : i32 to vector<16xi32>
      %gather3A_295 = tpu.vector_load_idx %arg18[%add3A_181, %broadcast_in_dim3A_294] : memref<32x128xf32, #tpu.memory_space<vmem>>[vector<16xi32>, vector<16xi32>], vector<16xf32>,
      %gather3A_296 = tpu.vector_load_idx %arg19[%add3A_181, %broadcast_in_dim3A_294] : memref<32x128xf32, #tpu.memory_space<vmem>>[vector<16xi32>, vector<16xi32>], vector<16xf32>,
      %gather3A_297 = tpu.vector_load_idx %arg21[%add3A_181, %broadcast_in_dim3A_294] : memref<32x128xf32, #tpu.memory_space<vmem>>[vector<16xi32>, vector<16xi32>], vector<16xf32>,
      %add3A_298 = arith.addf %gather3A_296, %gather3A_297 : vector<16xf32>
      %mul3A_299 = arith.mulf %gather3A_295, %add3A_298 : vector<16xf32>
      %add3A_300 = arith.addf %add3A_291, %mul3A_299 : vector<16xf32>
      %add3A_301 = arith.constant 12 : i32
      %add3A_302 = arith.addi %mul3A_183, %add3A_301 : i32
      %broadcast_in_dim3A_303 = vector.broadcast %add3A_302 : i32 to vector<16xi32>
      %gather3A_304 = tpu.vector_load_idx %arg18[%add3A_181, %broadcast_in_dim3A_303] : memref<32x128xf32, #tpu.memory_space<vmem>>[vector<16xi32>, vector<16xi32>], vector<16xf32>,
      %gather3A_305 = tpu.vector_load_idx %arg19[%add3A_181, %broadcast_in_dim3A_303] : memref<32x128xf32, #tpu.memory_space<vmem>>[vector<16xi32>, vector<16xi32>], vector<16xf32>,
      %gather3A_306 = tpu.vector_load_idx %arg21[%add3A_181, %broadcast_in_dim3A_303] : memref<32x128xf32, #tpu.memory_space<vmem>>[vector<16xi32>, vector<16xi32>], vector<16xf32>,
      %add3A_307 = arith.addf %gather3A_305, %gather3A_306 : vector<16xf32>
      %mul3A_308 = arith.mulf %gather3A_304, %add3A_307 : vector<16xf32>
      %add3A_309 = arith.addf %add3A_300, %mul3A_308 : vector<16xf32>
      %add3A_310 = arith.constant 13 : i32
      %add3A_311 = arith.addi %mul3A_183, %add3A_310 : i32
      %broadcast_in_dim3A_312 = vector.broadcast %add3A_311 : i32 to vector<16xi32>
      %gather3A_313 = tpu.vector_load_idx %arg18[%add3A_181, %broadcast_in_dim3A_312] : memref<32x128xf32, #tpu.memory_space<vmem>>[vector<16xi32>, vector<16xi32>], vector<16xf32>,
      %gather3A_314 = tpu.vector_load_idx %arg19[%add3A_181, %broadcast_in_dim3A_312] : memref<32x128xf32, #tpu.memory_space<vmem>>[vector<16xi32>, vector<16xi32>], vector<16xf32>,
      %gather3A_315 = tpu.vector_load_idx %arg21[%add3A_181, %broadcast_in_dim3A_312] : memref<32x128xf32, #tpu.memory_space<vmem>>[vector<16xi32>, vector<16xi32>], vector<16xf32>,
      %add3A_316 = arith.addf %gather3A_314, %gather3A_315 : vector<16xf32>
      %mul3A_317 = arith.mulf %gather3A_313, %add3A_316 : vector<16xf32>
      %add3A_318 = arith.addf %add3A_309, %mul3A_317 : vector<16xf32>
      %add3A_319 = arith.constant 14 : i32
      %add3A_320 = arith.addi %mul3A_183, %add3A_319 : i32
      %broadcast_in_dim3A_321 = vector.broadcast %add3A_320 : i32 to vector<16xi32>
      %gather3A_322 = tpu.vector_load_idx %arg18[%add3A_181, %broadcast_in_dim3A_321] : memref<32x128xf32, #tpu.memory_space<vmem>>[vector<16xi32>, vector<16xi32>], vector<16xf32>,
      %gather3A_323 = tpu.vector_load_idx %arg19[%add3A_181, %broadcast_in_dim3A_321] : memref<32x128xf32, #tpu.memory_space<vmem>>[vector<16xi32>, vector<16xi32>], vector<16xf32>,
      %gather3A_324 = tpu.vector_load_idx %arg21[%add3A_181, %broadcast_in_dim3A_321] : memref<32x128xf32, #tpu.memory_space<vmem>>[vector<16xi32>, vector<16xi32>], vector<16xf32>,
      %add3A_325 = arith.addf %gather3A_323, %gather3A_324 : vector<16xf32>
      %mul3A_326 = arith.mulf %gather3A_322, %add3A_325 : vector<16xf32>
      %add3A_327 = arith.addf %add3A_318, %mul3A_326 : vector<16xf32>
      %add3A_328 = arith.constant 15 : i32
      %add3A_329 = arith.addi %mul3A_183, %add3A_328 : i32
      %broadcast_in_dim3A_330 = vector.broadcast %add3A_329 : i32 to vector<16xi32>
      %gather3A_331 = tpu.vector_load_idx %arg18[%add3A_181, %broadcast_in_dim3A_330] : memref<32x128xf32, #tpu.memory_space<vmem>>[vector<16xi32>, vector<16xi32>], vector<16xf32>,
      %gather3A_332 = tpu.vector_load_idx %arg19[%add3A_181, %broadcast_in_dim3A_330] : memref<32x128xf32, #tpu.memory_space<vmem>>[vector<16xi32>, vector<16xi32>], vector<16xf32>,
      %gather3A_333 = tpu.vector_load_idx %arg21[%add3A_181, %broadcast_in_dim3A_330] : memref<32x128xf32, #tpu.memory_space<vmem>>[vector<16xi32>, vector<16xi32>], vector<16xf32>,
      %add3A_334 = arith.addf %gather3A_332, %gather3A_333 : vector<16xf32>
      %mul3A_335 = arith.mulf %gather3A_331, %add3A_334 : vector<16xf32>
      %add3A_336 = arith.addf %add3A_327, %mul3A_335 : vector<16xf32>
      %mul3A_337 = arith.constant 2.500000e-01 : f32
      %mul3A_338 = vector.broadcast %mul3A_337 : f32 to vector<16xf32>
      %mul3A_339 = arith.mulf %add3A_336, %mul3A_338 : vector<16xf32>
      %exp3A = math.exp %mul3A_339 : vector<16xf32>
      tpu.vector_store_idx %arg22[%add3A_181, %add3A_190], %exp3A : memref<32x128xf32, #tpu.memory_space<vmem>>[vector<16xi32>, vector<16xi32>], vector<16xf32>,
      %add3A_340 = arith.constant 0 : i32
      %add3A_341 = arith.addi %mul3A_183, %add3A_340 : i32
      %broadcast_in_dim3A_342 = vector.broadcast %add3A_341 : i32 to vector<16xi32>
      %gather3A_343 = tpu.vector_load_idx %arg20[%add3A_181, %broadcast_in_dim3A_342] : memref<32x128xf32, #tpu.memory_space<vmem>>[vector<16xi32>, vector<16xi32>], vector<16xf32>,
      %add3A_344 = arith.addf %gather3A_343, %gather3A_198 : vector<16xf32>
      %mul3A_345 = arith.mulf %add3A_344, %exp3A : vector<16xf32>
      tpu.vector_store_idx %arg21[%add3A_181, %broadcast_in_dim3A_342], %mul3A_345 : memref<32x128xf32, #tpu.memory_space<vmem>>[vector<16xi32>, vector<16xi32>], vector<16xf32>,
      %add3A_346 = arith.constant 1 : i32
      %add3A_347 = arith.addi %mul3A_183, %add3A_346 : i32
      %broadcast_in_dim3A_348 = vector.broadcast %add3A_347 : i32 to vector<16xi32>
      %gather3A_349 = tpu.vector_load_idx %arg20[%add3A_181, %broadcast_in_dim3A_348] : memref<32x128xf32, #tpu.memory_space<vmem>>[vector<16xi32>, vector<16xi32>], vector<16xf32>,
      %add3A_350 = arith.addf %gather3A_349, %gather3A_207 : vector<16xf32>
      %mul3A_351 = arith.mulf %add3A_350, %exp3A : vector<16xf32>
      tpu.vector_store_idx %arg21[%add3A_181, %broadcast_in_dim3A_348], %mul3A_351 : memref<32x128xf32, #tpu.memory_space<vmem>>[vector<16xi32>, vector<16xi32>], vector<16xf32>,
      %add3A_352 = arith.constant 2 : i32
      %add3A_353 = arith.addi %mul3A_183, %add3A_352 : i32
      %broadcast_in_dim3A_354 = vector.broadcast %add3A_353 : i32 to vector<16xi32>
      %gather3A_355 = tpu.vector_load_idx %arg20[%add3A_181, %broadcast_in_dim3A_354] : memref<32x128xf32, #tpu.memory_space<vmem>>[vector<16xi32>, vector<16xi32>], vector<16xf32>,
      %add3A_356 = arith.addf %gather3A_355, %gather3A_216 : vector<16xf32>
      %mul3A_357 = arith.mulf %add3A_356, %exp3A : vector<16xf32>
      tpu.vector_store_idx %arg21[%add3A_181, %broadcast_in_dim3A_354], %mul3A_357 : memref<32x128xf32, #tpu.memory_space<vmem>>[vector<16xi32>, vector<16xi32>], vector<16xf32>,
      %add3A_358 = arith.constant 3 : i32
      %add3A_359 = arith.addi %mul3A_183, %add3A_358 : i32
      %broadcast_in_dim3A_360 = vector.broadcast %add3A_359 : i32 to vector<16xi32>
      %gather3A_361 = tpu.vector_load_idx %arg20[%add3A_181, %broadcast_in_dim3A_360] : memref<32x128xf32, #tpu.memory_space<vmem>>[vector<16xi32>, vector<16xi32>], vector<16xf32>,
      %add3A_362 = arith.addf %gather3A_361, %gather3A_225 : vector<16xf32>
      %mul3A_363 = arith.mulf %add3A_362, %exp3A : vector<16xf32>
      tpu.vector_store_idx %arg21[%add3A_181, %broadcast_in_dim3A_360], %mul3A_363 : memref<32x128xf32, #tpu.memory_space<vmem>>[vector<16xi32>, vector<16xi32>], vector<16xf32>,
      %add3A_364 = arith.constant 4 : i32
      %add3A_365 = arith.addi %mul3A_183, %add3A_364 : i32
      %broadcast_in_dim3A_366 = vector.broadcast %add3A_365 : i32 to vector<16xi32>
      %gather3A_367 = tpu.vector_load_idx %arg20[%add3A_181, %broadcast_in_dim3A_366] : memref<32x128xf32, #tpu.memory_space<vmem>>[vector<16xi32>, vector<16xi32>], vector<16xf32>,
      %add3A_368 = arith.addf %gather3A_367, %gather3A_234 : vector<16xf32>
      %mul3A_369 = arith.mulf %add3A_368, %exp3A : vector<16xf32>
      tpu.vector_store_idx %arg21[%add3A_181, %broadcast_in_dim3A_366], %mul3A_369 : memref<32x128xf32, #tpu.memory_space<vmem>>[vector<16xi32>, vector<16xi32>], vector<16xf32>,
      %add3A_370 = arith.constant 5 : i32
      %add3A_371 = arith.addi %mul3A_183, %add3A_370 : i32
      %broadcast_in_dim3A_372 = vector.broadcast %add3A_371 : i32 to vector<16xi32>
      %gather3A_373 = tpu.vector_load_idx %arg20[%add3A_181, %broadcast_in_dim3A_372] : memref<32x128xf32, #tpu.memory_space<vmem>>[vector<16xi32>, vector<16xi32>], vector<16xf32>,
      %add3A_374 = arith.addf %gather3A_373, %gather3A_243 : vector<16xf32>
      %mul3A_375 = arith.mulf %add3A_374, %exp3A : vector<16xf32>
      tpu.vector_store_idx %arg21[%add3A_181, %broadcast_in_dim3A_372], %mul3A_375 : memref<32x128xf32, #tpu.memory_space<vmem>>[vector<16xi32>, vector<16xi32>], vector<16xf32>,
      %add3A_376 = arith.constant 6 : i32
      %add3A_377 = arith.addi %mul3A_183, %add3A_376 : i32
      %broadcast_in_dim3A_378 = vector.broadcast %add3A_377 : i32 to vector<16xi32>
      %gather3A_379 = tpu.vector_load_idx %arg20[%add3A_181, %broadcast_in_dim3A_378] : memref<32x128xf32, #tpu.memory_space<vmem>>[vector<16xi32>, vector<16xi32>], vector<16xf32>,
      %add3A_380 = arith.addf %gather3A_379, %gather3A_252 : vector<16xf32>
      %mul3A_381 = arith.mulf %add3A_380, %exp3A : vector<16xf32>
      tpu.vector_store_idx %arg21[%add3A_181, %broadcast_in_dim3A_378], %mul3A_381 : memref<32x128xf32, #tpu.memory_space<vmem>>[vector<16xi32>, vector<16xi32>], vector<16xf32>,
      %add3A_382 = arith.constant 7 : i32
      %add3A_383 = arith.addi %mul3A_183, %add3A_382 : i32
      %broadcast_in_dim3A_384 = vector.broadcast %add3A_383 : i32 to vector<16xi32>
      %gather3A_385 = tpu.vector_load_idx %arg20[%add3A_181, %broadcast_in_dim3A_384] : memref<32x128xf32, #tpu.memory_space<vmem>>[vector<16xi32>, vector<16xi32>], vector<16xf32>,
      %add3A_386 = arith.addf %gather3A_385, %gather3A_261 : vector<16xf32>
      %mul3A_387 = arith.mulf %add3A_386, %exp3A : vector<16xf32>
      tpu.vector_store_idx %arg21[%add3A_181, %broadcast_in_dim3A_384], %mul3A_387 : memref<32x128xf32, #tpu.memory_space<vmem>>[vector<16xi32>, vector<16xi32>], vector<16xf32>,
      %add3A_388 = arith.constant 8 : i32
      %add3A_389 = arith.addi %mul3A_183, %add3A_388 : i32
      %broadcast_in_dim3A_390 = vector.broadcast %add3A_389 : i32 to vector<16xi32>
      %gather3A_391 = tpu.vector_load_idx %arg20[%add3A_181, %broadcast_in_dim3A_390] : memref<32x128xf32, #tpu.memory_space<vmem>>[vector<16xi32>, vector<16xi32>], vector<16xf32>,
      %add3A_392 = arith.addf %gather3A_391, %gather3A_270 : vector<16xf32>
      %mul3A_393 = arith.mulf %add3A_392, %exp3A : vector<16xf32>
      tpu.vector_store_idx %arg21[%add3A_181, %broadcast_in_dim3A_390], %mul3A_393 : memref<32x128xf32, #tpu.memory_space<vmem>>[vector<16xi32>, vector<16xi32>], vector<16xf32>,
      %add3A_394 = arith.constant 9 : i32
      %add3A_395 = arith.addi %mul3A_183, %add3A_394 : i32
      %broadcast_in_dim3A_396 = vector.broadcast %add3A_395 : i32 to vector<16xi32>
      %gather3A_397 = tpu.vector_load_idx %arg20[%add3A_181, %broadcast_in_dim3A_396] : memref<32x128xf32, #tpu.memory_space<vmem>>[vector<16xi32>, vector<16xi32>], vector<16xf32>,
      %add3A_398 = arith.addf %gather3A_397, %gather3A_279 : vector<16xf32>
      %mul3A_399 = arith.mulf %add3A_398, %exp3A : vector<16xf32>
      tpu.vector_store_idx %arg21[%add3A_181, %broadcast_in_dim3A_396], %mul3A_399 : memref<32x128xf32, #tpu.memory_space<vmem>>[vector<16xi32>, vector<16xi32>], vector<16xf32>,
      %add3A_400 = arith.constant 10 : i32
      %add3A_401 = arith.addi %mul3A_183, %add3A_400 : i32
      %broadcast_in_dim3A_402 = vector.broadcast %add3A_401 : i32 to vector<16xi32>
      %gather3A_403 = tpu.vector_load_idx %arg20[%add3A_181, %broadcast_in_dim3A_402] : memref<32x128xf32, #tpu.memory_space<vmem>>[vector<16xi32>, vector<16xi32>], vector<16xf32>,
      %add3A_404 = arith.addf %gather3A_403, %gather3A_288 : vector<16xf32>
      %mul3A_405 = arith.mulf %add3A_404, %exp3A : vector<16xf32>
      tpu.vector_store_idx %arg21[%add3A_181, %broadcast_in_dim3A_402], %mul3A_405 : memref<32x128xf32, #tpu.memory_space<vmem>>[vector<16xi32>, vector<16xi32>], vector<16xf32>,
      %add3A_406 = arith.constant 11 : i32
      %add3A_407 = arith.addi %mul3A_183, %add3A_406 : i32
      %broadcast_in_dim3A_408 = vector.broadcast %add3A_407 : i32 to vector<16xi32>
      %gather3A_409 = tpu.vector_load_idx %arg20[%add3A_181, %broadcast_in_dim3A_408] : memref<32x128xf32, #tpu.memory_space<vmem>>[vector<16xi32>, vector<16xi32>], vector<16xf32>,
      %add3A_410 = arith.addf %gather3A_409, %gather3A_297 : vector<16xf32>
      %mul3A_411 = arith.mulf %add3A_410, %exp3A : vector<16xf32>
      tpu.vector_store_idx %arg21[%add3A_181, %broadcast_in_dim3A_408], %mul3A_411 : memref<32x128xf32, #tpu.memory_space<vmem>>[vector<16xi32>, vector<16xi32>], vector<16xf32>,
      %add3A_412 = arith.constant 12 : i32
      %add3A_413 = arith.addi %mul3A_183, %add3A_412 : i32
      %broadcast_in_dim3A_414 = vector.broadcast %add3A_413 : i32 to vector<16xi32>
      %gather3A_415 = tpu.vector_load_idx %arg20[%add3A_181, %broadcast_in_dim3A_414] : memref<32x128xf32, #tpu.memory_space<vmem>>[vector<16xi32>, vector<16xi32>], vector<16xf32>,
      %add3A_416 = arith.addf %gather3A_415, %gather3A_306 : vector<16xf32>
      %mul3A_417 = arith.mulf %add3A_416, %exp3A : vector<16xf32>
      tpu.vector_store_idx %arg21[%add3A_181, %broadcast_in_dim3A_414], %mul3A_417 : memref<32x128xf32, #tpu.memory_space<vmem>>[vector<16xi32>, vector<16xi32>], vector<16xf32>,
      %add3A_418 = arith.constant 13 : i32
      %add3A_419 = arith.addi %mul3A_183, %add3A_418 : i32
      %broadcast_in_dim3A_420 = vector.broadcast %add3A_419 : i32 to vector<16xi32>
      %gather3A_421 = tpu.vector_load_idx %arg20[%add3A_181, %broadcast_in_dim3A_420] : memref<32x128xf32, #tpu.memory_space<vmem>>[vector<16xi32>, vector<16xi32>], vector<16xf32>,
      %add3A_422 = arith.addf %gather3A_421, %gather3A_315 : vector<16xf32>
      %mul3A_423 = arith.mulf %add3A_422, %exp3A : vector<16xf32>
      tpu.vector_store_idx %arg21[%add3A_181, %broadcast_in_dim3A_420], %mul3A_423 : memref<32x128xf32, #tpu.memory_space<vmem>>[vector<16xi32>, vector<16xi32>], vector<16xf32>,
      %add3A_424 = arith.constant 14 : i32
      %add3A_425 = arith.addi %mul3A_183, %add3A_424 : i32
      %broadcast_in_dim3A_426 = vector.broadcast %add3A_425 : i32 to vector<16xi32>
      %gather3A_427 = tpu.vector_load_idx %arg20[%add3A_181, %broadcast_in_dim3A_426] : memref<32x128xf32, #tpu.memory_space<vmem>>[vector<16xi32>, vector<16xi32>], vector<16xf32>,
      %add3A_428 = arith.addf %gather3A_427, %gather3A_324 : vector<16xf32>
      %mul3A_429 = arith.mulf %add3A_428, %exp3A : vector<16xf32>
      tpu.vector_store_idx %arg21[%add3A_181, %broadcast_in_dim3A_426], %mul3A_429 : memref<32x128xf32, #tpu.memory_space<vmem>>[vector<16xi32>, vector<16xi32>], vector<16xf32>,
      %add3A_430 = arith.constant 15 : i32
      %add3A_431 = arith.addi %mul3A_183, %add3A_430 : i32
      %broadcast_in_dim3A_432 = vector.broadcast %add3A_431 : i32 to vector<16xi32>
      %gather3A_433 = tpu.vector_load_idx %arg20[%add3A_181, %broadcast_in_dim3A_432] : memref<32x128xf32, #tpu.memory_space<vmem>>[vector<16xi32>, vector<16xi32>], vector<16xf32>,
      %add3A_434 = arith.addf %gather3A_433, %gather3A_333 : vector<16xf32>
      %mul3A_435 = arith.mulf %add3A_434, %exp3A : vector<16xf32>
      tpu.vector_store_idx %arg21[%add3A_181, %broadcast_in_dim3A_432], %mul3A_435 : memref<32x128xf32, #tpu.memory_space<vmem>>[vector<16xi32>, vector<16xi32>], vector<16xf32>,
      %scan3A_436 = arith.constant 0 : i32
      scf.yield %scan3A_436 : i32
    }
    %scan3A_111 = arith.constant 8 : i32
    %dma_start3A_112 = arith.constant 0 : i32
    %dma_start3A_113 = arith.constant 0 : i32
    %dma_start3A_114 = tpu.memref_slice %arg21[%dma_start3A_112, %dma_start3A_113] : memref<32x128xf32, #tpu.memory_space<vmem>> -> memref<16x128xf32, #tpu.memory_space<vmem>>
    %dma_start3A_115 = arith.constant 0 : i32
    %dma_start3A_116 = arith.constant 0 : i32
    %dma_start3A_117 = tpu.memref_slice %arg25[%dma_start3A_115, %dma_start3A_116] : memref<10240x128xf32, #tpu.memory_space<vmem_shared>> -> memref<10240x128xf32, #tpu.memory_space<vmem_shared>>
    tpu.enqueue_indirect_dma source(%dma_start3A_114 : memref<16x128xf32, #tpu.memory_space<vmem>>) target(%dma_start3A_117 : memref<10240x128xf32, #tpu.memory_space<vmem_shared>>) offsets(%arg14 : memref<16xi32, #tpu.memory_space<vmem>>) semaphore(%arg31 : memref<!tpu.dma_semaphore, #tpu.memory_space<semaphore_mem>>) {add = true}
    "tpu.region"() ({
      %run_scoped3A = tpu.sem_alloc : memref<!tpu.dma_semaphore, #tpu.memory_space<semaphore_mem>>
      %dma_start3A_146 = arith.constant 0 : i32
      %dma_start3A_147 = arith.constant 0 : i32
      %dma_start3A_148 = tpu.memref_slice %arg22[%dma_start3A_146, %dma_start3A_147] : memref<32x128xf32, #tpu.memory_space<vmem>> -> memref<16x128xf32, #tpu.memory_space<vmem>>
      %dma_start3A_149 = arith.constant 0 : i32
      %dma_start3A_150 = arith.constant 0 : i32
      %dma_start3A_151 = tpu.memref_slice %arg26[%dma_start3A_149, %dma_start3A_150] : memref<1280x128xf32, #tpu.memory_space<vmem_shared>> -> memref<1280x128xf32, #tpu.memory_space<vmem_shared>>
      tpu.enqueue_indirect_dma source(%dma_start3A_148 : memref<16x128xf32, #tpu.memory_space<vmem>>) target(%dma_start3A_151 : memref<1280x128xf32, #tpu.memory_space<vmem_shared>>) offsets(%arg15 : memref<16xi32, #tpu.memory_space<vmem>>) semaphore(%run_scoped3A : memref<!tpu.dma_semaphore, #tpu.memory_space<semaphore_mem>>) {add = true}
      %dma_wait3A_152 = arith.constant 0 : i32
      %dma_wait3A_153 = arith.constant 0 : i32
      %dma_wait3A_154 = tpu.memref_slice %arg22[%dma_wait3A_152, %dma_wait3A_153] : memref<32x128xf32, #tpu.memory_space<vmem>> -> memref<16x128xf32, #tpu.memory_space<vmem>>
      %dma_wait3A_155 = arith.constant 0 : i32
      %dma_wait3A_156 = arith.constant 0 : i32
      %dma_wait3A_157 = tpu.memref_slice %arg26[%dma_wait3A_155, %dma_wait3A_156] : memref<1280x128xf32, #tpu.memory_space<vmem_shared>> -> memref<1280x128xf32, #tpu.memory_space<vmem_shared>>
      tpu.wait_indirect_dma semaphore(%run_scoped3A : memref<!tpu.dma_semaphore, #tpu.memory_space<semaphore_mem>>) src(%dma_wait3A_154 : memref<16x128xf32, #tpu.memory_space<vmem>>) dst(%dma_wait3A_157 : memref<1280x128xf32, #tpu.memory_space<vmem_shared>>)
      tpu.yield
    }) : () -> ()
    %dma_wait3A_118 = arith.constant 0 : i32
    %dma_wait3A_119 = arith.constant 0 : i32
    %dma_wait3A_120 = tpu.memref_slice %arg21[%dma_wait3A_118, %dma_wait3A_119] : memref<32x128xf32, #tpu.memory_space<vmem>> -> memref<16x128xf32, #tpu.memory_space<vmem>>
    %dma_wait3A_121 = arith.constant 0 : i32
    %dma_wait3A_122 = arith.constant 0 : i32
    %dma_wait3A_123 = tpu.memref_slice %arg25[%dma_wait3A_121, %dma_wait3A_122] : memref<10240x128xf32, #tpu.memory_space<vmem_shared>> -> memref<10240x128xf32, #tpu.memory_space<vmem_shared>>
    tpu.wait_indirect_dma semaphore(%arg31 : memref<!tpu.dma_semaphore, #tpu.memory_space<semaphore_mem>>) src(%dma_wait3A_120 : memref<16x128xf32, #tpu.memory_space<vmem>>) dst(%dma_wait3A_123 : memref<10240x128xf32, #tpu.memory_space<vmem_shared>>)
    %scan3A_124 = arith.constant 0 : i32
    %scan3A_125 = arith.constant 0 : i32
    %scan3A_126 = arith.constant 8 : i32
    %scan3A_127 = arith.addi %scan3A_125, %scan3A_126 : i32
    %scan3A_128 = arith.constant 1 : i32
    %scan3A_129 = scf.for %scan3A_146 = %scan3A_125 to %scan3A_127 step %scan3A_128 iter_args(%scan3A_147 = %scan3A_124) -> (i32)  : i32 {
      %jit3A = arith.constant 8 : i32
      %div3A = arith.divsi %scan3A_146, %jit3A : i32
      %sign3A = arith.constant 0 : i32
      %sign3A_148 = arith.cmpi sgt, %scan3A_146, %sign3A : i32
      %sign3A_149 = arith.extui %sign3A_148 : i1 to i32
      %sign3A_150 = arith.constant 0 : i32
      %sign3A_151 = arith.cmpi slt, %scan3A_146, %sign3A_150 : i32
      %sign3A_152 = arith.extui %sign3A_151 : i1 to i32
      %sign3A_153 = arith.subi %sign3A_149, %sign3A_152 : i32
      %sign3A_154 = arith.constant 0 : i32
      %sign3A_155 = arith.cmpi sgt, %jit3A, %sign3A_154 : i32
      %sign3A_156 = arith.extui %sign3A_155 : i1 to i32
      %sign3A_157 = arith.constant 0 : i32
      %sign3A_158 = arith.cmpi slt, %jit3A, %sign3A_157 : i32
      %sign3A_159 = arith.extui %sign3A_158 : i1 to i32
      %sign3A_160 = arith.subi %sign3A_156, %sign3A_159 : i32
      %ne3A = arith.cmpi ne, %sign3A_153, %sign3A_160 : i32
      %rem3A = arith.remsi %scan3A_146, %jit3A : i32
      %ne3A_161 = arith.constant 0 : i32
      %ne3A_162 = arith.cmpi ne, %rem3A, %ne3A_161 : i32
      %and3A = arith.andi %ne3A, %ne3A_162 : i1
      %sub3A = arith.constant 1 : i32
      %sub3A_163 = arith.subi %div3A, %sub3A : i32
      %select_n3A = arith.select %and3A, %sub3A_163, %div3A : i32
      %jit3A_164 = arith.constant 8 : i32
      %eq3A = arith.constant 0 : i32
      %eq3A_165 = arith.cmpi eq, %jit3A_164, %eq3A : i32
      %jit3A_166 = arith.constant 1 : i32
      %select_n3A_167 = arith.select %eq3A_165, %jit3A_166, %jit3A_164 : i32
      %rem3A_168 = arith.remsi %scan3A_146, %select_n3A_167 : i32
      %ne3A_169 = arith.constant 0 : i32
      %ne3A_170 = arith.cmpi ne, %rem3A_168, %ne3A_169 : i32
      %lt3A = arith.constant 0 : i32
      %lt3A_171 = arith.cmpi slt, %rem3A_168, %lt3A : i32
      %lt3A_172 = arith.constant 0 : i32
      %lt3A_173 = arith.cmpi slt, %select_n3A_167, %lt3A_172 : i32
      %ne3A_174 = arith.xori %lt3A_171, %lt3A_173 : i1
      %and3A_175 = arith.andi %ne3A_174, %ne3A_170 : i1
      %add3A_176 = arith.addi %rem3A_168, %select_n3A_167 : i32
      %select_n3A_177 = arith.select %and3A_175, %add3A_176, %rem3A_168 : i32
      %mul3A_178 = arith.constant 16 : i32
      %mul3A_179 = arith.muli %select_n3A, %mul3A_178 : i32
      %add3A_180 = vector.broadcast %mul3A_179 : i32 to vector<16xi32>
      %add3A_181 = arith.addi %add3A_180, %iota3A : vector<16xi32>
      %gather3A = tpu.vector_load_idx %arg14[%add3A_181] : memref<16xi32, #tpu.memory_space<vmem>>[vector<16xi32>], vector<16xi32>,
      %and3A_182 = arith.constant 7 : i32
      %and3A_183 = vector.broadcast %and3A_182 : i32 to vector<16xi32>
      %and3A_184 = arith.andi %gather3A, %and3A_183 : vector<16xi32>
      %shift_left3A = arith.constant 4 : i32
      %shift_left3A_185 = vector.broadcast %shift_left3A : i32 to vector<16xi32>
      %shift_left3A_186 = arith.shli %and3A_184, %shift_left3A_185 : vector<16xi32>
      %add3A_187 = vector.broadcast %select_n3A_177 : i32 to vector<16xi32>
      %add3A_188 = arith.addi %shift_left3A_186, %add3A_187 : vector<16xi32>
      tpu.vector_store_idx %arg22[%add3A_181, %add3A_188], %broadcast_in_dim3A_1 : memref<32x128xf32, #tpu.memory_space<vmem>>[vector<16xi32>, vector<16xi32>], vector<16xf32>,
      %scan3A_189 = arith.constant 0 : i32
      scf.yield %scan3A_189 : i32
    }
    %scan3A_130 = arith.constant 8 : i32
    %barrier3A_131 = arith.constant 0 : index
    tpu.barrier barrier_id(%barrier3A_131)
    %scan3A_132 = arith.constant 0 : i32
    %scan3A_133 = arith.constant 0 : i32
    %scan3A_134 = arith.constant 20 : i32
    %scan3A_135 = arith.addi %scan3A_133, %scan3A_134 : i32
    %scan3A_136 = arith.constant 1 : i32
    %scan3A_137 = scf.for %scan3A_146 = %scan3A_133 to %scan3A_135 step %scan3A_136 iter_args(%scan3A_147 = %scan3A_132) -> (i32)  : i32 {
      %mul3A_148 = arith.constant 32 : i32
      %mul3A_149 = arith.muli %scan3A_146, %mul3A_148 : i32
      %add3A_150 = arith.addi %mul3A_9, %mul3A_149 : i32
      %add3A_151 = arith.constant 0 : i32
      %add3A_152 = arith.addi %add3A_150, %add3A_151 : i32
      %add3A_153 = vector.broadcast %add3A_152 : i32 to vector<16xi32>
      %add3A_154 = arith.addi %add3A_153, %iota3A : vector<16xi32>
      %swap3A_155 = arith.constant 0 : index
      %swap3A_156 = tpu.vector_load %arg23[%swap3A_155] {strides = array<i32>} : memref<32xi32, #tpu.memory_space<vmem>>, vector<16xi32>,
      tpu.vector_store %arg23[%swap3A_155], %add3A_154 {strides = array<i32>} : memref<32xi32, #tpu.memory_space<vmem>>, vector<16xi32>,
      %add3A_157 = arith.constant 16 : i32
      %add3A_158 = arith.addi %add3A_150, %add3A_157 : i32
      %add3A_159 = vector.broadcast %add3A_158 : i32 to vector<16xi32>
      %add3A_160 = arith.addi %add3A_159, %iota3A : vector<16xi32>
      %swap3A_161 = arith.constant 16 : index
      %swap3A_162 = tpu.vector_load %arg23[%swap3A_161] {strides = array<i32>} : memref<32xi32, #tpu.memory_space<vmem>>, vector<16xi32>,
      tpu.vector_store %arg23[%swap3A_161], %add3A_160 {strides = array<i32>} : memref<32xi32, #tpu.memory_space<vmem>>, vector<16xi32>,
      "tpu.region"() ({
        %run_scoped3A = tpu.sem_alloc : memref<!tpu.dma_semaphore, #tpu.memory_space<semaphore_mem>>
        %dma_start3A_164 = arith.constant 0 : i32
        %dma_start3A_165 = arith.constant 0 : i32
        %dma_start3A_166 = tpu.memref_slice %arg25[%dma_start3A_164, %dma_start3A_165] : memref<10240x128xf32, #tpu.memory_space<vmem_shared>> -> memref<10240x128xf32, #tpu.memory_space<vmem_shared>>
        tpu.enqueue_indirect_dma source(%dma_start3A_166 : memref<10240x128xf32, #tpu.memory_space<vmem_shared>>) target(%arg21 : memref<32x128xf32, #tpu.memory_space<vmem>>) offsets(%arg23 : memref<32xi32, #tpu.memory_space<vmem>>) semaphore(%run_scoped3A : memref<!tpu.dma_semaphore, #tpu.memory_space<semaphore_mem>>)
        %dma_wait3A_167 = arith.constant 0 : i32
        %dma_wait3A_168 = arith.constant 0 : i32
        %dma_wait3A_169 = tpu.memref_slice %arg25[%dma_wait3A_167, %dma_wait3A_168] : memref<10240x128xf32, #tpu.memory_space<vmem_shared>> -> memref<10240x128xf32, #tpu.memory_space<vmem_shared>>
        tpu.wait_indirect_dma semaphore(%run_scoped3A : memref<!tpu.dma_semaphore, #tpu.memory_space<semaphore_mem>>) src(%dma_wait3A_169 : memref<10240x128xf32, #tpu.memory_space<vmem_shared>>) dst(%arg21 : memref<32x128xf32, #tpu.memory_space<vmem>>)
        tpu.yield
      }) : () -> ()
      "tpu.region"() ({
        %run_scoped3A = tpu.sem_alloc : memref<!tpu.dma_semaphore, #tpu.memory_space<semaphore_mem>>
        %dma_start3A_164 = arith.constant 0 : i32
        %dma_start3A_165 = tpu.memref_slice %arg8[%arg0, %add3A_150, %dma_start3A_164] : memref<2x10240x128xf32, #tpu.memory_space<hbm>> -> memref<1x32x128xf32, #tpu.memory_space<hbm>>
        %dma_start3A_166 = tpu.memref_squeeze %dma_start3A_165 : memref<1x32x128xf32, #tpu.memory_space<hbm>> -> memref<32x128xf32, #tpu.memory_space<hbm>>
        %dma_start3A_167 = arith.constant 0 : i32
        %dma_start3A_168 = tpu.memref_slice %arg8[%arg0, %add3A_150, %dma_start3A_167] : memref<2x10240x128xf32, #tpu.memory_space<hbm>> -> memref<1x32x128xf32, #tpu.memory_space<hbm>>
        %dma_start3A_169 = tpu.memref_squeeze %dma_start3A_168 : memref<1x32x128xf32, #tpu.memory_space<hbm>> -> memref<32x128xf32, #tpu.memory_space<hbm>>
        tpu.enqueue_dma source(%arg21 : memref<32x128xf32, #tpu.memory_space<vmem>>) target(%dma_start3A_169 : memref<32x128xf32, #tpu.memory_space<hbm>>) target_semaphore(%run_scoped3A : memref<!tpu.dma_semaphore, #tpu.memory_space<semaphore_mem>>)
        %dma_wait3A_170 = arith.constant 0 : i32
        %dma_wait3A_171 = tpu.memref_slice %arg8[%arg0, %add3A_150, %dma_wait3A_170] : memref<2x10240x128xf32, #tpu.memory_space<hbm>> -> memref<1x32x128xf32, #tpu.memory_space<hbm>>
        %dma_wait3A_172 = tpu.memref_squeeze %dma_wait3A_171 : memref<1x32x128xf32, #tpu.memory_space<hbm>> -> memref<32x128xf32, #tpu.memory_space<hbm>>
        %dma_wait3A_173 = arith.constant 0 : i32
        %dma_wait3A_174 = tpu.memref_slice %arg8[%arg0, %add3A_150, %dma_wait3A_173] : memref<2x10240x128xf32, #tpu.memory_space<hbm>> -> memref<1x32x128xf32, #tpu.memory_space<hbm>>
        %dma_wait3A_175 = tpu.memref_squeeze %dma_wait3A_174 : memref<1x32x128xf32, #tpu.memory_space<hbm>> -> memref<32x128xf32, #tpu.memory_space<hbm>>
        tpu.wait_dma2 semaphore(%run_scoped3A : memref<!tpu.dma_semaphore, #tpu.memory_space<semaphore_mem>>) src(%arg21 : memref<32x128xf32, #tpu.memory_space<vmem>>) dst(%dma_wait3A_175 : memref<32x128xf32, #tpu.memory_space<hbm>>)
        tpu.yield
      }) : () -> ()
      %scan3A_163 = arith.constant 0 : i32
      scf.yield %scan3A_163 : i32
    }
    %scan3A_138 = arith.constant 20 : i32
    %scan3A_139 = arith.constant 0 : i32
    %scan3A_140 = arith.constant 0 : i32
    %scan3A_141 = arith.constant 5 : i32
    %scan3A_142 = arith.addi %scan3A_140, %scan3A_141 : i32
    %scan3A_143 = arith.constant 1 : i32
    %scan3A_144 = scf.for %scan3A_146 = %scan3A_140 to %scan3A_142 step %scan3A_143 iter_args(%scan3A_147 = %scan3A_139) -> (i32)  : i32 {
      %mul3A_148 = arith.constant 16 : i32
      %mul3A_149 = arith.muli %scan3A_146, %mul3A_148 : i32
      %add3A_150 = arith.addi %mul3A_11, %mul3A_149 : i32
      %add3A_151 = vector.broadcast %add3A_150 : i32 to vector<16xi32>
      %add3A_152 = arith.addi %add3A_151, %iota3A : vector<16xi32>
      %swap3A_153 = arith.constant 0 : index
      %swap3A_154 = tpu.vector_load %arg24[%swap3A_153] {strides = array<i32>} : memref<16xi32, #tpu.memory_space<vmem>>, vector<16xi32>,
      tpu.vector_store %arg24[%swap3A_153], %add3A_152 {strides = array<i32>} : memref<16xi32, #tpu.memory_space<vmem>>, vector<16xi32>,
      "tpu.region"() ({
        %run_scoped3A = tpu.sem_alloc : memref<!tpu.dma_semaphore, #tpu.memory_space<semaphore_mem>>
        %dma_start3A_156 = arith.constant 0 : i32
        %dma_start3A_157 = arith.constant 0 : i32
        %dma_start3A_158 = tpu.memref_slice %arg22[%dma_start3A_156, %dma_start3A_157] : memref<32x128xf32, #tpu.memory_space<vmem>> -> memref<16x128xf32, #tpu.memory_space<vmem>>
        %dma_start3A_159 = arith.constant 0 : i32
        %dma_start3A_160 = arith.constant 0 : i32
        %dma_start3A_161 = tpu.memref_slice %arg26[%dma_start3A_159, %dma_start3A_160] : memref<1280x128xf32, #tpu.memory_space<vmem_shared>> -> memref<1280x128xf32, #tpu.memory_space<vmem_shared>>
        tpu.enqueue_indirect_dma source(%dma_start3A_161 : memref<1280x128xf32, #tpu.memory_space<vmem_shared>>) target(%dma_start3A_158 : memref<16x128xf32, #tpu.memory_space<vmem>>) offsets(%arg24 : memref<16xi32, #tpu.memory_space<vmem>>) semaphore(%run_scoped3A : memref<!tpu.dma_semaphore, #tpu.memory_space<semaphore_mem>>)
        %dma_wait3A_162 = arith.constant 0 : i32
        %dma_wait3A_163 = arith.constant 0 : i32
        %dma_wait3A_164 = tpu.memref_slice %arg22[%dma_wait3A_162, %dma_wait3A_163] : memref<32x128xf32, #tpu.memory_space<vmem>> -> memref<16x128xf32, #tpu.memory_space<vmem>>
        %dma_wait3A_165 = arith.constant 0 : i32
        %dma_wait3A_166 = arith.constant 0 : i32
        %dma_wait3A_167 = tpu.memref_slice %arg26[%dma_wait3A_165, %dma_wait3A_166] : memref<1280x128xf32, #tpu.memory_space<vmem_shared>> -> memref<1280x128xf32, #tpu.memory_space<vmem_shared>>
        tpu.wait_indirect_dma semaphore(%run_scoped3A : memref<!tpu.dma_semaphore, #tpu.memory_space<semaphore_mem>>) src(%dma_wait3A_167 : memref<1280x128xf32, #tpu.memory_space<vmem_shared>>) dst(%dma_wait3A_164 : memref<16x128xf32, #tpu.memory_space<vmem>>)
        tpu.yield
      }) : () -> ()
      %multiple_of3A = tpu.assume_multiple %add3A_150, 16 : i32
      "tpu.region"() ({
        %run_scoped3A = tpu.sem_alloc : memref<!tpu.dma_semaphore, #tpu.memory_space<semaphore_mem>>
        %dma_start3A_156 = arith.constant 0 : i32
        %dma_start3A_157 = arith.constant 0 : i32
        %dma_start3A_158 = tpu.memref_slice %arg22[%dma_start3A_156, %dma_start3A_157] : memref<32x128xf32, #tpu.memory_space<vmem>> -> memref<16x128xf32, #tpu.memory_space<vmem>>
        %dma_start3A_159 = arith.constant 0 : i32
        %dma_start3A_160 = tpu.memref_slice %arg9[%arg0, %multiple_of3A, %dma_start3A_159] : memref<2x1280x128xf32, #tpu.memory_space<hbm>> -> memref<1x16x128xf32, #tpu.memory_space<hbm>>
        %dma_start3A_161 = tpu.memref_squeeze %dma_start3A_160 : memref<1x16x128xf32, #tpu.memory_space<hbm>> -> memref<16x128xf32, #tpu.memory_space<hbm>>
        %dma_start3A_162 = arith.constant 0 : i32
        %dma_start3A_163 = tpu.memref_slice %arg9[%arg0, %multiple_of3A, %dma_start3A_162] : memref<2x1280x128xf32, #tpu.memory_space<hbm>> -> memref<1x16x128xf32, #tpu.memory_space<hbm>>
        %dma_start3A_164 = tpu.memref_squeeze %dma_start3A_163 : memref<1x16x128xf32, #tpu.memory_space<hbm>> -> memref<16x128xf32, #tpu.memory_space<hbm>>
        %dma_start3A_165 = arith.constant 0 : i32
        %dma_start3A_166 = arith.constant 0 : i32
        %dma_start3A_167 = tpu.memref_slice %arg22[%dma_start3A_165, %dma_start3A_166] : memref<32x128xf32, #tpu.memory_space<vmem>> -> memref<16x128xf32, #tpu.memory_space<vmem>>
        tpu.enqueue_dma source(%dma_start3A_167 : memref<16x128xf32, #tpu.memory_space<vmem>>) target(%dma_start3A_164 : memref<16x128xf32, #tpu.memory_space<hbm>>) target_semaphore(%run_scoped3A : memref<!tpu.dma_semaphore, #tpu.memory_space<semaphore_mem>>)
        %dma_wait3A_168 = arith.constant 0 : i32
        %dma_wait3A_169 = arith.constant 0 : i32
        %dma_wait3A_170 = tpu.memref_slice %arg22[%dma_wait3A_168, %dma_wait3A_169] : memref<32x128xf32, #tpu.memory_space<vmem>> -> memref<16x128xf32, #tpu.memory_space<vmem>>
        %dma_wait3A_171 = arith.constant 0 : i32
        %dma_wait3A_172 = tpu.memref_slice %arg9[%arg0, %multiple_of3A, %dma_wait3A_171] : memref<2x1280x128xf32, #tpu.memory_space<hbm>> -> memref<1x16x128xf32, #tpu.memory_space<hbm>>
        %dma_wait3A_173 = tpu.memref_squeeze %dma_wait3A_172 : memref<1x16x128xf32, #tpu.memory_space<hbm>> -> memref<16x128xf32, #tpu.memory_space<hbm>>
        %dma_wait3A_174 = arith.constant 0 : i32
        %dma_wait3A_175 = tpu.memref_slice %arg9[%arg0, %multiple_of3A, %dma_wait3A_174] : memref<2x1280x128xf32, #tpu.memory_space<hbm>> -> memref<1x16x128xf32, #tpu.memory_space<hbm>>
        %dma_wait3A_176 = tpu.memref_squeeze %dma_wait3A_175 : memref<1x16x128xf32, #tpu.memory_space<hbm>> -> memref<16x128xf32, #tpu.memory_space<hbm>>
        %dma_wait3A_177 = arith.constant 0 : i32
        %dma_wait3A_178 = arith.constant 0 : i32
        %dma_wait3A_179 = tpu.memref_slice %arg22[%dma_wait3A_177, %dma_wait3A_178] : memref<32x128xf32, #tpu.memory_space<vmem>> -> memref<16x128xf32, #tpu.memory_space<vmem>>
        tpu.wait_dma2 semaphore(%run_scoped3A : memref<!tpu.dma_semaphore, #tpu.memory_space<semaphore_mem>>) src(%dma_wait3A_179 : memref<16x128xf32, #tpu.memory_space<vmem>>) dst(%dma_wait3A_176 : memref<16x128xf32, #tpu.memory_space<hbm>>)
        tpu.yield
      }) : () -> ()
      %scan3A_155 = arith.constant 0 : i32
      scf.yield %scan3A_155 : i32
    }
    %scan3A_145 = arith.constant 5 : i32
    return
  }
}

module attributes {stable_mosaic.version = 14 : i64} {
  func.func @_edge_mm_body(%arg0: i32, %arg1: memref<2560x128xf32, #tpu.memory_space<vmem>>, %arg2: memref<128x128xf32, #tpu.memory_space<vmem>>, %arg3: memref<2560x128xf32, #tpu.memory_space<vmem>>) attributes {dimension_semantics = [#tpu.dimension_semantics<arbitrary>], iteration_bounds = array<i64: 125>, scalar_prefetch = 0 : i64, scratch_operands = 0 : i64, tpu.core_type = #tpu.core_type<tc>, window_params = [{transform_indices = @transform_0, window_bounds = array<i64: 2560, 128>}, {pipeline_mode = #tpu.pipeline_mode<synchronous>, transform_indices = @transform_1, window_bounds = array<i64: 128, 128>}, {transform_indices = @transform_2, window_bounds = array<i64: 2560, 128>}]} {
    %get3A = arith.constant 0 : index
    %get3A_0 = arith.constant 0 : index
    %get3A_1 = vector.load %arg1[%get3A, %get3A_0] : memref<2560x128xf32, #tpu.memory_space<vmem>>, vector<2560x128xf32>
    %get3A_2 = arith.constant 0 : index
    %get3A_3 = arith.constant 0 : index
    %get3A_4 = vector.load %arg2[%get3A_2, %get3A_3] : memref<128x128xf32, #tpu.memory_space<vmem>>, vector<128x128xf32>
    %dot_general3A = arith.constant dense<0.000000e+00> : vector<2560x128xf32>
    %dot_general3A_5 = tpu.matmul %get3A_1, %get3A_4, %dot_general3A {dimension_numbers = #tpu.dot_dimension_numbers<[1], [0], [0], [1], [0, 0, 1, 1], [], []>, transpose_lhs_hint = false} : vector<2560x128xf32>, vector<128x128xf32>, vector<2560x128xf32> -> vector<2560x128xf32>
    %swap3A = arith.constant 0 : index
    %swap3A_6 = arith.constant 0 : index
    %swap3A_7 = vector.load %arg3[%swap3A, %swap3A_6] : memref<2560x128xf32, #tpu.memory_space<vmem>>, vector<2560x128xf32>
    tpu.vector_store %arg3[%swap3A, %swap3A_6], %dot_general3A_5 {strides = array<i32>} : memref<2560x128xf32, #tpu.memory_space<vmem>>, vector<2560x128xf32>,
    return
  }
  func.func @transform_0(%arg0: i32) -> (i32, i32) {
    %c0_i32 = arith.constant 0 : i32
    %c0_i32_0 = arith.constant 0 : i32
    return %arg0, %c0_i32 : i32, i32
  }
  func.func @transform_1(%arg0: i32) -> (i32, i32) {
    %c0_i32 = arith.constant 0 : i32
    %c0_i32_0 = arith.constant 0 : i32
    %c0_i32_1 = arith.constant 0 : i32
    return %c0_i32, %c0_i32_0 : i32, i32
  }
  func.func @transform_2(%arg0: i32) -> (i32, i32) {
    %c0_i32 = arith.constant 0 : i32
    %c0_i32_0 = arith.constant 0 : i32
    return %arg0, %c0_i32 : i32, i32
  }
}

module attributes {stable_mosaic.version = 14 : i64} {
  func.func @_proj_body(%arg0: i32, %arg1: memref<2048x128xf32, #tpu.memory_space<vmem>>, %arg2: memref<128x128xf32, #tpu.memory_space<vmem>>, %arg3: memref<128xf32, #tpu.memory_space<vmem>>, %arg4: memref<128x128xf32, #tpu.memory_space<vmem>>, %arg5: memref<128xf32, #tpu.memory_space<vmem>>, %arg6: memref<128x128xf32, #tpu.memory_space<vmem>>, %arg7: memref<128xf32, #tpu.memory_space<vmem>>, %arg8: memref<128x128xf32, #tpu.memory_space<vmem>>, %arg9: memref<128xf32, #tpu.memory_space<vmem>>, %arg10: memref<2048x128xf32, #tpu.memory_space<vmem>>, %arg11: memref<2048x128xf32, #tpu.memory_space<vmem>>, %arg12: memref<2048x128xf32, #tpu.memory_space<vmem>>, %arg13: memref<2048x128xf32, #tpu.memory_space<vmem>>) attributes {dimension_semantics = [#tpu.dimension_semantics<arbitrary>], iteration_bounds = array<i64: 5>, scalar_prefetch = 0 : i64, scratch_operands = 0 : i64, tpu.core_type = #tpu.core_type<tc>, window_params = [{transform_indices = @transform_0, window_bounds = array<i64: 2048, 128>}, {pipeline_mode = #tpu.pipeline_mode<synchronous>, transform_indices = @transform_1, window_bounds = array<i64: 128, 128>}, {pipeline_mode = #tpu.pipeline_mode<synchronous>, transform_indices = @transform_2, window_bounds = array<i64: 128>}, {pipeline_mode = #tpu.pipeline_mode<synchronous>, transform_indices = @transform_3, window_bounds = array<i64: 128, 128>}, {pipeline_mode = #tpu.pipeline_mode<synchronous>, transform_indices = @transform_4, window_bounds = array<i64: 128>}, {pipeline_mode = #tpu.pipeline_mode<synchronous>, transform_indices = @transform_5, window_bounds = array<i64: 128, 128>}, {pipeline_mode = #tpu.pipeline_mode<synchronous>, transform_indices = @transform_6, window_bounds = array<i64: 128>}, {pipeline_mode = #tpu.pipeline_mode<synchronous>, transform_indices = @transform_7, window_bounds = array<i64: 128, 128>}, {pipeline_mode = #tpu.pipeline_mode<synchronous>, transform_indices = @transform_8, window_bounds = array<i64: 128>}, {transform_indices = @transform_9, window_bounds = array<i64: 2048, 128>}, {transform_indices = @transform_10, window_bounds = array<i64: 2048, 128>}, {transform_indices = @transform_11, window_bounds = array<i64: 2048, 128>}, {transform_indices = @transform_12, window_bounds = array<i64: 2048, 128>}]} {
    %get3A = arith.constant 0 : index
    %get3A_0 = arith.constant 0 : index
    %get3A_1 = vector.load %arg1[%get3A, %get3A_0] : memref<2048x128xf32, #tpu.memory_space<vmem>>, vector<2048x128xf32>
    %get3A_2 = arith.constant 0 : index
    %get3A_3 = arith.constant 0 : index
    %get3A_4 = vector.load %arg2[%get3A_2, %get3A_3] : memref<128x128xf32, #tpu.memory_space<vmem>>, vector<128x128xf32>
    %dot_general3A = arith.constant dense<0.000000e+00> : vector<2048x128xf32>
    %dot_general3A_5 = tpu.matmul %get3A_1, %get3A_4, %dot_general3A {dimension_numbers = #tpu.dot_dimension_numbers<[1], [0], [0], [1], [0, 0, 1, 1], [], []>, transpose_lhs_hint = false} : vector<2048x128xf32>, vector<128x128xf32>, vector<2048x128xf32> -> vector<2048x128xf32>
    %get3A_6 = arith.constant 0 : index
    %get3A_7 = vector.load %arg3[%get3A_6] : memref<128xf32, #tpu.memory_space<vmem>>, vector<128xf32>
    %broadcast_in_dim3A = vector.shape_cast %get3A_7 : vector<128xf32> to vector<1x128xf32>
    %add3A = vector.broadcast %broadcast_in_dim3A : vector<1x128xf32> to vector<2048x128xf32>
    %add3A_8 = arith.addf %dot_general3A_5, %add3A : vector<2048x128xf32>
    %swap3A = arith.constant 0 : index
    %swap3A_9 = arith.constant 0 : index
    %swap3A_10 = vector.load %arg10[%swap3A, %swap3A_9] : memref<2048x128xf32, #tpu.memory_space<vmem>>, vector<2048x128xf32>
    tpu.vector_store %arg10[%swap3A, %swap3A_9], %add3A_8 {strides = array<i32>} : memref<2048x128xf32, #tpu.memory_space<vmem>>, vector<2048x128xf32>,
    %get3A_11 = arith.constant 0 : index
    %get3A_12 = arith.constant 0 : index
    %get3A_13 = vector.load %arg4[%get3A_11, %get3A_12] : memref<128x128xf32, #tpu.memory_space<vmem>>, vector<128x128xf32>
    %dot_general3A_14 = arith.constant dense<0.000000e+00> : vector<2048x128xf32>
    %dot_general3A_15 = tpu.matmul %get3A_1, %get3A_13, %dot_general3A_14 {dimension_numbers = #tpu.dot_dimension_numbers<[1], [0], [0], [1], [0, 0, 1, 1], [], []>, transpose_lhs_hint = false} : vector<2048x128xf32>, vector<128x128xf32>, vector<2048x128xf32> -> vector<2048x128xf32>
    %get3A_16 = arith.constant 0 : index
    %get3A_17 = vector.load %arg5[%get3A_16] : memref<128xf32, #tpu.memory_space<vmem>>, vector<128xf32>
    %broadcast_in_dim3A_18 = vector.shape_cast %get3A_17 : vector<128xf32> to vector<1x128xf32>
    %add3A_19 = vector.broadcast %broadcast_in_dim3A_18 : vector<1x128xf32> to vector<2048x128xf32>
    %add3A_20 = arith.addf %dot_general3A_15, %add3A_19 : vector<2048x128xf32>
    %swap3A_21 = arith.constant 0 : index
    %swap3A_22 = arith.constant 0 : index
    %swap3A_23 = vector.load %arg11[%swap3A_21, %swap3A_22] : memref<2048x128xf32, #tpu.memory_space<vmem>>, vector<2048x128xf32>
    tpu.vector_store %arg11[%swap3A_21, %swap3A_22], %add3A_20 {strides = array<i32>} : memref<2048x128xf32, #tpu.memory_space<vmem>>, vector<2048x128xf32>,
    %get3A_24 = arith.constant 0 : index
    %get3A_25 = arith.constant 0 : index
    %get3A_26 = vector.load %arg6[%get3A_24, %get3A_25] : memref<128x128xf32, #tpu.memory_space<vmem>>, vector<128x128xf32>
    %dot_general3A_27 = arith.constant dense<0.000000e+00> : vector<2048x128xf32>
    %dot_general3A_28 = tpu.matmul %get3A_1, %get3A_26, %dot_general3A_27 {dimension_numbers = #tpu.dot_dimension_numbers<[1], [0], [0], [1], [0, 0, 1, 1], [], []>, transpose_lhs_hint = false} : vector<2048x128xf32>, vector<128x128xf32>, vector<2048x128xf32> -> vector<2048x128xf32>
    %get3A_29 = arith.constant 0 : index
    %get3A_30 = vector.load %arg7[%get3A_29] : memref<128xf32, #tpu.memory_space<vmem>>, vector<128xf32>
    %broadcast_in_dim3A_31 = vector.shape_cast %get3A_30 : vector<128xf32> to vector<1x128xf32>
    %add3A_32 = vector.broadcast %broadcast_in_dim3A_31 : vector<1x128xf32> to vector<2048x128xf32>
    %add3A_33 = arith.addf %dot_general3A_28, %add3A_32 : vector<2048x128xf32>
    %swap3A_34 = arith.constant 0 : index
    %swap3A_35 = arith.constant 0 : index
    %swap3A_36 = vector.load %arg12[%swap3A_34, %swap3A_35] : memref<2048x128xf32, #tpu.memory_space<vmem>>, vector<2048x128xf32>
    tpu.vector_store %arg12[%swap3A_34, %swap3A_35], %add3A_33 {strides = array<i32>} : memref<2048x128xf32, #tpu.memory_space<vmem>>, vector<2048x128xf32>,
    %get3A_37 = arith.constant 0 : index
    %get3A_38 = arith.constant 0 : index
    %get3A_39 = vector.load %arg8[%get3A_37, %get3A_38] : memref<128x128xf32, #tpu.memory_space<vmem>>, vector<128x128xf32>
    %dot_general3A_40 = arith.constant dense<0.000000e+00> : vector<2048x128xf32>
    %dot_general3A_41 = tpu.matmul %get3A_1, %get3A_39, %dot_general3A_40 {dimension_numbers = #tpu.dot_dimension_numbers<[1], [0], [0], [1], [0, 0, 1, 1], [], []>, transpose_lhs_hint = false} : vector<2048x128xf32>, vector<128x128xf32>, vector<2048x128xf32> -> vector<2048x128xf32>
    %get3A_42 = arith.constant 0 : index
    %get3A_43 = vector.load %arg9[%get3A_42] : memref<128xf32, #tpu.memory_space<vmem>>, vector<128xf32>
    %broadcast_in_dim3A_44 = vector.shape_cast %get3A_43 : vector<128xf32> to vector<1x128xf32>
    %add3A_45 = vector.broadcast %broadcast_in_dim3A_44 : vector<1x128xf32> to vector<2048x128xf32>
    %add3A_46 = arith.addf %dot_general3A_41, %add3A_45 : vector<2048x128xf32>
    %swap3A_47 = arith.constant 0 : index
    %swap3A_48 = arith.constant 0 : index
    %swap3A_49 = vector.load %arg13[%swap3A_47, %swap3A_48] : memref<2048x128xf32, #tpu.memory_space<vmem>>, vector<2048x128xf32>
    tpu.vector_store %arg13[%swap3A_47, %swap3A_48], %add3A_46 {strides = array<i32>} : memref<2048x128xf32, #tpu.memory_space<vmem>>, vector<2048x128xf32>,
    return
  }
  func.func @transform_0(%arg0: i32) -> (i32, i32) {
    %c0_i32 = arith.constant 0 : i32
    %c0_i32_0 = arith.constant 0 : i32
    return %arg0, %c0_i32 : i32, i32
  }
  func.func @transform_1(%arg0: i32) -> (i32, i32) {
    %c0_i32 = arith.constant 0 : i32
    %c0_i32_0 = arith.constant 0 : i32
    %c0_i32_1 = arith.constant 0 : i32
    return %c0_i32, %c0_i32_0 : i32, i32
  }
  func.func @transform_2(%arg0: i32) -> i32 {
    %c0_i32 = arith.constant 0 : i32
    %c0_i32_0 = arith.constant 0 : i32
    return %c0_i32 : i32
  }
  func.func @transform_3(%arg0: i32) -> (i32, i32) {
    %c0_i32 = arith.constant 0 : i32
    %c0_i32_0 = arith.constant 0 : i32
    %c0_i32_1 = arith.constant 0 : i32
    return %c0_i32, %c0_i32_0 : i32, i32
  }
  func.func @transform_4(%arg0: i32) -> i32 {
    %c0_i32 = arith.constant 0 : i32
    %c0_i32_0 = arith.constant 0 : i32
    return %c0_i32 : i32
  }
  func.func @transform_5(%arg0: i32) -> (i32, i32) {
    %c0_i32 = arith.constant 0 : i32
    %c0_i32_0 = arith.constant 0 : i32
    %c0_i32_1 = arith.constant 0 : i32
    return %c0_i32, %c0_i32_0 : i32, i32
  }
  func.func @transform_6(%arg0: i32) -> i32 {
    %c0_i32 = arith.constant 0 : i32
    %c0_i32_0 = arith.constant 0 : i32
    return %c0_i32 : i32
  }
  func.func @transform_7(%arg0: i32) -> (i32, i32) {
    %c0_i32 = arith.constant 0 : i32
    %c0_i32_0 = arith.constant 0 : i32
    %c0_i32_1 = arith.constant 0 : i32
    return %c0_i32, %c0_i32_0 : i32, i32
  }
  func.func @transform_8(%arg0: i32) -> i32 {
    %c0_i32 = arith.constant 0 : i32
    %c0_i32_0 = arith.constant 0 : i32
    return %c0_i32 : i32
  }
  func.func @transform_9(%arg0: i32) -> (i32, i32) {
    %c0_i32 = arith.constant 0 : i32
    %c0_i32_0 = arith.constant 0 : i32
    return %arg0, %c0_i32 : i32, i32
  }
  func.func @transform_10(%arg0: i32) -> (i32, i32) {
    %c0_i32 = arith.constant 0 : i32
    %c0_i32_0 = arith.constant 0 : i32
    return %arg0, %c0_i32 : i32, i32
  }
  func.func @transform_11(%arg0: i32) -> (i32, i32) {
    %c0_i32 = arith.constant 0 : i32
    %c0_i32_0 = arith.constant 0 : i32
    return %arg0, %c0_i32 : i32, i32
  }
  func.func @transform_12(%arg0: i32) -> (i32, i32) {
    %c0_i32 = arith.constant 0 : i32
    %c0_i32_0 = arith.constant 0 : i32
    return %arg0, %c0_i32 : i32, i32
  }
}

module attributes {stable_mosaic.version = 14 : i64} {
  func.func @_combine_body(%arg0: i32, %arg1: memref<2x2048x128xf32, #tpu.memory_space<vmem>>, %arg2: memref<2048x16xf32, #tpu.memory_space<vmem>>, %arg3: memref<2048x128xf32, #tpu.memory_space<vmem>>, %arg4: memref<2048x128xf32, #tpu.memory_space<vmem>>) attributes {dimension_semantics = [#tpu.dimension_semantics<arbitrary>], iteration_bounds = array<i64: 5>, scalar_prefetch = 0 : i64, scratch_operands = 0 : i64, tpu.core_type = #tpu.core_type<tc>, window_params = [{transform_indices = @transform_0, window_bounds = array<i64: 2, 2048, 128>}, {transform_indices = @transform_1, window_bounds = array<i64: 2048, 16>}, {transform_indices = @transform_2, window_bounds = array<i64: 2048, 128>}, {transform_indices = @transform_3, window_bounds = array<i64: 2048, 128>}]} {
    %get3A = arith.constant 0 : index
    %get3A_0 = arith.constant 0 : index
    %get3A_1 = arith.constant 0 : index
    %get3A_2 = vector.load %arg1[%get3A, %get3A_0, %get3A_1] : memref<2x2048x128xf32, #tpu.memory_space<vmem>>, vector<1x2048x128xf32>
    %get3A_3 = vector.shape_cast %get3A_2 : vector<1x2048x128xf32> to vector<2048x128xf32>
    %get3A_4 = arith.constant 1 : index
    %get3A_5 = arith.constant 0 : index
    %get3A_6 = arith.constant 0 : index
    %get3A_7 = vector.load %arg1[%get3A_4, %get3A_5, %get3A_6] : memref<2x2048x128xf32, #tpu.memory_space<vmem>>, vector<1x2048x128xf32>
    %get3A_8 = vector.shape_cast %get3A_7 : vector<1x2048x128xf32> to vector<2048x128xf32>
    %add3A = arith.addf %get3A_3, %get3A_8 : vector<2048x128xf32>
    %get3A_9 = arith.constant 0 : index
    %get3A_10 = arith.constant 0 : index
    %get3A_11 = vector.load %arg2[%get3A_9, %get3A_10] : memref<2048x16xf32, #tpu.memory_space<vmem>>, vector<2048x16xf32>
    %slice3A = vector.extract_strided_slice %get3A_11 {offsets = [0, 0], sizes = [2048, 1], strides = [1, 1]} : vector<2048x16xf32> to vector<2048x1xf32>
    %add3A_12 = arith.constant 1.000000e-16 : f32
    %add3A_13 = vector.broadcast %add3A_12 : f32 to vector<2048x1xf32>
    %add3A_14 = arith.addf %slice3A, %add3A_13 : vector<2048x1xf32>
    %slice3A_15 = vector.extract_strided_slice %add3A {offsets = [0, 0], sizes = [2048, 16], strides = [1, 1]} : vector<2048x128xf32> to vector<2048x16xf32>
    %div3A = vector.broadcast %add3A_14 : vector<2048x1xf32> to vector<2048x16xf32>
    %div3A_16 = arith.divf %slice3A_15, %div3A : vector<2048x16xf32>
    %slice3A_17 = vector.extract_strided_slice %get3A_11 {offsets = [0, 1], sizes = [2048, 1], strides = [1, 1]} : vector<2048x16xf32> to vector<2048x1xf32>
    %add3A_18 = arith.constant 1.000000e-16 : f32
    %add3A_19 = vector.broadcast %add3A_18 : f32 to vector<2048x1xf32>
    %add3A_20 = arith.addf %slice3A_17, %add3A_19 : vector<2048x1xf32>
    %slice3A_21 = vector.extract_strided_slice %add3A {offsets = [0, 16], sizes = [2048, 16], strides = [1, 1]} : vector<2048x128xf32> to vector<2048x16xf32>
    %div3A_22 = vector.broadcast %add3A_20 : vector<2048x1xf32> to vector<2048x16xf32>
    %div3A_23 = arith.divf %slice3A_21, %div3A_22 : vector<2048x16xf32>
    %slice3A_24 = vector.extract_strided_slice %get3A_11 {offsets = [0, 2], sizes = [2048, 1], strides = [1, 1]} : vector<2048x16xf32> to vector<2048x1xf32>
    %add3A_25 = arith.constant 1.000000e-16 : f32
    %add3A_26 = vector.broadcast %add3A_25 : f32 to vector<2048x1xf32>
    %add3A_27 = arith.addf %slice3A_24, %add3A_26 : vector<2048x1xf32>
    %slice3A_28 = vector.extract_strided_slice %add3A {offsets = [0, 32], sizes = [2048, 16], strides = [1, 1]} : vector<2048x128xf32> to vector<2048x16xf32>
    %div3A_29 = vector.broadcast %add3A_27 : vector<2048x1xf32> to vector<2048x16xf32>
    %div3A_30 = arith.divf %slice3A_28, %div3A_29 : vector<2048x16xf32>
    %slice3A_31 = vector.extract_strided_slice %get3A_11 {offsets = [0, 3], sizes = [2048, 1], strides = [1, 1]} : vector<2048x16xf32> to vector<2048x1xf32>
    %add3A_32 = arith.constant 1.000000e-16 : f32
    %add3A_33 = vector.broadcast %add3A_32 : f32 to vector<2048x1xf32>
    %add3A_34 = arith.addf %slice3A_31, %add3A_33 : vector<2048x1xf32>
    %slice3A_35 = vector.extract_strided_slice %add3A {offsets = [0, 48], sizes = [2048, 16], strides = [1, 1]} : vector<2048x128xf32> to vector<2048x16xf32>
    %div3A_36 = vector.broadcast %add3A_34 : vector<2048x1xf32> to vector<2048x16xf32>
    %div3A_37 = arith.divf %slice3A_35, %div3A_36 : vector<2048x16xf32>
    %slice3A_38 = vector.extract_strided_slice %get3A_11 {offsets = [0, 4], sizes = [2048, 1], strides = [1, 1]} : vector<2048x16xf32> to vector<2048x1xf32>
    %add3A_39 = arith.constant 1.000000e-16 : f32
    %add3A_40 = vector.broadcast %add3A_39 : f32 to vector<2048x1xf32>
    %add3A_41 = arith.addf %slice3A_38, %add3A_40 : vector<2048x1xf32>
    %slice3A_42 = vector.extract_strided_slice %add3A {offsets = [0, 64], sizes = [2048, 16], strides = [1, 1]} : vector<2048x128xf32> to vector<2048x16xf32>
    %div3A_43 = vector.broadcast %add3A_41 : vector<2048x1xf32> to vector<2048x16xf32>
    %div3A_44 = arith.divf %slice3A_42, %div3A_43 : vector<2048x16xf32>
    %slice3A_45 = vector.extract_strided_slice %get3A_11 {offsets = [0, 5], sizes = [2048, 1], strides = [1, 1]} : vector<2048x16xf32> to vector<2048x1xf32>
    %add3A_46 = arith.constant 1.000000e-16 : f32
    %add3A_47 = vector.broadcast %add3A_46 : f32 to vector<2048x1xf32>
    %add3A_48 = arith.addf %slice3A_45, %add3A_47 : vector<2048x1xf32>
    %slice3A_49 = vector.extract_strided_slice %add3A {offsets = [0, 80], sizes = [2048, 16], strides = [1, 1]} : vector<2048x128xf32> to vector<2048x16xf32>
    %div3A_50 = vector.broadcast %add3A_48 : vector<2048x1xf32> to vector<2048x16xf32>
    %div3A_51 = arith.divf %slice3A_49, %div3A_50 : vector<2048x16xf32>
    %slice3A_52 = vector.extract_strided_slice %get3A_11 {offsets = [0, 6], sizes = [2048, 1], strides = [1, 1]} : vector<2048x16xf32> to vector<2048x1xf32>
    %add3A_53 = arith.constant 1.000000e-16 : f32
    %add3A_54 = vector.broadcast %add3A_53 : f32 to vector<2048x1xf32>
    %add3A_55 = arith.addf %slice3A_52, %add3A_54 : vector<2048x1xf32>
    %slice3A_56 = vector.extract_strided_slice %add3A {offsets = [0, 96], sizes = [2048, 16], strides = [1, 1]} : vector<2048x128xf32> to vector<2048x16xf32>
    %div3A_57 = vector.broadcast %add3A_55 : vector<2048x1xf32> to vector<2048x16xf32>
    %div3A_58 = arith.divf %slice3A_56, %div3A_57 : vector<2048x16xf32>
    %slice3A_59 = vector.extract_strided_slice %get3A_11 {offsets = [0, 7], sizes = [2048, 1], strides = [1, 1]} : vector<2048x16xf32> to vector<2048x1xf32>
    %add3A_60 = arith.constant 1.000000e-16 : f32
    %add3A_61 = vector.broadcast %add3A_60 : f32 to vector<2048x1xf32>
    %add3A_62 = arith.addf %slice3A_59, %add3A_61 : vector<2048x1xf32>
    %slice3A_63 = vector.extract_strided_slice %add3A {offsets = [0, 112], sizes = [2048, 16], strides = [1, 1]} : vector<2048x128xf32> to vector<2048x16xf32>
    %div3A_64 = vector.broadcast %add3A_62 : vector<2048x1xf32> to vector<2048x16xf32>
    %div3A_65 = arith.divf %slice3A_63, %div3A_64 : vector<2048x16xf32>
    %get3A_66 = arith.constant 0 : index
    %get3A_67 = arith.constant 0 : index
    %get3A_68 = vector.load %arg3[%get3A_66, %get3A_67] : memref<2048x128xf32, #tpu.memory_space<vmem>>, vector<2048x128xf32>
    %concatenate3A = tpu.concatenate %div3A_16, %div3A_23, %div3A_30, %div3A_37, %div3A_44, %div3A_51, %div3A_58, %div3A_65 in 1 : vector<2048x16xf32>, vector<2048x16xf32>, vector<2048x16xf32>, vector<2048x16xf32>, vector<2048x16xf32>, vector<2048x16xf32>, vector<2048x16xf32>, vector<2048x16xf32> -> vector<2048x128xf32>
    %add3A_69 = arith.addf %get3A_68, %concatenate3A : vector<2048x128xf32>
    %swap3A = arith.constant 0 : index
    %swap3A_70 = arith.constant 0 : index
    %swap3A_71 = vector.load %arg4[%swap3A, %swap3A_70] : memref<2048x128xf32, #tpu.memory_space<vmem>>, vector<2048x128xf32>
    tpu.vector_store %arg4[%swap3A, %swap3A_70], %add3A_69 {strides = array<i32>} : memref<2048x128xf32, #tpu.memory_space<vmem>>, vector<2048x128xf32>,
    return
  }
  func.func @transform_0(%arg0: i32) -> (i32, i32, i32) {
    %c0_i32 = arith.constant 0 : i32
    %c0_i32_0 = arith.constant 0 : i32
    %c0_i32_1 = arith.constant 0 : i32
    return %c0_i32, %arg0, %c0_i32_0 : i32, i32, i32
  }
  func.func @transform_1(%arg0: i32) -> (i32, i32) {
    %c0_i32 = arith.constant 0 : i32
    %c0_i32_0 = arith.constant 0 : i32
    return %arg0, %c0_i32 : i32, i32
  }
  func.func @transform_2(%arg0: i32) -> (i32, i32) {
    %c0_i32 = arith.constant 0 : i32
    %c0_i32_0 = arith.constant 0 : i32
    return %arg0, %c0_i32 : i32, i32
  }
  func.func @transform_3(%arg0: i32) -> (i32, i32) {
    %c0_i32 = arith.constant 0 : i32
    %c0_i32_0 = arith.constant 0 : i32
    return %arg0, %c0_i32 : i32, i32
  }
}

</mosaic_0001>

<sc_bundles>
// kernel: kernel.6.cloned.1.call-start
scs
__scs_entry_jumppad:
0x0: {  	(pc) =	sbr.rel $0x88, $3  }
0x1: {  	(tag) =	ssettag $0x0;
	lr =	simm.s32 $0x1  }
0x2: {  	[smem:$0x3F95] =	sst lr;
	_ =	strace $0xD0000000  }
0x3: {  	_ = 	snop  }
0x4: {  	_ = 	snop  }
0x5: {  	_ = 	snop  }
0x6: {  	_ = 	snop  }
0x7: {  	_ = 	snop  }
__scs_overlays_trampoline_lowered:
0x8: {  	[smem:$0x3FA4] =	sst s0  }
0x9: {  	[smem:$0x3FA5] =	sst s1  }
0xa: {  	[smem:$0x3FA6] =	sst s2  }
0xb: {  	[smem:$0x3FA7] =	sst s3  }
0xc: {  	[smem:$0x3FA8] =	sst s4  }
0xd: {  	[smem:$0x3FA9] =	sst s5  }
0xe: {  	[smem:$0x3FAA] =	sst s6  }
0xf: {  	[smem:$0x3FAB] =	sst s7  }
0x10: {  	[smem:$0x3FAC] =	sst s8  }
0x11: {  	[smem:$0x3FAD] =	sst s9;
	s0 =	simm.s32 @!p0 $0x0  }
0x12: {  	s1 =	sld [smem:$0x3F93];
	s0 =	simm.s32 @p0 $0x1  }
0x13: {  	[smem:$0x3FAE] =	sst s0;
	s0 =	simm.s32 @!p1 $0x0  }
0x14: {  	s2 =	sld [smem:$0x3F92];
	s0 =	simm.s32 @p1 $0x1  }
0x15: {  	[smem:$0x3FAF] =	sst s0;
	s0 =	simm.s32 @!p2 $0x0  }
0x16: {  	s3 =	sld [smem:$0x3FDB];
	s0 =	simm.s32 @p2 $0x1  }
0x17: {  	s4 =	simm.s32 $0x1BF5;
	[smem:$0x3FB1] =	sst s0  }
0x18: {  	s0 =	sld [smem:$0x3F94];
	_ =	swait.ge [sflag:s4], $0x0  }
0x19: {  	s7 =	sld [smem:$0x3F95]  }
0x1a: {  	s8 =	sadd.s32 $0xFFFFE003, lr  }
0x1b: {  	s9 =	sadd.s32 $0xFFFFFEF7, lr;
	s5 =	simm.s32 $0xFFFFFFFF;
	p2 =	slt.u32 s8, $0xFFFFF086  }
0x1c: {  	p1 =	slt.u32 s9, $0xF7A;
	s5 =	simm.s32 @!p2 $0x0  }
0x1d: {  	s5 =	simm.s32 @p1 $0x1;
	p0 =	seq.s32 s7, s2  }
0x1e: {  	s7 =	smul.u32 @!p0 $0xF7A, s2;
	p2 =	seq.s32 @!p0 s5, $0x0  }
0x1f: {  	s9 =	smul.u32 $0xF7A, s1;
	s8 =	simm.s32 @!p0 $0x1BF5;
	p2 =	por !p2, p0  }
0x20: {  	[sflag:s8] =	ssyncset.s32 @!p0 $0xFFFFF086;
	s6 =	sadd.s32 @!p0 s3, s7;
	s7 =	simm.s32 @!p0 $0x108  }
0x21: {  	s3 =	sadd.s32 s3, s9;
	s6 =	sadd.s32 @!p0 $0x88, s6;
	s7 =	simm.s32 @p2 $0x1082  }
0x22: {  	[simem:s7], [sflag:s8] =	dma.local @!p0 [hbm:s6], $0xF7A  }
0x23: {  	s9 =	sor.u32 $0xD0000000, s2;
	s6 =	simm.s32 $0x108;
	_ =	swait.ge @!p0 [sflag:s8], $0x0  }
0x24: {  	s3 =	sadd.s32 $0x88, s3;
	s6 =	simm.s32 @!p1 $0x1082;
	[sflag:s4] =	ssyncset.s32 $0xFFFFF086  }
0x25: {  	[simem:s6], [sflag:s4] =	dma.local [hbm:s3], $0xF7A  }
0x26: {  	[smem:$0x3F95] =	sst s1;
	(tag) =	ssettag s2;
	_ =	strace s9  }
0x27: {  	s1 =	sld [smem:$0x3FA5]  }
0x28: {  	s2 =	sld [smem:$0x3FA6]  }
0x29: {  	s4 =	sld [smem:$0x3FA8]  }
0x2a: {  	p0 =	seq.s32 s5, $0x0;
	s5 =	sld [smem:$0x3FA9]  }
0x2b: {  	s6 =	sld [smem:$0x3FAA]  }
0x2c: {  	s7 =	sld [smem:$0x3FAB]  }
0x2d: {  	s3 =	simm.s32 $0x108;
	s8 =	sld [smem:$0x3FAC]  }
0x2e: {  	s3 =	simm.s32 @!p0 $0x1082;
	s9 =	sld [smem:$0x3FAD]  }
0x2f: {  	lr =	sadd.s32 s0, s3;
	s0 =	sld [smem:$0x3FA4]  }
0x30: {  	s3 =	sld [smem:$0x3FA7]  }
0x31: {  	[smem:$0x3FB0] =	sst s10  }
0x32: {  	s10 =	sld [smem:$0x3FAE];
	_ =	sdelay $0x3  }
0x33: {  	p0 =	seq.s32 s10, $0x1;
	s10 =	sld [smem:$0x3FB0];
	_ =	sdelay $0x3  }
0x34: {  	[smem:$0x3FB0] =	sst s10  }
0x35: {  	s10 =	sld [smem:$0x3FAF];
	_ =	sdelay $0x3  }
0x36: {  	p1 =	seq.s32 s10, $0x1;
	s10 =	sld [smem:$0x3FB0];
	_ =	sdelay $0x3  }
0x37: {  	[smem:$0x3FB0] =	sst s10  }
0x38: {  	s10 =	sld [smem:$0x3FB1]  }
0x39: {  	_ = 	snop;
	(pc) =	sbr.ind lr, $3  }
0x3a: {  	_ = 	snop  }
0x3b: {  	_ = 	snop  }
0x3c: {  	p2 =	seq.s32 s10, $0x1;
	s10 =	sld [smem:$0x3FB0]  }
0x3d: {  	_ =	shalt  }
0x3e: {  	_ =	shalt  }
0x3f: {  	_ =	shalt  }
0x40: {  	_ =	shalt  }
0x41: {  	_ =	shalt  }
0x42: {  	_ =	shalt  }
0x43: {  	_ =	shalt  }
0x44: {  	_ =	shalt  }
0x45: {  	_ =	shalt  }
0x46: {  	_ =	shalt  }
0x47: {  	_ =	shalt  }
0x48: {  	_ =	shalt  }
0x49: {  	_ =	shalt  }
0x4a: {  	_ =	shalt  }
0x4b: {  	_ =	shalt  }
0x4c: {  	_ =	shalt  }
0x4d: {  	_ =	shalt  }
0x4e: {  	_ =	shalt  }
0x4f: {  	_ =	shalt  }
0x50: {  	_ =	shalt  }
0x51: {  	_ =	shalt  }
0x52: {  	_ =	shalt  }
0x53: {  	_ =	shalt  }
0x54: {  	_ =	shalt  }
0x55: {  	_ =	shalt  }
0x56: {  	_ =	shalt  }
0x57: {  	_ =	shalt  }
0x58: {  	_ =	shalt  }
0x59: {  	_ =	shalt  }
0x5a: {  	_ =	shalt  }
0x5b: {  	_ =	shalt  }
0x5c: {  	_ =	shalt  }
0x5d: {  	_ =	shalt  }
0x5e: {  	_ =	shalt  }
0x5f: {  	_ =	shalt  }
0x60: {  	_ =	shalt  }
0x61: {  	_ =	shalt  }
0x62: {  	_ =	shalt  }
0x63: {  	_ =	shalt  }
0x64: {  	_ =	shalt  }
0x65: {  	_ =	shalt  }
0x66: {  	_ =	shalt  }
0x67: {  	_ =	shalt  }
0x68: {  	_ =	shalt  }
0x69: {  	_ =	shalt  }
0x6a: {  	_ =	shalt  }
0x6b: {  	_ =	shalt  }
0x6c: {  	_ =	shalt  }
0x6d: {  	_ =	shalt  }
0x6e: {  	_ =	shalt  }
0x6f: {  	_ =	shalt  }
0x70: {  	_ =	shalt  }
0x71: {  	_ =	shalt  }
0x72: {  	_ =	shalt  }
0x73: {  	_ =	shalt  }
0x74: {  	_ =	shalt  }
0x75: {  	_ =	shalt  }
0x76: {  	_ =	shalt  }
0x77: {  	_ =	shalt  }
0x78: {  	_ =	shalt  }
0x79: {  	_ =	shalt  }
0x7a: {  	_ =	shalt  }
0x7b: {  	_ =	shalt  }
0x7c: {  	_ =	shalt  }
0x7d: {  	_ =	shalt  }
0x7e: {  	_ =	shalt  }
0x7f: {  	_ =	shalt  }
0x80: {  	_ =	shalt  }
0x81: {  	_ =	shalt  }
0x82: {  	_ =	shalt  }
0x83: {  	_ =	shalt  }
0x84: {  	_ =	shalt  }
0x85: {  	_ =	shalt  }
0x86: {  	_ =	shalt  }
0x87: {  	_ =	shalt  }
.Lfunc_end0:
.L_simem_size_0:
called_computation_lowered:
.L_overlay_start_0:
0x88: {  	s2 =	sld [smem:$0x3FD9]  }
0x89: {  	s3 =	sld [smem:$0x3FFE];
	_ =	sdelay $0x1  }
0x8a: {  	s1 =	srdreg.scid  }
0x8b: {  	s0 =	sand.u32 $0x1, s1  }
0x8c: {  	s17 =	sshll.u32 s0, $0xA;
	s2 =	sadd.s32 s3, s2  }
0x8d: {  	s2 =	sadd.s32 s2, s17  }
0x8e: {  	[smem:$0x3FBC] =	sst s2  }
0x8f: {  	_ = 	snop  }
0x90: {  	s2 =	sld [smem:$0x3FD0];
	(tm) =	ssettm $0x1  }
0x91: {  	s18 =	sld [smem:$0x3FFB];
	_ =	sdelay $0x3  }
0x92: {  	_ =	strace s18  }
0x93: {  	s3 =	sld [smem:$0x3FFC];
	_ =	sdelay $0x3  }
0x94: {  	_ =	strace s3  }
0x95: {  	s3 =	sld [smem:$0x3FFD];
	_ =	sdelay $0x3  }
0x96: {  	_ =	strace s3  }
0x97: {  	_ =	strace $0x8FFFFFFF  }
0x98: {  	s19 =	sld [smem:$0x3FDB];
	_ =	sdelay $0x1  }
0x99: {  	s4 =	simm.s32 $_scs_section_size  }
0x9a: {  	s5 =	simm.s32 $_size__tile_overlayer_lowered;
	s6 =	simm.s32 $_tile_overlayer_lowered  }
0x9b: {  	s22 =	simm.s32 $0x1BFF;
	s21 =	sshll.u32 s6, $0x1;
	s3 =	sadd.s32 s4, s19  }
0x9c: {  	s7 =	simm.s32 $0x0;
	s20 =	sshll.u32 s5, $0x1;
	s5 =	sadd.s32 s21, s3  }
0x9d: {  	[timem:s7], [sflag:s22] =	dma.local [hbm:s5], s20  }
0x9e: {  	_ =	swait.ge [sflag:s22], s20  }
0x9f: {  	s4 =	ssub.s32 $0x0, s20;
	[sflag:s22] =	ssyncset.done $0x0  }
0xa0: {  	[sflag:s22] =	ssyncadd.s32 s4;
	_ =	sdelay $0x1  }
0xa1: {  	s23 =	simm.s32 $0x1B8B  }
0xa2: {  	_ =	swait.ge [sflag:s23], $0x1  }
0xa3: {  	[sflag:s23] =	ssyncset.done $0x0  }
0xa4: {  	s25 =	simm.s32 $0x1B8E;
	s24 =	sld [smem:$0x3FFE];
	[sflag:s23] =	ssyncadd.s32 $0xFFFFFFFF  }
0xa5: {  	s26 =	simm.s32 $execute0_lowered;
	[smem:$0x3FD2] =	sst s25  }
0xa6: {  	s5 =	sshll.u32 s26, $0x1;
	_ =	strace $0x80000046;
	[dreg:$0x1] =	wrdreg $0xFFFFFFFF  }
0xa7: {  	s28 =	simm.s32 $_size_execute0_lowered;
	s3 =	sadd.s32 s3, s5;
	[dreg:$0x0] =	wrdreg $0x0  }
0xa8: {  	s5 =	sshll.u32 s28, $0x1;
	[dreg:$0x2] =	wrdreg s3  }
0xa9: {  	[dreg:$0x3] =	wrdreg s5  }
0xaa: {  	[dreg:$0x4] =	wrdreg $0xC0  }
0xab: {  	_ =	task [dreg:s7], $0x5FFFF  }
0xac: {  	[dreg:$0x1] =	wrdreg $0xFFFFFFFF  }
0xad: {  	[dreg:$0x0] =	wrdreg $0x60  }
0xae: {  	[dreg:$0x2] =	wrdreg s2  }
0xaf: {  	[dreg:$0x3] =	wrdreg s24  }
0xb0: {  	[dreg:$0x4] =	wrdreg $0x57800  }
0xb1: {  	[dreg:$0x5] =	wrdreg $0x197800  }
0xb2: {  	[dreg:$0x6] =	wrdreg $0x9  }
0xb3: {  	_ =	task.clear_ibuf [dreg:s7], $0x7FFFF;
	_ =	strace $0x90000046  }
0xb4: {  	s29 =	simm.s32 $0x9;
	_ =	strace $0x80000048  }
0xb5: {  	_ =	swait.ge [sflag:s29], $0x1  }
0xb6: {  	[sflag:s29] =	ssyncadd.s32 $0xFFFFFFFF  }
0xb7: {  	_ =	strace $0x90000048  }
0xb8: {  	_ =	sfence  }
0xb9: {  	s30 =	sld [smem:$0x0];
	_ =	sdelay $0x2  }
0xba: {  	s31 =	sshll.u32 s1, $0xD;
	s1 =	sshrl.u32 s1, $0x2  }
0xbb: {  	s3 =	sand.u32 $0x4000, s31;
	s1 =	sadd.s32 s1, s30  }
0xbc: {  	s0 =	sor.u32 s3, s0;
	s1 =	sshll.u32 s1, $0x11  }
0xbd: {  	s0 =	sor.u32 s1, s0  }
0xbe: {  	s0 =	sadd.s32 $0x8F2B, s0  }
0xbf: {  	[sflag:s0] =	ssyncadd.remote.s32 $0x1  }
0xc0: {  	_ =	sfence.sel $0xFFFF  }
0xc1: {  	[dreg:$0x0] =	wrdreg $0xFFFFFFFF;
	(pc) =	sbr.abs _section_cstart, $3  }
0xc2: {  	[dreg:$0x1] =	wrdreg $0xFFFFFFFF  }
0xc3: {  	_ =	task.clear_ibuf [dreg:s7], $0x2FFFF;
	_ =	strace $0x9FFFFFFF  }
0xc4: {  	(tm) =	ssettm $0x7FFFFFFF  }
0xc5: {  	_ =	shalt  }
tec
execute0_lowered:
.L_overlay_start_1:
0x0: {  	(tag) =	ssettag $0x1  }
0x1: {  	s0 =	srdreg.scid;
	s2 =	rddreg [dreg:$0x1]  }
0x2: {  	s4 =	stileid.u32;
	s3 =	rddreg [dreg:$0x2]  }
0x3: {  	s13 =	rddreg [dreg:$0x3];
	s5 =	simm.s32 $0x0;
	s20 =	simm.s32 $0x20  }
0x4: {  	s21 =	simm.s32 $0x5680;
	s22 =	simm.s32 $0x3680;
	s23 =	simm.s32 $0x6  }
0x5: {  	s28 =	simm.s32 $0x2680;
	s29 =	simm.s32 $0x80;
	s30 =	simm.s32 $0x680  }
0x6: {  	s0 =	sand.u32 $0x1, s0;
	s8 =	smul.u32 $0x14000, s4;
	[smem:$0x7FF] =	sst s5  }
0x7: {  	s10 =	smul.u32 $0x2800, s4;
	s24 =	sadd.s32 $0x3000, s2;
	s25 =	sadd.s32 $0x50D000, s2  }
0x8: {  	s26 =	sadd.s32 $0x535000, s2;
	_ =	strace $0x80000047;
	[dreg:$0x5] =	wrdreg s24  }
0x9: {  	s31 =	sadd.s32 $0x2B000, s2;
	s7 =	smul.u32 $0x140000, s0;
	[dreg:$0x6] =	wrdreg s25  }
0xa: {  	s1 =	sshll.u32 s0, $0x4;
	s9 =	smul.u32 $0x28000, s0;
	[dreg:$0x7] =	wrdreg s26  }
0xb: {  	s0 =	ssub.s32 $0x2, s0;
	[dreg:$0x8] =	wrdreg s31;
	s1 =	sor.u32 s4, s1  }
0xc: {  	s26 =	simm.s32 $0x1680;
	s14 =	sshrl.u32 s0, $0x1;
	s6 =	smul.u32 $0x6, s1  }
0xd: {  	s7 =	sadd.s32 s8, s7;
	s11 =	sadd.s32 s10, s9;
	s12 =	smul.u32 $0x138800, s1  }
0xe: {  	s0 =	ssub.s32 s0, s14;
	s1 =	smul.u32 $0x138, s1;
	s10 =	simm.s32 $0x10  }
0xf: {  	s7 =	sshrl.u32 s7, $0x3;
	s8 =	sshrl.u32 s11, $0x3;
	s11 =	smul.u32 $0x280, s4  }
0x10: {  	s0 =	smax.u32 s0, $0x1;
	s6 =	sadd.s32 s6, s2;
	[dreg:$0x9] =	wrdreg s12  }
0x11: {  	s7 =	sadd.s32 s7, s2;
	s2 =	sadd.s32 s8, s2;
	[dreg:$0xa] =	wrdreg s1  }
0x12: {  	s9 =	sshrl.u32 s12, $0x3;
	s12 =	smul.u32 $0x50, s4;
	[dreg:$0xd] =	wrdreg s0  }
0x13: {  	s1 =	simm.s32 $0x0;
	s15 =	sadd.s32 s31, s9;
	s16 =	sadd.s32 $0x2E00, s6  }
0x14: {  	s31 =	sor.u32 $0x10, s11;
	s2 =	sadd.s32 $0x585000, s2;
	[dreg:$0xb] =	wrdreg s16  }
0x15: {  	s17 =	sadd.s32 $0x27000, s15;
	s18 =	sadd.s32 $0x10, s12;
	[dreg:$0xe] =	wrdreg s31  }
0x16: {  	v0 =	vlaneseq.u32;
	v6 =	vimm.f32 $0.0e+00;
	s19 =	sadd.s32 $0x20, s12;
	s24 =	sadd.s32 $0x30, s12;
	[dreg:$0xf] =	wrdreg s2  }
0x17: {  	v7 =	vmul.u32 $0x80, v0;
	s25 =	sadd.s32 $0x40, s12;
	s15 =	simm.s32 $0x4680;
	v5 =	vor.u32 s12, v0;
	[dreg:$0xc] =	wrdreg s17;
	v1 =	vor.u32 s18, v0  }
0x18: {  	s17 =	sadd.s32 $0x58F000, s7;
	s7 =	simm.s32 $0x5700;
	v2 =	vor.u32 s19, v0;
	v3 =	vor.u32 s24, v0;
	v4 =	vor.u32 s25, v0;
	s18 =	simm.s32 $0x200  }
.LBB2_1:
0x19: {  	[dreg:$0x10] =	wrdreg s1;
	s0 =	simm.s32 $0x0  }
.LBB2_2:
0x1a: {  	p0 =	seq.s32 s0, $0x3FC0  }
.Ltmp0:
0x1b: {  	_ = 	snop;
	(pc) =	sbr.rel @!p0 .LBB2_2-.Ltmp0, $4  }
0x1c: {  	_ = 	snop  }
0x1d: {  	s1 =	sshra.s32 s0, $0x2  }
0x1e: {  	[tilespmem:s1+$0x3680] =	vst v6  }
0x1f: {  	s0 =	sadd.s32 $0x40, s0;
	[tilespmem:s1+$0x4680] =	vst v6  }
0x20: {  	s0 =	sadd.s32 $0x0, s11  }
0x21: {  	v8 =	vor.u32 s0, v0;
	s0 =	sadd.s32 $0x10, s0  }
0x22: {  	[tilespmem:$0x5680] =	vst v8;
	v8 =	vor.u32 s0, v0  }
0x23: {  	[tilespmem:$0x5690] =	vst v8  }
0x24: {  	[spmem:s3] =	stream.indirect.scatter [tilespmem:s22], [sflag:$0x6], $0x80, s21, s20, $0xb8;
	[tilespmem:$0x1BF80] =	vst v63  }
0x25: {  	s0 =	simm.s32 $0x20;
	_ =	swait.ge [sflag:s23], $0x1000  }
.LBB2_4:
0x26: {  	s1 =	sadd.s32 s0, s11;
	[sflag:s23] =	ssyncset.done $0x0;
	p0 =	seq.s32 s0, $0x260  }
.Ltmp1:
0x27: {  	v8 =	vor.u32 s1, v0;
	s1 =	sadd.s32 $0x10, s1;
	[sflag:s23] =	ssyncadd.s32 $0xFFFFF000;
	(pc) =	sbr.rel @!p0 .LBB2_4-.Ltmp1, $4  }
0x28: {  	s0 =	sadd.s32 $0x20, s0;
	[tilespmem:$0x5680] =	vst v8;
	v8 =	vor.u32 s1, v0  }
0x29: {  	[tilespmem:$0x5690] =	vst v8  }
0x2a: {  	[spmem:s3] =	stream.indirect.scatter [tilespmem:s22], [sflag:$0x6], $0x80, s21, s20, $0xb8;
	[tilespmem:$0x1BF80] =	vst v63  }
0x2b: {  	_ =	swait.ge [sflag:s23], $0x1000  }
0x2c: {  	[sflag:s23] =	ssyncset.done $0x0  }
0x2d: {  	[sflag:s23] =	ssyncadd.s32 $0xFFFFF000  }
0x2e: {  	[tilespmem:$0x5700] =	vst v5  }
0x2f: {  	[spmem:s13] =	stream.indirect.scatter [tilespmem:s22], [sflag:$0x6], $0x80, s7, s10, $0xb8;
	[tilespmem:$0x1BF80] =	vst v63  }
0x30: {  	_ =	swait.ge [sflag:s23], $0x800  }
0x31: {  	[sflag:s23] =	ssyncset.done $0x0  }
0x32: {  	[sflag:s23] =	ssyncadd.s32 $0xFFFFF800  }
0x33: {  	[tilespmem:$0x5700] =	vst v1  }
0x34: {  	[spmem:s13] =	stream.indirect.scatter [tilespmem:s22], [sflag:$0x6], $0x80, s7, s10, $0xb8;
	[tilespmem:$0x1BF80] =	vst v63  }
0x35: {  	_ =	swait.ge [sflag:s23], $0x800  }
0x36: {  	[sflag:s23] =	ssyncset.done $0x0  }
0x37: {  	[sflag:s23] =	ssyncadd.s32 $0xFFFFF800  }
0x38: {  	[tilespmem:$0x5700] =	vst v2  }
0x39: {  	[spmem:s13] =	stream.indirect.scatter [tilespmem:s22], [sflag:$0x6], $0x80, s7, s10, $0xb8;
	[tilespmem:$0x1BF80] =	vst v63  }
0x3a: {  	_ =	swait.ge [sflag:s23], $0x800  }
0x3b: {  	[sflag:s23] =	ssyncset.done $0x0  }
0x3c: {  	[sflag:s23] =	ssyncadd.s32 $0xFFFFF800  }
0x3d: {  	[tilespmem:$0x5700] =	vst v3  }
0x3e: {  	[spmem:s13] =	stream.indirect.scatter [tilespmem:s22], [sflag:$0x6], $0x80, s7, s10, $0xb8;
	[tilespmem:$0x1BF80] =	vst v63  }
0x3f: {  	_ =	swait.ge [sflag:s23], $0x800  }
0x40: {  	[sflag:s23] =	ssyncset.done $0x0  }
0x41: {  	[sflag:s23] =	ssyncadd.s32 $0xFFFFF800  }
0x42: {  	[tilespmem:$0x5700] =	vst v4  }
0x43: {  	[spmem:s13] =	stream.indirect.scatter [tilespmem:s22], [sflag:$0x6], $0x80, s7, s10, $0xb8;
	[tilespmem:$0x1BF80] =	vst v63  }
0x44: {  	_ =	swait.ge [sflag:s23], $0x800  }
0x45: {  	[sflag:s23] =	ssyncset.done $0x0  }
0x46: {  	[sflag:s23] =	ssyncadd.s32 $0xFFFFF800  }
0x47: {  	s16 =	simm.s32 $0x0;
	[bflag:$0x0] =	sbarrier.arrive $0xFFFF  }
.LBB2_6:
0x48: {  	s0 =	sand.u32 $0x7, s16  }
0x49: {  	s1 =	rddreg [dreg:$0xa];
	p0 =	sne.s32 s0, $0x0  }
0x4a: {  	s1 =	sadd.s32 @!p0 s1, s16  }
0x4b: {  	s1 =	smul.u32 @!p0 $0xC, s1  }
0x4c: {  	s2 =	rddreg [dreg:$0x0]  }
0x4d: {  	s6 =	simm.s32 @!p0 $0x300;
	s1 =	sadd.s32 @!p0 s2, s1;
	s2 =	simm.s32 @!p0 $0x0  }
0x4e: {  	[tilespmem:s6], [sflag:$0x6] =	stream.linear.gather @!p0 [hbm4b:s1+s2], $0x300, $0x38;
	[tilespmem:$0x1BF80] =	vst v63  }
0x4f: {  	s1 =	simm.s32 @!p0 $0x6  }
0x50: {  	s0 =	smul.u32 $0x180, s0;
	_ =	swait.ge @!p0 [sflag:s1], $0x300  }
0x51: {  	[sflag:s1] =	ssyncset.done @!p0 $0x0  }
0x52: {  	s0 =	sshrl.u32 s0, $0x2;
	[sflag:s1] =	ssyncadd.s32 @!p0 $0xFFFFFD00  }
0x53: {  	v8 =	vld [tilespmem:s0+$0x300];
	_ =	sdelay $0x4  }
0x54: {  	[tilespmem:$0x0] =	vst v8  }
0x55: {  	v8 =	vld [tilespmem:s0+$0x310];
	_ =	sdelay $0x4  }
0x56: {  	[tilespmem:$0x10] =	vst v8  }
0x57: {  	v8 =	vld [tilespmem:s0+$0x320];
	_ =	sdelay $0x4  }
0x58: {  	[tilespmem:$0x80] =	vst v8  }
0x59: {  	v8 =	vld [tilespmem:s0+$0x330];
	_ =	sdelay $0x4  }
0x5a: {  	[tilespmem:$0x90] =	vst v8  }
0x5b: {  	v8 =	vld [tilespmem:s0+$0x340];
	_ =	sdelay $0x4  }
0x5c: {  	[tilespmem:$0x100] =	vst v8  }
0x5d: {  	v8 =	vld [tilespmem:s0+$0x350];
	_ =	sdelay $0x2  }
0x5e: {  	s2 =	rddreg [dreg:$0x6]  }
0x5f: {  	s5 =	rddreg [dreg:$0x7]  }
0x60: {  	s4 =	simm.s32 $0x0;
	s7 =	sshll.u32 s16, $0xC;
	s8 =	rddreg [dreg:$0x9];
	[tilespmem:$0x110] =	vst v8  }
0x61: {  	[tilespmem:s26], [sflag:$0x1] =	stream.indirect.gather [hbm4b:s2+s20], $0x80, s4, s20, $0xb8;
	[tilespmem:$0x1BF80] =	vst v63  }
0x62: {  	s6 =	rddreg [dreg:$0x5];
	s0 =	sadd.s32 s8, s7  }
0x63: {  	[tilespmem:s28], [sflag:$0x2] =	stream.indirect.gather [hbm4b:s5+s20], $0x80, s4, s20, $0xb8;
	[tilespmem:$0x1BF80] =	vst v63  }
0x64: {  	s9 =	rddreg [dreg:$0x8];
	s0 =	sshrl.u32 s0, $0x3  }
0x65: {  	[tilespmem:s30], [sflag:$0x3] =	stream.indirect.gather [hbm4b:s6+s20], $0x80, s29, s20, $0xb8;
	[tilespmem:$0x1BF80] =	vst v63  }
0x66: {  	s10 =	simm.s32 $0x1;
	s0 =	sadd.s32 s9, s0  }
0x67: {  	[tilespmem:s22], [sflag:$0x4] =	stream.linear.gather [hbm4b:s0+s4], $0x1000, $0x38;
	[tilespmem:$0x1BF80] =	vst v63  }
0x68: {  	_ =	swait.ge [sflag:s10], $0x1000  }
0x69: {  	[sflag:s10] =	ssyncset.done $0x0  }
0x6a: {  	s13 =	simm.s32 $0x2;
	[sflag:s10] =	ssyncadd.s32 $0xFFFFF000  }
0x6b: {  	_ =	swait.ge [sflag:s13], $0x1000  }
0x6c: {  	s14 =	sand.u32 $0x10, s4;
	[sflag:s13] =	ssyncset.done $0x0  }
0x6d: {  	s19 =	simm.s32 $0x3;
	v21 =	vor.u32 s14, v0;
	s6 =	sand.u32 $0x7, s4;
	[sflag:s13] =	ssyncadd.s32 $0xFFFFF000  }
0x6e: {  	v12 =	vshll.u32 v21, $0x7;
	s2 =	sshll.u32 s6, $0x4;
	_ =	swait.ge [sflag:s19], $0x1000  }
0x6f: {  	v13 =	vor.u32 s2, v12;
	[sflag:s19] =	ssyncset.done $0x0  }
0x70: {  	s24 =	simm.s32 $0x4;
	[sflag:s19] =	ssyncadd.s32 $0xFFFFF000  }
0x71: {  	s25 =	sor.u32 $0x1, s2;
	_ =	swait.ge [sflag:s24], $0x1000  }
0x72: {  	v14 =	vor.u32 s25, v12;
	[sflag:s24] =	ssyncset.done $0x0  }
0x73: {  	[sflag:s24] =	ssyncadd.s32 $0xFFFFF000  }
0x74: {  	s31 =	sor.u32 $0x2, s2;
	v8 =	vld.idx.msk [tilespmem:v13+s30+$0x0], $0xffff  }
0x75: {  	v15 =	vor.u32 s31, v12;
	v9 =	vld.idx.msk [tilespmem:v13+s26+$0x0], $0xffff  }
0x76: {  	v24 =	vld.idx.msk [tilespmem:v13+s22+$0x0], $0xffff  }
0x77: {  	s1 =	sor.u32 $0x3, s2;
	v10 =	vld.idx.msk [tilespmem:v14+s26+$0x0], $0xffff  }
0x78: {  	v16 =	vor.u32 s1, v12;
	v25 =	vld.idx.msk [tilespmem:v14+s22+$0x0], $0xffff  }
0x79: {  	v11 =	vld.idx.msk [tilespmem:v14+s30+$0x0], $0xffff  }
0x7a: {  	s4 =	sor.u32 $0x4, s2;
	v30 =	vld.idx.msk [tilespmem:v15+s30+$0x0], $0xffff  }
0x7b: {  	v17 =	vor.u32 s4, v12;
	v26 =	vld.idx.msk [tilespmem:v15+s22+$0x0], $0xffff  }
0x7c: {  	v31 =	vld.idx.msk [tilespmem:v15+s26+$0x0], $0xffff  }
0x7d: {  	s5 =	sor.u32 $0x5, s2;
	v27 =	vld.idx.msk [tilespmem:v16+s22+$0x0], $0xffff  }
0x7e: {  	v18 =	vor.u32 s5, v12;
	v32 =	vld.idx.msk [tilespmem:v16+s26+$0x0], $0xffff  }
0x7f: {  	v33 =	vld.idx.msk [tilespmem:v16+s30+$0x0], $0xffff  }
0x80: {  	s7 =	sor.u32 $0x6, s2;
	v34 =	vld.idx.msk [tilespmem:v17+s30+$0x0], $0xffff  }
0x81: {  	v19 =	vor.u32 s7, v12;
	v28 =	vld.idx.msk [tilespmem:v17+s22+$0x0], $0xffff  }
0x82: {  	v35 =	vld.idx.msk [tilespmem:v17+s26+$0x0], $0xffff  }
0x83: {  	s8 =	sor.u32 $0x7, s2;
	v29 =	vld.idx.msk [tilespmem:v18+s22+$0x0], $0xffff  }
0x84: {  	v20 =	vor.u32 s8, v12;
	v36 =	vld.idx.msk [tilespmem:v18+s26+$0x0], $0xffff  }
0x85: {  	s9 =	sor.u32 $0x8, s2;
	v37 =	vld.idx.msk [tilespmem:v18+s30+$0x0], $0xffff  }
0x86: {  	v22 =	vor.u32 s9, v12;
	v38 =	vld.idx.msk [tilespmem:v19+s30+$0x0], $0xffff  }
0x87: {  	s10 =	sor.u32 $0x9, s2;
	v39 =	vld.idx.msk [tilespmem:v19+s22+$0x0], $0xffff  }
0x88: {  	v23 =	vor.u32 s10, v12;
	v40 =	vld.idx.msk [tilespmem:v19+s26+$0x0], $0xffff  }
0x89: {  	v41 =	vld.idx.msk [tilespmem:v20+s22+$0x0], $0xffff;
	v9 =	vadd.f32 v24, v9  }
0x8a: {  	s13 =	sor.u32 $0xA, s2;
	v53 =	vld.idx.msk [tilespmem:v20+s30+$0x0], $0xffff  }
0x8b: {  	v43 =	vor.u32 s13, v12;
	v42 =	vld.idx.msk [tilespmem:v22+s30+$0x0], $0xffff;
	v8 =	vmul.f32 v9, v8;
	v9 =	vadd.f32 v25, v10  }
0x8c: {  	v54 =	vld.idx.msk [tilespmem:v22+s26+$0x0], $0xffff  }
0x8d: {  	s19 =	sor.u32 $0xC, s2;
	v44 =	vld.idx.msk [tilespmem:v23+s22+$0x0], $0xffff;
	v8 =	vadd.f32 $0.0e+00, v8;
	v9 =	vmul.f32 v9, v11;
	v11 =	vadd.f32 v26, v31  }
0x8e: {  	v46 =	vor.u32 s19, v12;
	v55 =	vld.idx.msk [tilespmem:v23+s26+$0x0], $0xffff  }
0x8f: {  	s24 =	sor.u32 $0xD, s2;
	v45 =	vld.idx.msk [tilespmem:v23+s30+$0x0], $0xffff;
	v8 =	vadd.f32 v9, v8;
	v9 =	vmul.f32 v11, v30;
	v11 =	vadd.f32 v27, v32  }
0x90: {  	v56 =	vld.idx.msk [tilespmem:v43+s30+$0x0], $0xffff;
	v47 =	vor.u32 s24, v12  }
0x91: {  	v10 =	vld.idx.msk [tilespmem:v20+s26+$0x0], $0xffff;
	v8 =	vadd.f32 v9, v8;
	v9 =	vmul.f32 v11, v33;
	v11 =	vadd.f32 v28, v35  }
0x92: {  	v57 =	vld.idx.msk [tilespmem:v43+s26+$0x0], $0xffff  }
0x93: {  	s14 =	sor.u32 $0xB, s2;
	v48 =	vld.idx.msk [tilespmem:v46+s30+$0x0], $0xffff;
	v8 =	vadd.f32 v9, v8;
	v9 =	vmul.f32 v11, v34;
	v11 =	vadd.f32 v29, v36  }
0x94: {  	v30 =	vld.idx.msk [tilespmem:v22+s22+$0x0], $0xffff;
	v33 =	vor.u32 s14, v12  }
0x95: {  	v49 =	vld.idx.msk [tilespmem:v46+s26+$0x0], $0xffff;
	v8 =	vadd.f32 v9, v8;
	v9 =	vmul.f32 v11, v37;
	v11 =	vadd.f32 v39, v40  }
0x96: {  	v50 =	vld.idx.msk [tilespmem:v47+s26+$0x0], $0xffff;
	v10 =	vadd.f32 v41, v10  }
0x97: {  	v62 =	vld.idx.msk [tilespmem:v47+s30+$0x0], $0xffff;
	v8 =	vadd.f32 v9, v8;
	v9 =	vmul.f32 v11, v38  }
0x98: {  	s25 =	sor.u32 $0xE, s2;
	v10 =	vmul.f32 v10, v53;
	v36 =	vld.idx.msk [tilespmem:v43+s22+$0x0], $0xffff  }
0x99: {  	v59 =	vadd.f32 v30, v54;
	v40 =	vld.idx.msk [tilespmem:v33+s22+$0x0], $0xffff;
	v8 =	vadd.f32 v9, v8;
	v9 =	vor.u32 s25, v12  }
0x9a: {  	v11 =	vld.idx.msk [tilespmem:v33+s26+$0x0], $0xffff  }
0x9b: {  	s31 =	sshllo.u32 s6, $0x4;
	v32 =	vld.idx.msk [tilespmem:v46+s22+$0x0], $0xffff;
	v35 =	vadd.f32 v44, v55;
	v31 =	vmul.f32 v59, v42;
	v10 =	vadd.f32 v10, v8  }
0x9c: {  	v58 =	vld.idx.msk [tilespmem:v33+s30+$0x0], $0xffff;
	v8 =	vor.u32 s31, v12  }
0x9d: {  	v60 =	vmul.f32 v35, v45;
	v42 =	vld.idx.msk [tilespmem:v47+s22+$0x0], $0xffff;
	v61 =	vadd.f32 v36, v57;
	v10 =	vadd.f32 v31, v10  }
0x9e: {  	v63 =	vld.idx.msk [tilespmem:v9+s30+$0x0], $0xffff  }
0x9f: {  	v52 =	vmul.f32 v61, v56;
	v53 =	vadd.f32 v40, v11;
	v11 =	vld.idx.msk [tilespmem:v9+s22+$0x0], $0xffff;
	v10 =	vadd.f32 v60, v10  }
0xa0: {  	v54 =	vld.idx.msk [tilespmem:v9+s26+$0x0], $0xffff  }
0xa1: {  	v55 =	vadd.f32 v32, v49;
	v34 =	vmul.f32 v53, v58;
	v56 =	vld.idx.msk [tilespmem:v8+s26+$0x0], $0xffff;
	v31 =	vadd.f32 v52, v10  }
0xa2: {  	v10 =	vld.idx.msk [tilespmem:v8+s22+$0x0], $0xffff  }
0xa3: {  	v57 =	vmul.f32 v55, v48;
	v58 =	vadd.f32 v42, v50;
	v31 =	vadd.f32 v34, v31  }
0xa4: {  	v59 =	vld.idx.msk [tilespmem:v8+s30+$0x0], $0xffff  }
0xa5: {  	v60 =	vmul.f32 v58, v62;
	v35 =	vadd.f32 v11, v54;
	v31 =	vadd.f32 v57, v31;
	_ =	sdelay $0x1  }
0xa6: {  	v61 =	vmul.f32 v35, v63;
	v62 =	vadd.f32 v10, v56;
	v31 =	vadd.f32 v60, v31;
	_ =	sdelay $0x1  }
0xa7: {  	v63 =	vmul.f32 v62, v59;
	v31 =	vadd.f32 v61, v31;
	_ =	sdelay $0x1  }
0xa8: {  	v31 =	vadd.f32 v63, v31;
	_ =	sdelay $0x1  }
0xa9: {  	v31 =	vmul.f32 $2.500000000e-01, v31  }
0xaa: {  	v21 =	vld.idx.msk [tilespmem:v21+s29+$0x0], $0xffff  }
0xab: {  	v31 =	vmul.f32 $1.442695020e+00, v31;
	_ =	sdelay $0x1  }
0xac: {  	(erf) = vpow2.f32 v31;
	_ =	sdelay $0x1  }
0xad: {  	v21 =	vshll.u32 v21, $0x4  }
0xae: {  	v21 =	vand.u32 $0x70, v21  }
0xaf: {  	v21 =	vor.u32 s6, v21  }
0xb0: {  	v21 =	vor.u32 v12, v21;
	_ =	sdelay $0x3  }
0xb1: {  	v12 =	vpop (erf)  }
0xb2: {  	[tilespmem:v21+s15+$0x0] =	vst.idx.msk $0xffff, v12  }
0xb3: {  	v21 =	vld.idx.msk [tilespmem:v13+s28+$0x0], $0xffff;
	_ =	sdelay $0x4  }
0xb4: {  	v21 =	vadd.f32 v21, v24;
	_ =	sdelay $0x1  }
0xb5: {  	v21 =	vmul.f32 v12, v21;
	_ =	sdelay $0x1  }
0xb6: {  	[tilespmem:v13+s22+$0x0] =	vst.idx.msk $0xffff, v21  }
0xb7: {  	v13 =	vld.idx.msk [tilespmem:v14+s28+$0x0], $0xffff;
	_ =	sdelay $0x4  }
0xb8: {  	v13 =	vadd.f32 v13, v25;
	_ =	sdelay $0x1  }
0xb9: {  	v13 =	vmul.f32 v12, v13;
	_ =	sdelay $0x1  }
0xba: {  	[tilespmem:v14+s22+$0x0] =	vst.idx.msk $0xffff, v13  }
0xbb: {  	v13 =	vld.idx.msk [tilespmem:v15+s28+$0x0], $0xffff;
	_ =	sdelay $0x4  }
0xbc: {  	v13 =	vadd.f32 v13, v26;
	_ =	sdelay $0x1  }
0xbd: {  	v13 =	vmul.f32 v13, v12;
	_ =	sdelay $0x1  }
0xbe: {  	[tilespmem:v15+s22+$0x0] =	vst.idx.msk $0xffff, v13  }
0xbf: {  	v13 =	vld.idx.msk [tilespmem:v16+s28+$0x0], $0xffff;
	_ =	sdelay $0x4  }
0xc0: {  	v13 =	vadd.f32 v13, v27;
	_ =	sdelay $0x1  }
0xc1: {  	v13 =	vmul.f32 v13, v12;
	_ =	sdelay $0x1  }
0xc2: {  	[tilespmem:v16+s22+$0x0] =	vst.idx.msk $0xffff, v13  }
0xc3: {  	v13 =	vld.idx.msk [tilespmem:v17+s28+$0x0], $0xffff;
	_ =	sdelay $0x4  }
0xc4: {  	v13 =	vadd.f32 v13, v28;
	_ =	sdelay $0x1  }
0xc5: {  	v13 =	vmul.f32 v13, v12;
	_ =	sdelay $0x1  }
0xc6: {  	[tilespmem:v17+s22+$0x0] =	vst.idx.msk $0xffff, v13  }
0xc7: {  	v13 =	vld.idx.msk [tilespmem:v18+s28+$0x0], $0xffff;
	_ =	sdelay $0x4  }
0xc8: {  	v13 =	vadd.f32 v13, v29;
	_ =	sdelay $0x1  }
0xc9: {  	v13 =	vmul.f32 v13, v12;
	_ =	sdelay $0x1  }
0xca: {  	[tilespmem:v18+s22+$0x0] =	vst.idx.msk $0xffff, v13  }
0xcb: {  	v13 =	vld.idx.msk [tilespmem:v19+s28+$0x0], $0xffff;
	_ =	sdelay $0x4  }
0xcc: {  	v13 =	vadd.f32 v13, v39;
	_ =	sdelay $0x1  }
0xcd: {  	v13 =	vmul.f32 v13, v12;
	_ =	sdelay $0x1  }
0xce: {  	[tilespmem:v19+s22+$0x0] =	vst.idx.msk $0xffff, v13  }
0xcf: {  	v13 =	vld.idx.msk [tilespmem:v20+s28+$0x0], $0xffff;
	_ =	sdelay $0x4  }
0xd0: {  	v13 =	vadd.f32 v13, v41;
	_ =	sdelay $0x1  }
0xd1: {  	v13 =	vmul.f32 v13, v12;
	_ =	sdelay $0x1  }
0xd2: {  	[tilespmem:v20+s22+$0x0] =	vst.idx.msk $0xffff, v13  }
0xd3: {  	v13 =	vld.idx.msk [tilespmem:v22+s28+$0x0], $0xffff;
	_ =	sdelay $0x4  }
0xd4: {  	v13 =	vadd.f32 v13, v30;
	_ =	sdelay $0x1  }
0xd5: {  	v13 =	vmul.f32 v13, v12;
	_ =	sdelay $0x1  }
0xd6: {  	[tilespmem:v22+s22+$0x0] =	vst.idx.msk $0xffff, v13  }
0xd7: {  	v13 =	vld.idx.msk [tilespmem:v23+s28+$0x0], $0xffff;
	_ =	sdelay $0x4  }
0xd8: {  	v13 =	vadd.f32 v13, v44;
	_ =	sdelay $0x1  }
0xd9: {  	v13 =	vmul.f32 v13, v12;
	_ =	sdelay $0x1  }
0xda: {  	[tilespmem:v23+s22+$0x0] =	vst.idx.msk $0xffff, v13  }
0xdb: {  	v13 =	vld.idx.msk [tilespmem:v43+s28+$0x0], $0xffff;
	_ =	sdelay $0x4  }
0xdc: {  	v13 =	vadd.f32 v13, v36;
	_ =	sdelay $0x1  }
0xdd: {  	v13 =	vmul.f32 v13, v12;
	_ =	sdelay $0x1  }
0xde: {  	[tilespmem:v43+s22+$0x0] =	vst.idx.msk $0xffff, v13  }
0xdf: {  	v13 =	vld.idx.msk [tilespmem:v33+s28+$0x0], $0xffff;
	_ =	sdelay $0x4  }
0xe0: {  	v13 =	vadd.f32 v13, v40;
	_ =	sdelay $0x1  }
0xe1: {  	v13 =	vmul.f32 v13, v12;
	_ =	sdelay $0x1  }
0xe2: {  	[tilespmem:v33+s22+$0x0] =	vst.idx.msk $0xffff, v13  }
0xe3: {  	v13 =	vld.idx.msk [tilespmem:v46+s28+$0x0], $0xffff;
	_ =	sdelay $0x4  }
0xe4: {  	v13 =	vadd.f32 v13, v32;
	_ =	sdelay $0x1  }
0xe5: {  	v13 =	vmul.f32 v13, v12;
	_ =	sdelay $0x1  }
0xe6: {  	[tilespmem:v46+s22+$0x0] =	vst.idx.msk $0xffff, v13  }
0xe7: {  	v13 =	vld.idx.msk [tilespmem:v47+s28+$0x0], $0xffff;
	_ =	sdelay $0x4  }
0xe8: {  	v13 =	vadd.f32 v13, v42;
	_ =	sdelay $0x1  }
0xe9: {  	v13 =	vmul.f32 v13, v12;
	_ =	sdelay $0x1  }
0xea: {  	[tilespmem:v47+s22+$0x0] =	vst.idx.msk $0xffff, v13  }
0xeb: {  	s9 =	simm.s32 $0x1;
	s10 =	simm.s32 $0x0;
	v13 =	vld.idx.msk [tilespmem:v9+s28+$0x0], $0xffff  }
.LBB2_7:
0xec: {  	_ =	sdelay $0x1  }
0xed: {  	p0 =	sne.s32 s9, $0xF  }
0xee: {  	s10 =	sadd.s32 $0x2, s10;
	s0 =	smov.u32 s9;
	s9 =	sadd.s32 $0x1, s9  }
0xef: {  	v11 =	vadd.f32 v13, v11;
	_ =	sdelay $0x1  }
0xf0: {  	v11 =	vmul.f32 v11, v12;
	_ =	sdelay $0x1  }
0xf1: {  	[tilespmem:v9+s22+$0x0] =	vst.idx.msk $0xffff, v11  }
0xf2: {  	v9 =	vld.idx.msk [tilespmem:v8+s28+$0x0], $0xffff;
	_ =	sdelay $0x2  }
0xf3: {  	s1 =	sand.u32 $0x10, s10  }
0xf4: {  	s13 =	sand.u32 $0x7, s0;
	v41 =	vor.u32 s1, v0  }
0xf5: {  	s5 =	sshll.u32 s13, $0x4;
	s6 =	sshllo.u32 s13, $0x4;
	v39 =	vshll.u32 v41, $0x7  }
0xf6: {  	s25 =	sor.u32 $0x5, s5;
	s24 =	sor.u32 $0x6, s5;
	s1 =	sor.u32 $0x7, s5;
	v35 =	vor.u32 s5, v39;
	v9 =	vadd.f32 v9, v10  }
0xf7: {  	s0 =	sor.u32 $0x1, s5;
	s19 =	sor.u32 $0x8, s5;
	s14 =	sor.u32 $0x9, s5  }
0xf8: {  	s2 =	sor.u32 $0xB, s5;
	s31 =	sor.u32 $0xC, s5;
	v31 =	vor.u32 s0, v39;
	s0 =	sor.u32 $0xA, s5;
	v9 =	vmul.f32 v9, v12  }
0xf9: {  	s8 =	sor.u32 $0xD, s5;
	s7 =	sor.u32 $0xE, s5  }
0xfa: {  	[tilespmem:v8+s22+$0x0] =	vst.idx.msk $0xffff, v9  }
0xfb: {  	s4 =	sor.u32 $0x2, s5;
	v8 =	vld.idx.msk [tilespmem:v35+s30+$0x0], $0xffff  }
0xfc: {  	v32 =	vor.u32 s4, v39;
	v9 =	vld.idx.msk [tilespmem:v35+s26+$0x0], $0xffff  }
0xfd: {  	s4 =	sor.u32 $0x3, s5;
	v42 =	vld.idx.msk [tilespmem:v35+s22+$0x0], $0xffff  }
0xfe: {  	v29 =	vor.u32 s4, v39;
	v10 =	vld.idx.msk [tilespmem:v31+s26+$0x0], $0xffff  }
0xff: {  	v40 =	vld.idx.msk [tilespmem:v31+s22+$0x0], $0xffff  }
0x100: {  	v11 =	vld.idx.msk [tilespmem:v31+s30+$0x0], $0xffff  }
0x101: {  	s4 =	sor.u32 $0x4, s5;
	v12 =	vld.idx.msk [tilespmem:v32+s30+$0x0], $0xffff  }
0x102: {  	v27 =	vor.u32 s4, v39;
	v38 =	vld.idx.msk [tilespmem:v32+s22+$0x0], $0xffff  }
0x103: {  	v9 =	vadd.f32 v42, v9;
	v13 =	vld.idx.msk [tilespmem:v32+s26+$0x0], $0xffff  }
0x104: {  	v24 =	vor.u32 s25, v39;
	v37 =	vld.idx.msk [tilespmem:v29+s22+$0x0], $0xffff  }
0x105: {  	v8 =	vmul.f32 v9, v8;
	v9 =	vadd.f32 v40, v10;
	v10 =	vld.idx.msk [tilespmem:v29+s26+$0x0], $0xffff  }
0x106: {  	v14 =	vld.idx.msk [tilespmem:v29+s30+$0x0], $0xffff  }
0x107: {  	v8 =	vadd.f32 $0.0e+00, v8;
	v9 =	vmul.f32 v9, v11;
	v11 =	vld.idx.msk [tilespmem:v27+s30+$0x0], $0xffff  }
0x108: {  	v23 =	vor.u32 s24, v39;
	v36 =	vld.idx.msk [tilespmem:v27+s22+$0x0], $0xffff  }
0x109: {  	v8 =	vadd.f32 v9, v8;
	v9 =	vadd.f32 v38, v13;
	v13 =	vld.idx.msk [tilespmem:v27+s26+$0x0], $0xffff  }
0x10a: {  	v20 =	vor.u32 s1, v39;
	v34 =	vld.idx.msk [tilespmem:v24+s22+$0x0], $0xffff  }
0x10b: {  	v9 =	vmul.f32 v9, v12;
	v10 =	vadd.f32 v37, v10;
	v12 =	vld.idx.msk [tilespmem:v24+s26+$0x0], $0xffff  }
0x10c: {  	v15 =	vld.idx.msk [tilespmem:v24+s30+$0x0], $0xffff  }
0x10d: {  	v8 =	vadd.f32 v9, v8;
	v9 =	vmul.f32 v10, v14;
	v10 =	vld.idx.msk [tilespmem:v23+s30+$0x0], $0xffff  }
0x10e: {  	v19 =	vor.u32 s19, v39;
	v33 =	vld.idx.msk [tilespmem:v23+s22+$0x0], $0xffff  }
0x10f: {  	v8 =	vadd.f32 v9, v8;
	v9 =	vadd.f32 v36, v13;
	v13 =	vld.idx.msk [tilespmem:v23+s26+$0x0], $0xffff  }
0x110: {  	v17 =	vor.u32 s14, v39;
	v30 =	vld.idx.msk [tilespmem:v20+s22+$0x0], $0xffff  }
0x111: {  	v9 =	vmul.f32 v9, v11;
	v11 =	vadd.f32 v34, v12;
	v12 =	vld.idx.msk [tilespmem:v20+s26+$0x0], $0xffff  }
0x112: {  	v14 =	vld.idx.msk [tilespmem:v20+s30+$0x0], $0xffff  }
0x113: {  	v8 =	vadd.f32 v9, v8;
	v9 =	vmul.f32 v11, v15;
	v11 =	vld.idx.msk [tilespmem:v19+s30+$0x0], $0xffff  }
0x114: {  	v16 =	vor.u32 s0, v39;
	v28 =	vld.idx.msk [tilespmem:v19+s22+$0x0], $0xffff  }
0x115: {  	v8 =	vadd.f32 v9, v8;
	v9 =	vadd.f32 v33, v13;
	v13 =	vld.idx.msk [tilespmem:v19+s26+$0x0], $0xffff  }
0x116: {  	v15 =	vor.u32 s2, v39;
	v26 =	vld.idx.msk [tilespmem:v17+s22+$0x0], $0xffff  }
0x117: {  	v9 =	vmul.f32 v9, v10;
	v10 =	vadd.f32 v30, v12;
	v12 =	vld.idx.msk [tilespmem:v17+s26+$0x0], $0xffff  }
0x118: {  	v18 =	vld.idx.msk [tilespmem:v17+s30+$0x0], $0xffff  }
0x119: {  	v8 =	vadd.f32 v9, v8;
	v9 =	vmul.f32 v10, v14;
	v10 =	vld.idx.msk [tilespmem:v16+s30+$0x0], $0xffff  }
0x11a: {  	v14 =	vor.u32 s31, v39;
	v25 =	vld.idx.msk [tilespmem:v16+s22+$0x0], $0xffff  }
0x11b: {  	v8 =	vadd.f32 v9, v8;
	v9 =	vadd.f32 v28, v13;
	v43 =	vld.idx.msk [tilespmem:v16+s26+$0x0], $0xffff  }
0x11c: {  	v13 =	vor.u32 s8, v39;
	v22 =	vld.idx.msk [tilespmem:v15+s22+$0x0], $0xffff  }
0x11d: {  	v9 =	vmul.f32 v9, v11;
	v11 =	vadd.f32 v26, v12;
	v12 =	vld.idx.msk [tilespmem:v15+s26+$0x0], $0xffff  }
0x11e: {  	v44 =	vld.idx.msk [tilespmem:v15+s30+$0x0], $0xffff  }
0x11f: {  	v8 =	vadd.f32 v9, v8;
	v11 =	vmul.f32 v11, v18;
	v45 =	vld.idx.msk [tilespmem:v14+s30+$0x0], $0xffff  }
0x120: {  	v9 =	vor.u32 s7, v39;
	v21 =	vld.idx.msk [tilespmem:v14+s22+$0x0], $0xffff  }
0x121: {  	v11 =	vadd.f32 v11, v8;
	v43 =	vadd.f32 v25, v43;
	v46 =	vld.idx.msk [tilespmem:v14+s26+$0x0], $0xffff  }
0x122: {  	v8 =	vor.u32 s6, v39;
	v18 =	vld.idx.msk [tilespmem:v13+s22+$0x0], $0xffff  }
0x123: {  	v10 =	vmul.f32 v43, v10;
	v12 =	vadd.f32 v22, v12;
	v43 =	vld.idx.msk [tilespmem:v13+s26+$0x0], $0xffff  }
0x124: {  	v47 =	vld.idx.msk [tilespmem:v13+s30+$0x0], $0xffff  }
0x125: {  	v10 =	vadd.f32 v10, v11;
	v12 =	vmul.f32 v12, v44;
	v44 =	vld.idx.msk [tilespmem:v9+s30+$0x0], $0xffff  }
0x126: {  	v11 =	vld.idx.msk [tilespmem:v9+s22+$0x0], $0xffff  }
0x127: {  	v12 =	vadd.f32 v12, v10;
	v46 =	vadd.f32 v21, v46;
	v48 =	vld.idx.msk [tilespmem:v9+s26+$0x0], $0xffff  }
0x128: {  	v10 =	vld.idx.msk [tilespmem:v8+s22+$0x0], $0xffff  }
0x129: {  	v45 =	vmul.f32 v46, v45;
	v43 =	vadd.f32 v18, v43;
	v46 =	vld.idx.msk [tilespmem:v8+s26+$0x0], $0xffff;
	_ =	sdelay $0x1  }
0x12a: {  	v12 =	vadd.f32 v45, v12;
	v43 =	vmul.f32 v43, v47;
	v45 =	vld.idx.msk [tilespmem:v8+s30+$0x0], $0xffff;
	_ =	sdelay $0x1  }
0x12b: {  	v12 =	vadd.f32 v43, v12;
	v43 =	vadd.f32 v11, v48;
	_ =	sdelay $0x1  }
0x12c: {  	v43 =	vmul.f32 v43, v44;
	v44 =	vadd.f32 v10, v46;
	_ =	sdelay $0x1  }
0x12d: {  	v12 =	vadd.f32 v43, v12;
	v43 =	vmul.f32 v44, v45;
	_ =	sdelay $0x1  }
0x12e: {  	v12 =	vadd.f32 v43, v12;
	_ =	sdelay $0x1  }
0x12f: {  	v12 =	vmul.f32 $2.500000000e-01, v12;
	v41 =	vld.idx.msk [tilespmem:v41+s29+$0x0], $0xffff;
	_ =	sdelay $0x1  }
0x130: {  	v12 =	vmul.f32 $1.442695020e+00, v12;
	_ =	sdelay $0x1  }
0x131: {  	(erf) = vpow2.f32 v12;
	_ =	sdelay $0x1  }
0x132: {  	v12 =	vshll.u32 v41, $0x4  }
0x133: {  	v12 =	vand.u32 $0x70, v12  }
0x134: {  	v12 =	vor.u32 s13, v12  }
0x135: {  	v39 =	vor.u32 v39, v12;
	_ =	sdelay $0x3  }
0x136: {  	v12 =	vpop (erf)  }
0x137: {  	[tilespmem:v39+s15+$0x0] =	vst.idx.msk $0xffff, v12  }
0x138: {  	v39 =	vld.idx.msk [tilespmem:v35+s28+$0x0], $0xffff;
	_ =	sdelay $0x5  }
0x139: {  	v39 =	vadd.f32 v39, v42;
	_ =	sdelay $0x1  }
0x13a: {  	v39 =	vmul.f32 v12, v39;
	_ =	sdelay $0x1  }
0x13b: {  	[tilespmem:v35+s22+$0x0] =	vst.idx.msk $0xffff, v39  }
0x13c: {  	v35 =	vld.idx.msk [tilespmem:v31+s28+$0x0], $0xffff;
	_ =	sdelay $0x5  }
0x13d: {  	v35 =	vadd.f32 v35, v40;
	_ =	sdelay $0x1  }
0x13e: {  	v35 =	vmul.f32 v12, v35;
	_ =	sdelay $0x1  }
0x13f: {  	[tilespmem:v31+s22+$0x0] =	vst.idx.msk $0xffff, v35  }
0x140: {  	v31 =	vld.idx.msk [tilespmem:v32+s28+$0x0], $0xffff;
	_ =	sdelay $0x5  }
0x141: {  	v31 =	vadd.f32 v31, v38;
	_ =	sdelay $0x1  }
0x142: {  	v31 =	vmul.f32 v31, v12;
	_ =	sdelay $0x1  }
0x143: {  	[tilespmem:v32+s22+$0x0] =	vst.idx.msk $0xffff, v31  }
0x144: {  	v31 =	vld.idx.msk [tilespmem:v29+s28+$0x0], $0xffff;
	_ =	sdelay $0x5  }
0x145: {  	v31 =	vadd.f32 v31, v37;
	_ =	sdelay $0x1  }
0x146: {  	v31 =	vmul.f32 v31, v12;
	_ =	sdelay $0x1  }
0x147: {  	[tilespmem:v29+s22+$0x0] =	vst.idx.msk $0xffff, v31  }
0x148: {  	v29 =	vld.idx.msk [tilespmem:v27+s28+$0x0], $0xffff;
	_ =	sdelay $0x5  }
0x149: {  	v29 =	vadd.f32 v29, v36;
	_ =	sdelay $0x1  }
0x14a: {  	v29 =	vmul.f32 v29, v12;
	_ =	sdelay $0x1  }
0x14b: {  	[tilespmem:v27+s22+$0x0] =	vst.idx.msk $0xffff, v29  }
0x14c: {  	v27 =	vld.idx.msk [tilespmem:v24+s28+$0x0], $0xffff;
	_ =	sdelay $0x5  }
0x14d: {  	v27 =	vadd.f32 v27, v34;
	_ =	sdelay $0x1  }
0x14e: {  	v27 =	vmul.f32 v27, v12;
	_ =	sdelay $0x1  }
0x14f: {  	[tilespmem:v24+s22+$0x0] =	vst.idx.msk $0xffff, v27  }
0x150: {  	v24 =	vld.idx.msk [tilespmem:v23+s28+$0x0], $0xffff;
	_ =	sdelay $0x5  }
0x151: {  	v24 =	vadd.f32 v24, v33;
	_ =	sdelay $0x1  }
0x152: {  	v24 =	vmul.f32 v24, v12;
	_ =	sdelay $0x1  }
0x153: {  	[tilespmem:v23+s22+$0x0] =	vst.idx.msk $0xffff, v24  }
0x154: {  	v23 =	vld.idx.msk [tilespmem:v20+s28+$0x0], $0xffff;
	_ =	sdelay $0x5  }
0x155: {  	v23 =	vadd.f32 v23, v30;
	_ =	sdelay $0x1  }
0x156: {  	v23 =	vmul.f32 v23, v12;
	_ =	sdelay $0x1  }
0x157: {  	[tilespmem:v20+s22+$0x0] =	vst.idx.msk $0xffff, v23  }
0x158: {  	v20 =	vld.idx.msk [tilespmem:v19+s28+$0x0], $0xffff;
	_ =	sdelay $0x5  }
0x159: {  	v20 =	vadd.f32 v20, v28;
	_ =	sdelay $0x1  }
0x15a: {  	v20 =	vmul.f32 v20, v12;
	_ =	sdelay $0x1  }
0x15b: {  	[tilespmem:v19+s22+$0x0] =	vst.idx.msk $0xffff, v20  }
0x15c: {  	v19 =	vld.idx.msk [tilespmem:v17+s28+$0x0], $0xffff;
	_ =	sdelay $0x5  }
0x15d: {  	v19 =	vadd.f32 v19, v26;
	_ =	sdelay $0x1  }
0x15e: {  	v19 =	vmul.f32 v19, v12;
	_ =	sdelay $0x1  }
0x15f: {  	[tilespmem:v17+s22+$0x0] =	vst.idx.msk $0xffff, v19  }
0x160: {  	v17 =	vld.idx.msk [tilespmem:v16+s28+$0x0], $0xffff;
	_ =	sdelay $0x5  }
0x161: {  	v17 =	vadd.f32 v17, v25;
	_ =	sdelay $0x1  }
0x162: {  	v17 =	vmul.f32 v17, v12;
	_ =	sdelay $0x1  }
0x163: {  	[tilespmem:v16+s22+$0x0] =	vst.idx.msk $0xffff, v17  }
0x164: {  	v16 =	vld.idx.msk [tilespmem:v15+s28+$0x0], $0xffff;
	_ =	sdelay $0x5  }
0x165: {  	v16 =	vadd.f32 v16, v22;
	_ =	sdelay $0x1  }
0x166: {  	v16 =	vmul.f32 v16, v12;
	_ =	sdelay $0x1  }
0x167: {  	[tilespmem:v15+s22+$0x0] =	vst.idx.msk $0xffff, v16  }
0x168: {  	v15 =	vld.idx.msk [tilespmem:v14+s28+$0x0], $0xffff;
	_ =	sdelay $0x5  }
0x169: {  	v15 =	vadd.f32 v15, v21;
	_ =	sdelay $0x1  }
0x16a: {  	v15 =	vmul.f32 v15, v12;
	_ =	sdelay $0x1  }
0x16b: {  	[tilespmem:v14+s22+$0x0] =	vst.idx.msk $0xffff, v15  }
0x16c: {  	v14 =	vld.idx.msk [tilespmem:v13+s28+$0x0], $0xffff;
	_ =	sdelay $0x5  }
0x16d: {  	v14 =	vadd.f32 v14, v18  }
.Ltmp2:
0x16e: {  	(pc) =	sbr.rel @p0 .LBB2_7-.Ltmp2, $3  }
0x16f: {  	v14 =	vmul.f32 v14, v12;
	_ =	sdelay $0x1  }
0x170: {  	[tilespmem:v13+s22+$0x0] =	vst.idx.msk $0xffff, v14  }
0x171: {  	v13 =	vld.idx.msk [tilespmem:v9+s28+$0x0], $0xffff  }
0x172: {  	_ =	sdelay $0x3  }
0x173: {  	v11 =	vadd.f32 v13, v11;
	_ =	sdelay $0x1  }
0x174: {  	v11 =	vmul.f32 v11, v12;
	_ =	sdelay $0x1  }
0x175: {  	[tilespmem:v9+s22+$0x0] =	vst.idx.msk $0xffff, v11  }
0x176: {  	v9 =	vld.idx.msk [tilespmem:v8+s28+$0x0], $0xffff;
	_ =	sdelay $0x4  }
0x177: {  	v9 =	vadd.f32 v9, v10;
	_ =	sdelay $0x1  }
0x178: {  	v9 =	vmul.f32 v9, v12;
	_ =	sdelay $0x1  }
0x179: {  	[tilespmem:v8+s22+$0x0] =	vst.idx.msk $0xffff, v9  }
0x17a: {  	[spmem:s3] =	stream.indirect.scatter.add.f32 [tilespmem:s22], [sflag:$0x5], $0x80, s29, s20, $0xb8;
	[tilespmem:$0x1BF80] =	vst v63  }
0x17b: {  	s13 =	rddreg [dreg:$0x3];
	s0 =	simm.s32 $0x100;
	s25 =	simm.s32 $0x0  }
0x17c: {  	[spmem:s13] =	stream.indirect.scatter.add.f32 [tilespmem:s15], [sflag:$0x6], $0x80, s0, s20, $0xb8;
	[tilespmem:$0x1BF80] =	vst v63  }
0x17d: {  	s1 =	sand.u32 $0x10, s25;
	_ =	swait.ge [sflag:s23], $0x1000  }
0x17e: {  	v8 =	vor.u32 s1, v0;
	[sflag:s23] =	ssyncset.done $0x0  }
0x17f: {  	s31 =	simm.s32 $0x5;
	[sflag:s23] =	ssyncadd.s32 $0xFFFFF000  }
0x180: {  	_ =	swait.ge [sflag:s31], $0x1000  }
0x181: {  	[sflag:s31] =	ssyncset.done $0x0  }
0x182: {  	[sflag:s31] =	ssyncadd.s32 $0xFFFFF000  }
0x183: {  	v9 =	vld.idx.msk [tilespmem:v8+s29+$0x0], $0xffff;
	_ =	sdelay $0x4  }
0x184: {  	v9 =	vshll.u32 v9, $0x4  }
0x185: {  	s0 =	sand.u32 $0x7, s25;
	v9 =	vand.u32 $0x70, v9  }
0x186: {  	s1 =	simm.s32 $0x2;
	v8 =	vshll.u32 v8, $0x7;
	v9 =	vor.u32 s0, v9  }
0x187: {  	s2 =	simm.s32 $0x2;
	s6 =	sand.u32 $0x10, s1;
	s0 =	simm.s32 $0x1;
	v8 =	vor.u32 v8, v9  }
.LBB2_9:
0x188: {  	p0 =	sne.s32 s2, $0xF;
	v9 =	vor.u32 s6, v0;
	_ =	sdelay $0x3  }
0x189: {  	[tilespmem:v8+s15+$0x0] =	vst.idx.msk $0xffff, v6  }
0x18a: {  	v8 =	vld.idx.msk [tilespmem:v9+s29+$0x0], $0xffff;
	_ =	sdelay $0x4  }
.Ltmp3:
0x18b: {  	(pc) =	sbr.rel @p0 .LBB2_9-.Ltmp3, $4  }
0x18c: {  	v8 =	vshll.u32 v8, $0x4  }
0x18d: {  	s4 =	sand.u32 $0x7, s0;
	s0 =	smov.u32 s2;
	v8 =	vand.u32 $0x70, v8  }
0x18e: {  	s1 =	sadd.s32 $0x2, s1;
	v9 =	vshll.u32 v9, $0x7;
	v8 =	vor.u32 s4, v8  }
0x18f: {  	s2 =	sadd.s32 $0x1, s2;
	s6 =	sand.u32 $0x10, s1;
	v8 =	vor.u32 v9, v8  }
0x190: {  	v9 =	vor.u32 s6, v0;
	_ =	sdelay $0x3  }
0x191: {  	[tilespmem:v8+s15+$0x0] =	vst.idx.msk $0xffff, v6  }
0x192: {  	v8 =	vld.idx.msk [tilespmem:v9+s29+$0x0], $0xffff;
	_ =	sdelay $0x4  }
0x193: {  	v8 =	vshll.u32 v8, $0x4  }
0x194: {  	s0 =	sand.u32 $0x7, s0;
	v8 =	vand.u32 $0x70, v8  }
0x195: {  	s16 =	sadd.s32 $0x1, s16;
	v9 =	vshll.u32 v9, $0x7;
	v8 =	vor.u32 s0, v8  }
0x196: {  	p0 =	sne.s32 s16, $0x138;
	v8 =	vor.u32 v9, v8  }
.Ltmp4:
0x197: {  	_ = 	snop;
	(pc) =	sbr.rel @p0 .LBB2_6-.Ltmp4, $2  }
0x198: {  	_ =	sdelay $0x2  }
0x199: {  	[tilespmem:v8+s15+$0x0] =	vst.idx.msk $0xffff, v6  }
0x19a: {  	s1 =	simm.s32 $0x0;
	s0 =	rddreg [dreg:$0xb];
	s2 =	simm.s32 $0x600  }
0x19b: {  	[tilespmem:s2], [sflag:$0x6] =	stream.linear.gather [hbm4b:s0+s1], $0x30, $0x38;
	[tilespmem:$0x1BF80] =	vst v63  }
0x19c: {  	_ =	swait.ge [sflag:s23], $0x30  }
0x19d: {  	[sflag:s23] =	ssyncset.done $0x0  }
0x19e: {  	[sflag:s23] =	ssyncadd.s32 $0xFFFFFFD0  }
0x19f: {  	v8 =	vld [tilespmem:$0x600]  }
0x1a0: {  	v9 =	vld [tilespmem:$0x610]  }
0x1a1: {  	v10 =	vld [tilespmem:$0x620];
	_ =	sdelay $0x2  }
0x1a2: {  	[tilespmem:$0x180] =	vst v8  }
0x1a3: {  	[tilespmem:$0x200] =	vst v9  }
0x1a4: {  	s10 =	simm.s32 $0x10;
	s4 =	simm.s32 $0x180;
	s2 =	rddreg [dreg:$0x6];
	[tilespmem:$0x280] =	vst v10  }
0x1a5: {  	[tilespmem:s26], [sflag:$0x1] =	stream.indirect.gather [hbm4b:s2+s10], $0x80, s4, s10, $0xb8;
	[tilespmem:$0x1BF80] =	vst v63  }
0x1a6: {  	s5 =	rddreg [dreg:$0x7]  }
0x1a7: {  	[tilespmem:s28], [sflag:$0x2] =	stream.indirect.gather [hbm4b:s5+s10], $0x80, s4, s10, $0xb8;
	[tilespmem:$0x1BF80] =	vst v63  }
0x1a8: {  	s6 =	rddreg [dreg:$0x5]  }
0x1a9: {  	[tilespmem:s30], [sflag:$0x3] =	stream.indirect.gather [hbm4b:s6+s10], $0x80, s18, s10, $0xb8;
	[tilespmem:$0x1BF80] =	vst v63  }
0x1aa: {  	s8 =	simm.s32 $0x1;
	s7 =	rddreg [dreg:$0xc]  }
0x1ab: {  	[tilespmem:s22], [sflag:$0x4] =	stream.linear.gather [hbm4b:s7+s1], $0x800, $0x38;
	[tilespmem:$0x1BF80] =	vst v63  }
0x1ac: {  	_ =	swait.ge [sflag:s8], $0x800  }
0x1ad: {  	[sflag:s8] =	ssyncset.done $0x0  }
0x1ae: {  	s9 =	simm.s32 $0x2;
	[sflag:s8] =	ssyncadd.s32 $0xFFFFF800  }
0x1af: {  	_ =	swait.ge [sflag:s9], $0x800  }
0x1b0: {  	[sflag:s9] =	ssyncset.done $0x0  }
0x1b1: {  	s4 =	simm.s32 $0x3;
	[sflag:s9] =	ssyncadd.s32 $0xFFFFF800  }
0x1b2: {  	s14 =	simm.s32 $0xF;
	_ =	swait.ge [sflag:s4], $0x800  }
0x1b3: {  	s16 =	simm.s32 $0xE;
	v8 =	vor.u32 s14, v7;
	[sflag:s4] =	ssyncset.done $0x0  }
0x1b4: {  	s19 =	simm.s32 $0xD;
	s24 =	simm.s32 $0x4;
	v10 =	vor.u32 s16, v7;
	[sflag:s4] =	ssyncadd.s32 $0xFFFFF800  }
0x1b5: {  	s25 =	simm.s32 $0xC;
	v11 =	vor.u32 s19, v7;
	_ =	swait.ge [sflag:s24], $0x800  }
0x1b6: {  	s31 =	simm.s32 $0xB;
	v12 =	vor.u32 s25, v7;
	[sflag:s24] =	ssyncset.done $0x0  }
0x1b7: {  	v14 =	vor.u32 s31, v7;
	s5 =	simm.s32 $0xA;
	[sflag:s24] =	ssyncadd.s32 $0xFFFFF800  }
0x1b8: {  	v16 =	vor.u32 s5, v7;
	s6 =	simm.s32 $0x9;
	v9 =	vld.idx.msk [tilespmem:v8+s22+$0x0], $0xffff  }
0x1b9: {  	v18 =	vor.u32 s6, v7;
	s7 =	simm.s32 $0x8;
	v13 =	vld.idx.msk [tilespmem:v10+s22+$0x0], $0xffff  }
0x1ba: {  	v20 =	vor.u32 s7, v7;
	s8 =	simm.s32 $0x7;
	v15 =	vld.idx.msk [tilespmem:v11+s22+$0x0], $0xffff  }
0x1bb: {  	v22 =	vor.u32 s8, v7;
	s9 =	simm.s32 $0x0;
	v17 =	vld.idx.msk [tilespmem:v12+s22+$0x0], $0xffff  }
0x1bc: {  	v27 =	vor.u32 s9, v7;
	v19 =	vld.idx.msk [tilespmem:v14+s22+$0x0], $0xffff  }
0x1bd: {  	v21 =	vld.idx.msk [tilespmem:v16+s22+$0x0], $0xffff  }
0x1be: {  	s14 =	simm.s32 $0x1;
	v24 =	vld.idx.msk [tilespmem:v18+s22+$0x0], $0xffff  }
0x1bf: {  	v28 =	vor.u32 s14, v7;
	v25 =	vld.idx.msk [tilespmem:v20+s22+$0x0], $0xffff  }
0x1c0: {  	v26 =	vld.idx.msk [tilespmem:v22+s22+$0x0], $0xffff  }
0x1c1: {  	s16 =	simm.s32 $0x2;
	v23 =	vld.idx.msk [tilespmem:v27+s30+$0x0], $0xffff  }
0x1c2: {  	v30 =	vor.u32 s16, v7;
	v29 =	vld.idx.msk [tilespmem:v27+s26+$0x0], $0xffff  }
0x1c3: {  	v31 =	vld.idx.msk [tilespmem:v27+s22+$0x0], $0xffff  }
0x1c4: {  	s19 =	simm.s32 $0x3;
	v32 =	vld.idx.msk [tilespmem:v28+s22+$0x0], $0xffff  }
0x1c5: {  	v33 =	vor.u32 s19, v7;
	v34 =	vld.idx.msk [tilespmem:v28+s26+$0x0], $0xffff  }
0x1c6: {  	v35 =	vld.idx.msk [tilespmem:v28+s30+$0x0], $0xffff  }
0x1c7: {  	s25 =	simm.s32 $0x5;
	v36 =	vld.idx.msk [tilespmem:v30+s30+$0x0], $0xffff  }
0x1c8: {  	v41 =	vor.u32 s25, v7;
	v37 =	vld.idx.msk [tilespmem:v30+s22+$0x0], $0xffff  }
0x1c9: {  	s24 =	simm.s32 $0x4;
	v39 =	vld.idx.msk [tilespmem:v30+s26+$0x0], $0xffff  }
0x1ca: {  	v38 =	vor.u32 s24, v7;
	v40 =	vld.idx.msk [tilespmem:v33+s22+$0x0], $0xffff  }
0x1cb: {  	v42 =	vld.idx.msk [tilespmem:v33+s26+$0x0], $0xffff  }
0x1cc: {  	v43 =	vld.idx.msk [tilespmem:v33+s30+$0x0], $0xffff  }
0x1cd: {  	s31 =	simm.s32 $0x6;
	v57 =	vld.idx.msk [tilespmem:v41+s30+$0x0], $0xffff;
	v29 =	vadd.f32 v31, v29  }
0x1ce: {  	v45 =	vor.u32 s31, v7;
	v48 =	vld.idx.msk [tilespmem:v41+s26+$0x0], $0xffff  }
0x1cf: {  	v46 =	vld.idx.msk [tilespmem:v38+s22+$0x0], $0xffff;
	v56 =	vadd.f32 v32, v34;
	v23 =	vmul.f32 v29, v23  }
0x1d0: {  	v47 =	vld.idx.msk [tilespmem:v38+s26+$0x0], $0xffff  }
0x1d1: {  	v44 =	vld.idx.msk [tilespmem:v38+s30+$0x0], $0xffff;
	v58 =	vadd.f32 v37, v39;
	v29 =	vmul.f32 v56, v35;
	v23 =	vadd.f32 $0.0e+00, v23  }
0x1d2: {  	v39 =	vld.idx.msk [tilespmem:v41+s22+$0x0], $0xffff  }
0x1d3: {  	v61 =	vld.idx.msk [tilespmem:v45+s26+$0x0], $0xffff;
	v60 =	vadd.f32 v40, v42;
	v59 =	vmul.f32 v58, v36;
	v23 =	vadd.f32 v29, v23  }
0x1d4: {  	v42 =	vld.idx.msk [tilespmem:v45+s22+$0x0], $0xffff  }
0x1d5: {  	v63 =	vld.idx.msk [tilespmem:v45+s30+$0x0], $0xffff;
	v62 =	vmul.f32 v60, v43;
	v52 =	vadd.f32 v46, v47;
	v23 =	vadd.f32 v59, v23  }
0x1d6: {  	v53 =	vld.idx.msk [tilespmem:v22+s26+$0x0], $0xffff  }
0x1d7: {  	v54 =	vld.idx.msk [tilespmem:v20+s26+$0x0], $0xffff;
	v55 =	vadd.f32 v39, v48;
	v43 =	vmul.f32 v52, v44;
	v23 =	vadd.f32 v62, v23  }
0x1d8: {  	v56 =	vld.idx.msk [tilespmem:v22+s30+$0x0], $0xffff  }
0x1d9: {  	v49 =	vld.idx.msk [tilespmem:v18+s26+$0x0], $0xffff;
	v36 =	vadd.f32 v42, v61;
	v34 =	vmul.f32 v55, v57;
	v23 =	vadd.f32 v43, v23  }
0x1da: {  	v57 =	vld.idx.msk [tilespmem:v20+s30+$0x0], $0xffff  }
0x1db: {  	v58 =	vld.idx.msk [tilespmem:v16+s26+$0x0], $0xffff;
	v60 =	vadd.f32 v26, v53;
	v59 =	vmul.f32 v36, v63;
	v23 =	vadd.f32 v34, v23  }
0x1dc: {  	v61 =	vld.idx.msk [tilespmem:v18+s30+$0x0], $0xffff  }
0x1dd: {  	v29 =	vadd.f32 v25, v54;
	v52 =	vld.idx.msk [tilespmem:v16+s30+$0x0], $0xffff;
	v63 =	vmul.f32 v60, v56;
	v23 =	vadd.f32 v59, v23  }
0x1de: {  	v62 =	vld.idx.msk [tilespmem:v14+s26+$0x0], $0xffff  }
0x1df: {  	v53 =	vadd.f32 v24, v49;
	v54 =	vld.idx.msk [tilespmem:v12+s26+$0x0], $0xffff;
	v29 =	vmul.f32 v29, v57;
	v23 =	vadd.f32 v63, v23  }
0x1e0: {  	v55 =	vld.idx.msk [tilespmem:v14+s30+$0x0], $0xffff  }
0x1e1: {  	v56 =	vadd.f32 v21, v58;
	v58 =	vmul.f32 v53, v61;
	v57 =	vld.idx.msk [tilespmem:v11+s26+$0x0], $0xffff;
	v23 =	vadd.f32 v29, v23  }
0x1e2: {  	v59 =	vld.idx.msk [tilespmem:v12+s30+$0x0], $0xffff  }
0x1e3: {  	v60 =	vld.idx.msk [tilespmem:v10+s26+$0x0], $0xffff;
	v61 =	vmul.f32 v56, v52;
	v47 =	vadd.f32 v19, v62;
	v23 =	vadd.f32 v58, v23  }
0x1e4: {  	v62 =	vld.idx.msk [tilespmem:v11+s30+$0x0], $0xffff  }
0x1e5: {  	v52 =	vld.idx.msk [tilespmem:v8+s26+$0x0], $0xffff;
	v53 =	vmul.f32 v47, v55;
	v63 =	vadd.f32 v17, v54;
	v23 =	vadd.f32 v61, v23  }
0x1e6: {  	v54 =	vld.idx.msk [tilespmem:v10+s30+$0x0], $0xffff  }
0x1e7: {  	v44 =	vadd.f32 v15, v57;
	v55 =	vmul.f32 v63, v59;
	v23 =	vadd.f32 v53, v23  }
0x1e8: {  	v56 =	vld.idx.msk [tilespmem:v8+s30+$0x0], $0xffff  }
0x1e9: {  	v57 =	vadd.f32 v13, v60;
	v58 =	vmul.f32 v44, v62;
	v23 =	vadd.f32 v55, v23;
	_ =	sdelay $0x1  }
0x1ea: {  	v59 =	vadd.f32 v9, v52;
	v60 =	vmul.f32 v57, v54;
	v23 =	vadd.f32 v58, v23;
	_ =	sdelay $0x1  }
0x1eb: {  	v61 =	vmul.f32 v59, v56;
	v23 =	vadd.f32 v60, v23;
	_ =	sdelay $0x1  }
0x1ec: {  	v23 =	vadd.f32 v61, v23;
	_ =	sdelay $0x1  }
0x1ed: {  	v23 =	vmul.f32 $2.500000000e-01, v23  }
0x1ee: {  	v62 =	vld.idx.msk [tilespmem:v0+s18+$0x0], $0xffff  }
0x1ef: {  	v23 =	vmul.f32 $1.442695020e+00, v23;
	_ =	sdelay $0x1  }
0x1f0: {  	(erf) = vpow2.f32 v23;
	_ =	sdelay $0x1  }
0x1f1: {  	v23 =	vshll.u32 v62, $0x4  }
0x1f2: {  	v23 =	vand.u32 $0x70, v23  }
0x1f3: {  	v23 =	vor.u32 s1, v23  }
0x1f4: {  	v63 =	vor.u32 v7, v23;
	_ =	sdelay $0x3  }
0x1f5: {  	v23 =	vpop (erf)  }
0x1f6: {  	[tilespmem:v63+s15+$0x0] =	vst.idx.msk $0xffff, v23  }
0x1f7: {  	v29 =	vld.idx.msk [tilespmem:v27+s28+$0x0], $0xffff;
	_ =	sdelay $0x4  }
0x1f8: {  	v29 =	vadd.f32 v29, v31;
	_ =	sdelay $0x1  }
0x1f9: {  	v29 =	vmul.f32 v23, v29;
	_ =	sdelay $0x1  }
0x1fa: {  	[tilespmem:v27+s22+$0x0] =	vst.idx.msk $0xffff, v29  }
0x1fb: {  	v27 =	vld.idx.msk [tilespmem:v28+s28+$0x0], $0xffff;
	_ =	sdelay $0x4  }
0x1fc: {  	v27 =	vadd.f32 v27, v32;
	_ =	sdelay $0x1  }
0x1fd: {  	v27 =	vmul.f32 v23, v27;
	_ =	sdelay $0x1  }
0x1fe: {  	[tilespmem:v28+s22+$0x0] =	vst.idx.msk $0xffff, v27  }
0x1ff: {  	v27 =	vld.idx.msk [tilespmem:v30+s28+$0x0], $0xffff;
	_ =	sdelay $0x4  }
0x200: {  	v27 =	vadd.f32 v27, v37;
	_ =	sdelay $0x1  }
0x201: {  	v27 =	vmul.f32 v27, v23;
	_ =	sdelay $0x1  }
0x202: {  	[tilespmem:v30+s22+$0x0] =	vst.idx.msk $0xffff, v27  }
0x203: {  	v27 =	vld.idx.msk [tilespmem:v33+s28+$0x0], $0xffff;
	_ =	sdelay $0x4  }
0x204: {  	v27 =	vadd.f32 v27, v40;
	_ =	sdelay $0x1  }
0x205: {  	v27 =	vmul.f32 v27, v23;
	_ =	sdelay $0x1  }
0x206: {  	[tilespmem:v33+s22+$0x0] =	vst.idx.msk $0xffff, v27  }
0x207: {  	v27 =	vld.idx.msk [tilespmem:v38+s28+$0x0], $0xffff;
	_ =	sdelay $0x4  }
0x208: {  	v27 =	vadd.f32 v27, v46;
	_ =	sdelay $0x1  }
0x209: {  	v27 =	vmul.f32 v27, v23;
	_ =	sdelay $0x1  }
0x20a: {  	[tilespmem:v38+s22+$0x0] =	vst.idx.msk $0xffff, v27  }
0x20b: {  	v27 =	vld.idx.msk [tilespmem:v41+s28+$0x0], $0xffff;
	_ =	sdelay $0x4  }
0x20c: {  	v27 =	vadd.f32 v27, v39;
	_ =	sdelay $0x1  }
0x20d: {  	v27 =	vmul.f32 v27, v23;
	_ =	sdelay $0x1  }
0x20e: {  	[tilespmem:v41+s22+$0x0] =	vst.idx.msk $0xffff, v27  }
0x20f: {  	v27 =	vld.idx.msk [tilespmem:v45+s28+$0x0], $0xffff;
	_ =	sdelay $0x4  }
0x210: {  	v27 =	vadd.f32 v27, v42;
	_ =	sdelay $0x1  }
0x211: {  	v27 =	vmul.f32 v27, v23;
	_ =	sdelay $0x1  }
0x212: {  	[tilespmem:v45+s22+$0x0] =	vst.idx.msk $0xffff, v27  }
0x213: {  	v27 =	vld.idx.msk [tilespmem:v22+s28+$0x0], $0xffff;
	_ =	sdelay $0x4  }
0x214: {  	v26 =	vadd.f32 v27, v26;
	_ =	sdelay $0x1  }
0x215: {  	v26 =	vmul.f32 v26, v23;
	_ =	sdelay $0x1  }
0x216: {  	[tilespmem:v22+s22+$0x0] =	vst.idx.msk $0xffff, v26  }
0x217: {  	v22 =	vld.idx.msk [tilespmem:v20+s28+$0x0], $0xffff;
	_ =	sdelay $0x4  }
0x218: {  	v22 =	vadd.f32 v22, v25;
	_ =	sdelay $0x1  }
0x219: {  	v22 =	vmul.f32 v22, v23;
	_ =	sdelay $0x1  }
0x21a: {  	[tilespmem:v20+s22+$0x0] =	vst.idx.msk $0xffff, v22  }
0x21b: {  	v20 =	vld.idx.msk [tilespmem:v18+s28+$0x0], $0xffff;
	_ =	sdelay $0x4  }
0x21c: {  	v20 =	vadd.f32 v20, v24;
	_ =	sdelay $0x1  }
0x21d: {  	v20 =	vmul.f32 v20, v23;
	_ =	sdelay $0x1  }
0x21e: {  	[tilespmem:v18+s22+$0x0] =	vst.idx.msk $0xffff, v20  }
0x21f: {  	v18 =	vld.idx.msk [tilespmem:v16+s28+$0x0], $0xffff;
	_ =	sdelay $0x4  }
0x220: {  	v18 =	vadd.f32 v18, v21;
	_ =	sdelay $0x1  }
0x221: {  	v18 =	vmul.f32 v18, v23;
	_ =	sdelay $0x1  }
0x222: {  	[tilespmem:v16+s22+$0x0] =	vst.idx.msk $0xffff, v18  }
0x223: {  	v16 =	vld.idx.msk [tilespmem:v14+s28+$0x0], $0xffff;
	_ =	sdelay $0x4  }
0x224: {  	v16 =	vadd.f32 v16, v19;
	_ =	sdelay $0x1  }
0x225: {  	v16 =	vmul.f32 v16, v23;
	_ =	sdelay $0x1  }
0x226: {  	[tilespmem:v14+s22+$0x0] =	vst.idx.msk $0xffff, v16  }
0x227: {  	v14 =	vld.idx.msk [tilespmem:v12+s28+$0x0], $0xffff;
	_ =	sdelay $0x4  }
0x228: {  	v14 =	vadd.f32 v14, v17;
	_ =	sdelay $0x1  }
0x229: {  	v14 =	vmul.f32 v14, v23;
	_ =	sdelay $0x1  }
0x22a: {  	[tilespmem:v12+s22+$0x0] =	vst.idx.msk $0xffff, v14  }
0x22b: {  	v12 =	vld.idx.msk [tilespmem:v11+s28+$0x0], $0xffff;
	_ =	sdelay $0x4  }
0x22c: {  	v12 =	vadd.f32 v12, v15;
	_ =	sdelay $0x1  }
0x22d: {  	v12 =	vmul.f32 v12, v23;
	_ =	sdelay $0x1  }
0x22e: {  	[tilespmem:v11+s22+$0x0] =	vst.idx.msk $0xffff, v12  }
0x22f: {  	v11 =	vld.idx.msk [tilespmem:v10+s28+$0x0], $0xffff;
	_ =	sdelay $0x4  }
0x230: {  	v11 =	vadd.f32 v11, v13;
	_ =	sdelay $0x1  }
0x231: {  	v11 =	vmul.f32 v11, v23;
	_ =	sdelay $0x1  }
0x232: {  	[tilespmem:v10+s22+$0x0] =	vst.idx.msk $0xffff, v11  }
0x233: {  	s9 =	simm.s32 $0x1F;
	v10 =	vld.idx.msk [tilespmem:v8+s28+$0x0], $0xffff  }
.LBB2_12:
0x234: {  	p0 =	sne.s32 s9, $0x7F  }
0x235: {  	s1 =	sadd.s32 $0x1, s1;
	s0 =	smov.u32 s9;
	s9 =	sadd.s32 $0x10, s9  }
0x236: {  	_ =	sdelay $0x1  }
0x237: {  	s2 =	sadd.s32 $0xFFFFFFFF, s0;
	v12 =	vor.u32 s0, v7;
	v9 =	vadd.f32 v10, v9  }
0x238: {  	s4 =	sadd.s32 $0xFFFFFFFE, s0;
	v10 =	vor.u32 s2, v7  }
0x239: {  	v11 =	vor.u32 s4, v7;
	s2 =	sadd.s32 $0xFFFFFFFD, s0;
	v9 =	vmul.f32 v9, v23  }
0x23a: {  	s4 =	sadd.s32 $0xFFFFFFFC, s0;
	v13 =	vor.u32 s2, v7  }
0x23b: {  	v15 =	vor.u32 s4, v7;
	s2 =	sadd.s32 $0xFFFFFFFB, s0;
	[tilespmem:v8+s22+$0x0] =	vst.idx.msk $0xffff, v9;
	v8 =	vmov v12  }
0x23c: {  	s4 =	sadd.s32 $0xFFFFFFFA, s0;
	v17 =	vor.u32 s2, v7;
	v9 =	vld.idx.msk [tilespmem:v12+s22+$0x0], $0xffff  }
0x23d: {  	v19 =	vor.u32 s4, v7;
	s2 =	sadd.s32 $0xFFFFFFF9, s0;
	v12 =	vld.idx.msk [tilespmem:v10+s22+$0x0], $0xffff  }
0x23e: {  	s4 =	sadd.s32 $0xFFFFFFF8, s0;
	v21 =	vor.u32 s2, v7;
	v14 =	vld.idx.msk [tilespmem:v11+s22+$0x0], $0xffff  }
0x23f: {  	v24 =	vor.u32 s4, v7;
	s2 =	sadd.s32 $0xFFFFFFF1, s0;
	v16 =	vld.idx.msk [tilespmem:v13+s22+$0x0], $0xffff  }
0x240: {  	v35 =	vor.u32 s2, v7;
	v18 =	vld.idx.msk [tilespmem:v15+s22+$0x0], $0xffff  }
0x241: {  	s2 =	sadd.s32 $0xFFFFFFF2, s0;
	v20 =	vld.idx.msk [tilespmem:v17+s22+$0x0], $0xffff  }
0x242: {  	v33 =	vor.u32 s2, v7;
	v22 =	vld.idx.msk [tilespmem:v19+s22+$0x0], $0xffff  }
0x243: {  	v25 =	vld.idx.msk [tilespmem:v21+s22+$0x0], $0xffff  }
0x244: {  	v26 =	vld.idx.msk [tilespmem:v24+s22+$0x0], $0xffff  }
0x245: {  	s2 =	sadd.s32 $0xFFFFFFF3, s0;
	v23 =	vld.idx.msk [tilespmem:v35+s30+$0x0], $0xffff  }
0x246: {  	v31 =	vor.u32 s2, v7;
	v27 =	vld.idx.msk [tilespmem:v35+s26+$0x0], $0xffff  }
0x247: {  	s2 =	sadd.s32 $0xFFFFFFF4, s0;
	v40 =	vld.idx.msk [tilespmem:v35+s22+$0x0], $0xffff  }
0x248: {  	v30 =	vor.u32 s2, v7;
	v39 =	vld.idx.msk [tilespmem:v33+s22+$0x0], $0xffff  }
0x249: {  	v32 =	vld.idx.msk [tilespmem:v33+s26+$0x0], $0xffff  }
0x24a: {  	v34 =	vld.idx.msk [tilespmem:v33+s30+$0x0], $0xffff  }
0x24b: {  	s2 =	sadd.s32 $0xFFFFFFF5, s0;
	v41 =	vld.idx.msk [tilespmem:v31+s30+$0x0], $0xffff  }
0x24c: {  	v29 =	vor.u32 s2, v7;
	v38 =	vld.idx.msk [tilespmem:v31+s22+$0x0], $0xffff  }
0x24d: {  	s2 =	sadd.s32 $0xFFFFFFF6, s0;
	v27 =	vadd.f32 v40, v27;
	v42 =	vld.idx.msk [tilespmem:v31+s26+$0x0], $0xffff  }
0x24e: {  	v28 =	vor.u32 s2, v7;
	v36 =	vld.idx.msk [tilespmem:v30+s22+$0x0], $0xffff  }
0x24f: {  	v23 =	vmul.f32 v27, v23;
	v27 =	vadd.f32 v39, v32;
	v32 =	vld.idx.msk [tilespmem:v30+s26+$0x0], $0xffff  }
0x250: {  	s0 =	sadd.s32 $0xFFFFFFF7, s0;
	v43 =	vld.idx.msk [tilespmem:v30+s30+$0x0], $0xffff  }
0x251: {  	v23 =	vadd.f32 $0.0e+00, v23;
	v34 =	vmul.f32 v27, v34;
	v27 =	vor.u32 s0, v7;
	v44 =	vld.idx.msk [tilespmem:v29+s30+$0x0], $0xffff  }
0x252: {  	v37 =	vld.idx.msk [tilespmem:v29+s22+$0x0], $0xffff  }
0x253: {  	v23 =	vadd.f32 v34, v23;
	v34 =	vadd.f32 v38, v42;
	v42 =	vld.idx.msk [tilespmem:v28+s30+$0x0], $0xffff  }
0x254: {  	v45 =	vld.idx.msk [tilespmem:v29+s26+$0x0], $0xffff  }
0x255: {  	v41 =	vmul.f32 v34, v41;
	v32 =	vadd.f32 v36, v32;
	v34 =	vld.idx.msk [tilespmem:v28+s22+$0x0], $0xffff  }
0x256: {  	v46 =	vld.idx.msk [tilespmem:v28+s26+$0x0], $0xffff  }
0x257: {  	v23 =	vadd.f32 v41, v23;
	v41 =	vmul.f32 v32, v43;
	v43 =	vld.idx.msk [tilespmem:v27+s26+$0x0], $0xffff  }
0x258: {  	v32 =	vld.idx.msk [tilespmem:v27+s22+$0x0], $0xffff  }
0x259: {  	v23 =	vadd.f32 v41, v23;
	v41 =	vld.idx.msk [tilespmem:v27+s30+$0x0], $0xffff  }
0x25a: {  	v45 =	vadd.f32 v37, v45;
	v47 =	vld.idx.msk [tilespmem:v24+s26+$0x0], $0xffff  }
0x25b: {  	v48 =	vld.idx.msk [tilespmem:v21+s26+$0x0], $0xffff  }
0x25c: {  	v44 =	vmul.f32 v45, v44;
	v45 =	vadd.f32 v34, v46;
	v46 =	vld.idx.msk [tilespmem:v24+s30+$0x0], $0xffff  }
0x25d: {  	v49 =	vld.idx.msk [tilespmem:v19+s26+$0x0], $0xffff  }
0x25e: {  	v23 =	vadd.f32 v44, v23;
	v42 =	vmul.f32 v45, v42;
	v43 =	vadd.f32 v32, v43;
	v44 =	vld.idx.msk [tilespmem:v21+s30+$0x0], $0xffff  }
0x25f: {  	v45 =	vld.idx.msk [tilespmem:v17+s26+$0x0], $0xffff  }
0x260: {  	v23 =	vadd.f32 v42, v23;
	v41 =	vmul.f32 v43, v41;
	v42 =	vadd.f32 v26, v47;
	v43 =	vld.idx.msk [tilespmem:v19+s30+$0x0], $0xffff  }
0x261: {  	v47 =	vadd.f32 v25, v48;
	v48 =	vld.idx.msk [tilespmem:v15+s26+$0x0], $0xffff  }
0x262: {  	v23 =	vadd.f32 v41, v23;
	v41 =	vmul.f32 v42, v46;
	v42 =	vld.idx.msk [tilespmem:v17+s30+$0x0], $0xffff  }
0x263: {  	v46 =	vadd.f32 v22, v49;
	v49 =	vld.idx.msk [tilespmem:v13+s26+$0x0], $0xffff  }
0x264: {  	v23 =	vadd.f32 v41, v23;
	v41 =	vmul.f32 v47, v44;
	v44 =	vld.idx.msk [tilespmem:v15+s30+$0x0], $0xffff  }
0x265: {  	v45 =	vadd.f32 v20, v45;
	v47 =	vld.idx.msk [tilespmem:v11+s26+$0x0], $0xffff  }
0x266: {  	v23 =	vadd.f32 v41, v23;
	v41 =	vmul.f32 v46, v43;
	v43 =	vld.idx.msk [tilespmem:v13+s30+$0x0], $0xffff  }
0x267: {  	v46 =	vadd.f32 v18, v48;
	v48 =	vld.idx.msk [tilespmem:v10+s26+$0x0], $0xffff  }
0x268: {  	v23 =	vadd.f32 v41, v23;
	v41 =	vmul.f32 v45, v42;
	v42 =	vld.idx.msk [tilespmem:v11+s30+$0x0], $0xffff  }
0x269: {  	v45 =	vadd.f32 v16, v49;
	v49 =	vld.idx.msk [tilespmem:v8+s26+$0x0], $0xffff  }
0x26a: {  	v23 =	vadd.f32 v41, v23;
	v41 =	vmul.f32 v46, v44;
	v44 =	vld.idx.msk [tilespmem:v10+s30+$0x0], $0xffff  }
0x26b: {  	v46 =	vadd.f32 v14, v47  }
0x26c: {  	v23 =	vadd.f32 v41, v23;
	v41 =	vmul.f32 v45, v43;
	v43 =	vld.idx.msk [tilespmem:v8+s30+$0x0], $0xffff  }
0x26d: {  	v45 =	vadd.f32 v12, v48  }
0x26e: {  	v23 =	vadd.f32 v41, v23;
	v41 =	vmul.f32 v46, v42  }
0x26f: {  	v42 =	vadd.f32 v9, v49  }
0x270: {  	v23 =	vadd.f32 v41, v23;
	v41 =	vmul.f32 v45, v44;
	_ =	sdelay $0x1  }
0x271: {  	v23 =	vadd.f32 v41, v23;
	v41 =	vmul.f32 v42, v43;
	_ =	sdelay $0x1  }
0x272: {  	v23 =	vadd.f32 v41, v23;
	_ =	sdelay $0x1  }
0x273: {  	v23 =	vmul.f32 $2.500000000e-01, v23;
	v41 =	vld.idx.msk [tilespmem:v0+s18+$0x0], $0xffff;
	_ =	sdelay $0x1  }
0x274: {  	v23 =	vmul.f32 $1.442695020e+00, v23;
	_ =	sdelay $0x1  }
0x275: {  	(erf) = vpow2.f32 v23;
	_ =	sdelay $0x1  }
0x276: {  	v23 =	vshll.u32 v41, $0x4  }
0x277: {  	v23 =	vand.u32 $0x70, v23  }
0x278: {  	v23 =	vor.u32 s1, v23  }
0x279: {  	v41 =	vor.u32 v7, v23;
	_ =	sdelay $0x3  }
0x27a: {  	v23 =	vpop (erf)  }
0x27b: {  	[tilespmem:v41+s15+$0x0] =	vst.idx.msk $0xffff, v23  }
0x27c: {  	v41 =	vld.idx.msk [tilespmem:v35+s28+$0x0], $0xffff;
	_ =	sdelay $0x5  }
0x27d: {  	v40 =	vadd.f32 v41, v40;
	_ =	sdelay $0x1  }
0x27e: {  	v40 =	vmul.f32 v23, v40;
	_ =	sdelay $0x1  }
0x27f: {  	[tilespmem:v35+s22+$0x0] =	vst.idx.msk $0xffff, v40  }
0x280: {  	v35 =	vld.idx.msk [tilespmem:v33+s28+$0x0], $0xffff;
	_ =	sdelay $0x5  }
0x281: {  	v35 =	vadd.f32 v35, v39;
	_ =	sdelay $0x1  }
0x282: {  	v35 =	vmul.f32 v23, v35;
	_ =	sdelay $0x1  }
0x283: {  	[tilespmem:v33+s22+$0x0] =	vst.idx.msk $0xffff, v35  }
0x284: {  	v33 =	vld.idx.msk [tilespmem:v31+s28+$0x0], $0xffff;
	_ =	sdelay $0x5  }
0x285: {  	v33 =	vadd.f32 v33, v38;
	_ =	sdelay $0x1  }
0x286: {  	v33 =	vmul.f32 v33, v23;
	_ =	sdelay $0x1  }
0x287: {  	[tilespmem:v31+s22+$0x0] =	vst.idx.msk $0xffff, v33  }
0x288: {  	v31 =	vld.idx.msk [tilespmem:v30+s28+$0x0], $0xffff;
	_ =	sdelay $0x5  }
0x289: {  	v31 =	vadd.f32 v31, v36;
	_ =	sdelay $0x1  }
0x28a: {  	v31 =	vmul.f32 v31, v23;
	_ =	sdelay $0x1  }
0x28b: {  	[tilespmem:v30+s22+$0x0] =	vst.idx.msk $0xffff, v31  }
0x28c: {  	v30 =	vld.idx.msk [tilespmem:v29+s28+$0x0], $0xffff;
	_ =	sdelay $0x5  }
0x28d: {  	v30 =	vadd.f32 v30, v37;
	_ =	sdelay $0x1  }
0x28e: {  	v30 =	vmul.f32 v30, v23;
	_ =	sdelay $0x1  }
0x28f: {  	[tilespmem:v29+s22+$0x0] =	vst.idx.msk $0xffff, v30  }
0x290: {  	v29 =	vld.idx.msk [tilespmem:v28+s28+$0x0], $0xffff;
	_ =	sdelay $0x5  }
0x291: {  	v29 =	vadd.f32 v29, v34;
	_ =	sdelay $0x1  }
0x292: {  	v29 =	vmul.f32 v29, v23;
	_ =	sdelay $0x1  }
0x293: {  	[tilespmem:v28+s22+$0x0] =	vst.idx.msk $0xffff, v29  }
0x294: {  	v28 =	vld.idx.msk [tilespmem:v27+s28+$0x0], $0xffff;
	_ =	sdelay $0x5  }
0x295: {  	v28 =	vadd.f32 v28, v32;
	_ =	sdelay $0x1  }
0x296: {  	v28 =	vmul.f32 v28, v23;
	_ =	sdelay $0x1  }
0x297: {  	[tilespmem:v27+s22+$0x0] =	vst.idx.msk $0xffff, v28  }
0x298: {  	v27 =	vld.idx.msk [tilespmem:v24+s28+$0x0], $0xffff;
	_ =	sdelay $0x5  }
0x299: {  	v26 =	vadd.f32 v27, v26;
	_ =	sdelay $0x1  }
0x29a: {  	v26 =	vmul.f32 v26, v23;
	_ =	sdelay $0x1  }
0x29b: {  	[tilespmem:v24+s22+$0x0] =	vst.idx.msk $0xffff, v26  }
0x29c: {  	v24 =	vld.idx.msk [tilespmem:v21+s28+$0x0], $0xffff;
	_ =	sdelay $0x5  }
0x29d: {  	v24 =	vadd.f32 v24, v25;
	_ =	sdelay $0x1  }
0x29e: {  	v24 =	vmul.f32 v24, v23;
	_ =	sdelay $0x1  }
0x29f: {  	[tilespmem:v21+s22+$0x0] =	vst.idx.msk $0xffff, v24  }
0x2a0: {  	v21 =	vld.idx.msk [tilespmem:v19+s28+$0x0], $0xffff;
	_ =	sdelay $0x5  }
0x2a1: {  	v21 =	vadd.f32 v21, v22;
	_ =	sdelay $0x1  }
0x2a2: {  	v21 =	vmul.f32 v21, v23;
	_ =	sdelay $0x1  }
0x2a3: {  	[tilespmem:v19+s22+$0x0] =	vst.idx.msk $0xffff, v21  }
0x2a4: {  	v19 =	vld.idx.msk [tilespmem:v17+s28+$0x0], $0xffff;
	_ =	sdelay $0x5  }
0x2a5: {  	v19 =	vadd.f32 v19, v20;
	_ =	sdelay $0x1  }
0x2a6: {  	v19 =	vmul.f32 v19, v23;
	_ =	sdelay $0x1  }
0x2a7: {  	[tilespmem:v17+s22+$0x0] =	vst.idx.msk $0xffff, v19  }
0x2a8: {  	v17 =	vld.idx.msk [tilespmem:v15+s28+$0x0], $0xffff;
	_ =	sdelay $0x5  }
0x2a9: {  	v17 =	vadd.f32 v17, v18;
	_ =	sdelay $0x1  }
0x2aa: {  	v17 =	vmul.f32 v17, v23;
	_ =	sdelay $0x1  }
0x2ab: {  	[tilespmem:v15+s22+$0x0] =	vst.idx.msk $0xffff, v17  }
0x2ac: {  	v15 =	vld.idx.msk [tilespmem:v13+s28+$0x0], $0xffff;
	_ =	sdelay $0x5  }
0x2ad: {  	v15 =	vadd.f32 v15, v16;
	_ =	sdelay $0x1  }
0x2ae: {  	v15 =	vmul.f32 v15, v23;
	_ =	sdelay $0x1  }
0x2af: {  	[tilespmem:v13+s22+$0x0] =	vst.idx.msk $0xffff, v15  }
0x2b0: {  	v13 =	vld.idx.msk [tilespmem:v11+s28+$0x0], $0xffff;
	_ =	sdelay $0x5  }
0x2b1: {  	v13 =	vadd.f32 v13, v14;
	_ =	sdelay $0x1  }
0x2b2: {  	v13 =	vmul.f32 v13, v23;
	_ =	sdelay $0x1  }
0x2b3: {  	[tilespmem:v11+s22+$0x0] =	vst.idx.msk $0xffff, v13  }
0x2b4: {  	v11 =	vld.idx.msk [tilespmem:v10+s28+$0x0], $0xffff;
	_ =	sdelay $0x5  }
0x2b5: {  	v11 =	vadd.f32 v11, v12  }
.Ltmp5:
0x2b6: {  	(pc) =	sbr.rel @p0 .LBB2_12-.Ltmp5, $3  }
0x2b7: {  	v11 =	vmul.f32 v11, v23;
	_ =	sdelay $0x1  }
0x2b8: {  	[tilespmem:v10+s22+$0x0] =	vst.idx.msk $0xffff, v11  }
0x2b9: {  	v10 =	vld.idx.msk [tilespmem:v8+s28+$0x0], $0xffff  }
0x2ba: {  	_ =	sdelay $0x3  }
0x2bb: {  	v9 =	vadd.f32 v10, v9;
	_ =	sdelay $0x1  }
0x2bc: {  	v9 =	vmul.f32 v9, v23;
	_ =	sdelay $0x1  }
0x2bd: {  	[tilespmem:v8+s22+$0x0] =	vst.idx.msk $0xffff, v9  }
0x2be: {  	[spmem:s3] =	stream.indirect.scatter.add.f32 [tilespmem:s22], [sflag:$0x5], $0x80, s18, s10, $0xb8;
	[tilespmem:$0x1BF80] =	vst v63  }
0x2bf: {  	s0 =	simm.s32 $0x280  }
0x2c0: {  	[spmem:s13] =	stream.indirect.scatter.add.f32 [tilespmem:s15], [sflag:$0x6], $0x80, s0, s10, $0xb8;
	[tilespmem:$0x1BF80] =	vst v63  }
0x2c1: {  	_ =	swait.ge [sflag:s23], $0x800  }
0x2c2: {  	[sflag:s23] =	ssyncset.done $0x0  }
0x2c3: {  	s31 =	simm.s32 $0x5;
	[sflag:s23] =	ssyncadd.s32 $0xFFFFF800  }
0x2c4: {  	_ =	swait.ge [sflag:s31], $0x800  }
0x2c5: {  	[sflag:s31] =	ssyncset.done $0x0  }
0x2c6: {  	[sflag:s31] =	ssyncadd.s32 $0xFFFFF800  }
0x2c7: {  	s1 =	simm.s32 $0x1;
	s0 =	simm.s32 $0x0;
	v8 =	vld.idx.msk [tilespmem:v0+s18+$0x0], $0xffff  }
.LBB2_14:
0x2c8: {  	p0 =	sne.s32 s1, $0x7;
	_ =	sdelay $0x4  }
0x2c9: {  	v8 =	vshll.u32 v8, $0x4  }
0x2ca: {  	v8 =	vand.u32 $0x70, v8  }
0x2cb: {  	v8 =	vor.u32 s0, v8;
	s0 =	smov.u32 s1  }
0x2cc: {  	v8 =	vor.u32 v7, v8;
	_ =	sdelay $0x1  }
.Ltmp6:
0x2cd: {  	(pc) =	sbr.rel @p0 .LBB2_14-.Ltmp6, $3  }
0x2ce: {  	_ =	sdelay $0x1  }
0x2cf: {  	[tilespmem:v8+s15+$0x0] =	vst.idx.msk $0xffff, v6  }
0x2d0: {  	s1 =	sadd.s32 $0x1, s1;
	v8 =	vld.idx.msk [tilespmem:v0+s18+$0x0], $0xffff  }
0x2d1: {  	_ =	sdelay $0x3  }
0x2d2: {  	v8 =	vshll.u32 v8, $0x4  }
0x2d3: {  	v8 =	vand.u32 $0x70, v8  }
0x2d4: {  	v8 =	vor.u32 s0, v8  }
0x2d5: {  	v8 =	vor.u32 v7, v8;
	_ =	sdelay $0x4  }
0x2d6: {  	[tilespmem:v8+s15+$0x0] =	vst.idx.msk $0xffff, v6  }
0x2d7: {  	[bflag:$0x0] =	sbarrier.arrive $0xFFFF  }
0x2d8: {  	s2 =	rddreg [dreg:$0xe]  }
0x2d9: {  	v8 =	vor.u32 s2, v0;
	s31 =	sadd.s32 $0xFFFFFFF0, s2  }
0x2da: {  	v9 =	vor.u32 s31, v0;
	[tilespmem:$0x5690] =	vst v8  }
0x2db: {  	[tilespmem:$0x5680] =	vst v9  }
0x2dc: {  	[tilespmem:s22], [sflag:$0x6] =	stream.indirect.gather [spmem:s3], $0x80, s21, s20, $0xb8;
	[tilespmem:$0x1BF80] =	vst v63  }
0x2dd: {  	_ =	swait.ge [sflag:s23], $0x1000  }
0x2de: {  	[sflag:s23] =	ssyncset.done $0x0  }
0x2df: {  	s1 =	sadd.s32 $0x0, s17;
	s0 =	simm.s32 $0x0;
	[sflag:s23] =	ssyncadd.s32 $0xFFFFF000  }
0x2e0: {  	[hbm4b:s1+s0] =	stream.linear.scatter [tilespmem:s22], [sflag:$0x6], $0x1000, $0x38;
	[tilespmem:$0x1BF80] =	vst v63  }
0x2e1: {  	s7 =	sadd.s32 $0x20, s2;
	s2 =	simm.s32 $0x400;
	_ =	swait.ge [sflag:s23], $0x1000  }
0x2e2: {  	v8 =	vor.u32 s7, v0;
	s6 =	sadd.s32 $0x20, s7;
	s1 =	simm.s32 $0x200;
	[sflag:s23] =	ssyncset.done $0x0  }
.LBB2_16:
0x2e3: {  	v9 =	vor.u32 s6, v0;
	p0 =	sne.s32 s2, $0x2600;
	s4 =	sadd.s32 $0xFFFFFFF0, s7;
	[sflag:s23] =	ssyncadd.s32 $0xFFFFF000  }
0x2e4: {  	s7 =	smov.u32 s6;
	v10 =	vor.u32 s4, v0;
	[tilespmem:$0x5690] =	vst v8;
	v8 =	vmov v9;
	s4 =	smov.u32 s2;
	s2 =	sadd.s32 $0x200, s2  }
0x2e5: {  	[tilespmem:$0x5680] =	vst v10  }
0x2e6: {  	[tilespmem:s22], [sflag:$0x6] =	stream.indirect.gather [spmem:s3], $0x80, s21, s20, $0xb8;
	[tilespmem:$0x1BF80] =	vst v63  }
0x2e7: {  	_ =	swait.ge [sflag:s23], $0x1000  }
.Ltmp7:
0x2e8: {  	[sflag:s23] =	ssyncset.done $0x0;
	(pc) =	sbr.rel @p0 .LBB2_16-.Ltmp7, $4  }
0x2e9: {  	s5 =	sadd.s32 s1, s17;
	s1 =	smov.u32 s4;
	[sflag:s23] =	ssyncadd.s32 $0xFFFFF000  }
0x2ea: {  	[hbm4b:s5+s0] =	stream.linear.scatter [tilespmem:s22], [sflag:$0x6], $0x1000, $0x38;
	[tilespmem:$0x1BF80] =	vst v63  }
0x2eb: {  	_ =	swait.ge [sflag:s23], $0x1000  }
0x2ec: {  	s6 =	sadd.s32 $0x20, s6;
	[sflag:s23] =	ssyncset.done $0x0  }
0x2ed: {  	s2 =	sadd.s32 $0xFFFFFFF0, s7;
	[sflag:s23] =	ssyncadd.s32 $0xFFFFF000  }
0x2ee: {  	v9 =	vor.u32 s2, v0;
	[tilespmem:$0x5690] =	vst v8  }
0x2ef: {  	[tilespmem:$0x5680] =	vst v9  }
0x2f0: {  	[tilespmem:s22], [sflag:$0x6] =	stream.indirect.gather [spmem:s3], $0x80, s21, s20, $0xb8;
	[tilespmem:$0x1BF80] =	vst v63  }
0x2f1: {  	_ =	swait.ge [sflag:s23], $0x1000  }
0x2f2: {  	[sflag:s23] =	ssyncset.done $0x0  }
0x2f3: {  	s1 =	sadd.s32 s1, s17;
	[sflag:s23] =	ssyncadd.s32 $0xFFFFF000  }
0x2f4: {  	[hbm4b:s1+s0] =	stream.linear.scatter [tilespmem:s22], [sflag:$0x6], $0x1000, $0x38;
	[tilespmem:$0x1BF80] =	vst v63  }
0x2f5: {  	_ =	swait.ge [sflag:s23], $0x1000  }
0x2f6: {  	s31 =	sadd.s32 $0x0, s12;
	[sflag:s23] =	ssyncset.done $0x0  }
0x2f7: {  	v8 =	vor.u32 s31, v0;
	[sflag:s23] =	ssyncadd.s32 $0xFFFFF000  }
0x2f8: {  	s7 =	simm.s32 $0x5700;
	[tilespmem:$0x5700] =	vst v8  }
0x2f9: {  	[tilespmem:s15], [sflag:$0x6] =	stream.indirect.gather [spmem:s13], $0x80, s7, s10, $0xb8;
	[tilespmem:$0x1BF80] =	vst v63  }
0x2fa: {  	_ =	swait.ge [sflag:s23], $0x800  }
0x2fb: {  	[sflag:s23] =	ssyncset.done $0x0  }
0x2fc: {  	s5 =	simm.s32 $0x0;
	s0 =	rddreg [dreg:$0xf];
	[sflag:s23] =	ssyncadd.s32 $0xFFFFF800  }
0x2fd: {  	[hbm4b:s0+s5] =	stream.linear.scatter [tilespmem:s15], [sflag:$0x6], $0x800, $0x38;
	[tilespmem:$0x1BF80] =	vst v63  }
0x2fe: {  	_ =	swait.ge [sflag:s23], $0x800  }
0x2ff: {  	s2 =	sadd.s32 $0x10, s12;
	s1 =	simm.s32 $0x20;
	[sflag:s23] =	ssyncset.done $0x0  }
.LBB2_18:
0x300: {  	[sflag:s23] =	ssyncadd.s32 $0xFFFFF800  }
0x301: {  	v8 =	vor.u32 s2, v0;
	s0 =	sadd.s32 $0x100, s0;
	s2 =	smov.u32 s1;
	s4 =	sadd.s32 $0x10, s1  }
0x302: {  	p0 =	sne.s32 s1, $0x40;
	[tilespmem:$0x5700] =	vst v8  }
0x303: {  	[tilespmem:s15], [sflag:$0x6] =	stream.indirect.gather [spmem:s13], $0x80, s7, s10, $0xb8;
	[tilespmem:$0x1BF80] =	vst v63  }
0x304: {  	_ =	swait.ge [sflag:s23], $0x800  }
.Ltmp8:
0x305: {  	[sflag:s23] =	ssyncset.done $0x0;
	(pc) =	sbr.rel @p0 .LBB2_18-.Ltmp8, $4  }
0x306: {  	[sflag:s23] =	ssyncadd.s32 $0xFFFFF800  }
0x307: {  	[hbm4b:s0+s5] =	stream.linear.scatter [tilespmem:s15], [sflag:$0x6], $0x800, $0x38;
	[tilespmem:$0x1BF80] =	vst v63  }
0x308: {  	_ =	swait.ge [sflag:s23], $0x800  }
0x309: {  	s2 =	sadd.s32 s2, s12;
	s1 =	smov.u32 s4;
	[sflag:s23] =	ssyncset.done $0x0  }
0x30a: {  	v8 =	vor.u32 s2, v0;
	[sflag:s23] =	ssyncadd.s32 $0xFFFFF800  }
0x30b: {  	[tilespmem:$0x5700] =	vst v8  }
0x30c: {  	[tilespmem:s15], [sflag:$0x6] =	stream.indirect.gather [spmem:s13], $0x80, s7, s10, $0xb8;
	[tilespmem:$0x1BF80] =	vst v63  }
0x30d: {  	_ =	swait.ge [sflag:s23], $0x800  }
0x30e: {  	[sflag:s23] =	ssyncset.done $0x0  }
0x30f: {  	s0 =	sadd.s32 $0x100, s0;
	[sflag:s23] =	ssyncadd.s32 $0xFFFFF800  }
0x310: {  	[hbm4b:s0+s5] =	stream.linear.scatter [tilespmem:s15], [sflag:$0x6], $0x800, $0x38;
	[tilespmem:$0x1BF80] =	vst v63  }
0x311: {  	_ =	swait.ge [sflag:s23], $0x800  }
0x312: {  	s1 =	rddreg [dreg:$0x10]  }
0x313: {  	s31 =	rddreg [dreg:$0xd];
	s1 =	sadd.s32 $0x1, s1  }
0x314: {  	p0 =	sne.s32 s1, s31  }
.Ltmp9:
0x315: {  	_ = 	snop;
	(pc) =	sbr.rel @p0 .LBB2_1-.Ltmp9, $3  }
0x316: {  	_ =	sdelay $0x1  }
0x317: {  	[sflag:s23] =	ssyncset.done $0x0  }
0x318: {  	[sflag:s23] =	ssyncadd.s32 $0xFFFFF800  }
0x319: {  	_ =	sfence.sel $0x180000  }
0x31a: {  	[bflag:$0x0] =	sbarrier.arrive $0xFFFF  }
0x31b: {  	_ =	strace $0x90000047  }
0x31c: {  	s0 =	stileid.u32;
	[bflag:$0x2] =	sbarrier.arrive $0xFFFF  }
0x31d: {  	p0 =	sne.s32 s0, $0x0;
	s0 =	rddreg [dreg:$0x4]  }
0x31e: {  	s0 =	sadd.s32 @!p0 $0x100000, s0  }
0x31f: {  	[sflag:s0] =	ssyncadd.tile.s32 @!p0 $0x1;
	_ =	shalt  }
.Lfunc_end2:
_tile_overlayer_lowered:
.L_overlay_start_2:
0x320: {  	(tag) =	ssettag $0x2  }
0x321: {  	s0 =	rddreg [dreg:$0x0];
	s2 =	stileid.u32  }
0x322: {  	s1 =	rddreg [dreg:$0x1];
	p0 =	sne.s32 s2, $0x0  }
0x323: {  	s3 =	rddreg [dreg:$0x2];
	[bflag:$0x3] =	sbarrier.arrive $0xFFFF;
	s2 =	simm.s32 @!p0 $0x1C06  }
0x324: {  	[timem:s3], [sflag:s2] =	dma.local @!p0 [hbm:s0], s1  }
0x325: {  	s0 =	simm.s32 @!p0 $0x6  }
0x326: {  	_ =	swait.ge @!p0 [sflag:s0], s1  }
0x327: {  	s1 =	ssub.s32 @!p0 $0x0, s1;
	[sflag:s0] =	ssyncset.done @!p0 $0x0  }
0x328: {  	[sflag:s0] =	ssyncadd.s32 @!p0 s1  }
0x329: {  	[bflag:$0x3] =	sbarrier.arrive $0xFFFF  }
0x32a: {  	_ =	shalt  }

</sc_bundles>
